<compile_context>
chip_gen: v7x
topology: tpu7x:2x2x1
jax: 0.10.2.dev20260603
libtpu: 0.0.44.dev20260713+nightly
codegen_flags: <defaults>
</compile_context>

<pallas_src>
import jax
import jax.numpy as jnp
from jax import lax
from jax.experimental import pallas as pl
from jax.experimental.pallas import tpu as pltpu
from jax.experimental.pallas import tpu_sc as plsc

_BM = 400
_DCOL = 50
_SCOL = 51
_SUB = 80
_CH = 400
_NT = 16
_NC = 2
_QS = 8400
_NPH = 3
_N = 50000
_E = 800000
_WCK = 200


def _enc_body(x_ref, w1_ref, b1_ref, w2_ref, b2_ref, wgp_ref, qd_ref,
              hg_ref, sd_ref):
    x = x_ref[...]
    h = jnp.maximum(x @ w1_ref[...] + b1_ref[...], 0.0)
    h = jnp.maximum(h @ w2_ref[...] + b2_ref[...], 0.0)
    hg = h @ wgp_ref[...]
    marker = (lax.broadcasted_iota(jnp.int32, (1, hg.shape[1]), 1) == _DCOL)
    hg_ref[...] = hg + jnp.where(marker, 1.0, 0.0)
    sd_ref[...] = jnp.sum(h * qd_ref[...], axis=1, keepdims=True)


def _encoder(x, w1, b1, w2, b2, wgp, qd):
    n, d_in = x.shape
    d1, d2 = w1.shape[1], w2.shape[1]
    grid = n // _BM
    full = lambda i: (0, 0)
    row = lambda i: (i, 0)
    return pl.pallas_call(
        _enc_body,
        grid=(grid,),
        in_specs=[
            pl.BlockSpec((_BM, d_in), row),
            pl.BlockSpec((d_in, d1), full),
            pl.BlockSpec((1, d1), full),
            pl.BlockSpec((d1, d2), full),
            pl.BlockSpec((1, d2), full),
            pl.BlockSpec((d2, 128), full),
            pl.BlockSpec((1, d2), full),
        ],
        out_specs=[
            pl.BlockSpec((_BM, 128), row),
            pl.BlockSpec((_BM, 1), row),
        ],
        out_shape=[
            jax.ShapeDtypeStruct((n, 128), jnp.float32),
            jax.ShapeDtypeStruct((n, 1), jnp.float32),
        ],
    )(x, w1, b1, w2, b2, wgp, qd)


def _sc_edge_call(src1, dst1, sdst_pad, hg128):
    n = hg128.shape[0]
    e = src1.shape[0]
    assert n == _N and e == _E
    ept = e // _NT
    chunks = ept // _CH

    mesh = plsc.VectorSubcoreMesh(core_axis_name="c", subcore_axis_name="s",
                                  num_cores=_NC, num_subcores=_NT)

    def body(src_h, dst_h, sd_h, hg_h, x_h,
             sdq, se_v, de_v, csrc, cdl, cdst2, rows_v, xacc, sem):
        c = lax.axis_index("c")
        s = lax.axis_index("s")
        zero16 = jnp.zeros((16,), jnp.float32)

        def _zrow(i, _):
            for hh in range(8):
                rows_v[i, pl.ds(16 * hh, 16)] = zero16
            return 0
        lax.fori_loop(0, _WCK, _zrow, 0)

        nwc = _QS // _WCK
        wsteps = (nwc + _NT - 1) // _NT

        def phase(ph, _):
            q = _NPH * c + ph
            lo = q * _QS
            hi = jnp.minimum(lo + _QS, n)

            def _zb(k, _):
                cid = _NT * k + s

                @pl.when(cid < nwc)
                def _():
                    off = pl.multiple_of(cid * _WCK, 8)
                    pltpu.sync_copy(rows_v.at[pl.ds(0, _WCK)],
                                    xacc.at[pl.ds(off, _WCK)])
                return 0
            lax.fori_loop(0, wsteps, _zb, 0)
            pltpu.sync_copy(sd_h.at[pl.ds(pl.multiple_of(lo, 8), _QS)], sdq)
            plsc.subcore_barrier()

            def chunk(k, _):
                ebase = pl.multiple_of(s * ept + k * _CH, 8)
                pltpu.sync_copy(src_h.at[pl.ds(ebase, _CH)], se_v)
                pltpu.sync_copy(dst_h.at[pl.ds(ebase, _CH)], de_v)
                off = jnp.int32(0)
                for i in range(_CH // 16):
                    dv = de_v[pl.ds(16 * i, 16)]
                    sv = se_v[pl.ds(16 * i, 16)]
                    m = (dv >= lo) & (dv < hi)
                    plsc.store_compressed(csrc.at[pl.ds(off, 16)], sv, mask=m)
                    plsc.store_compressed(cdl.at[pl.ds(off, 16)], dv - lo, mask=m)
                    off = off + plsc.all_reduce_population_count(m)[0]
                ztrash = jnp.full((16,), _QS, jnp.int32)
                zidx = jnp.zeros((16,), jnp.int32)
                for t in range(_SUB // 16):
                    csrc[pl.ds(off + 16 * t, 16)] = zidx
                    cdl[pl.ds(off + 16 * t, 16)] = ztrash

                def group(g, _):
                    @pl.when(_SUB * g < off)
                    def _():
                        gb = pl.multiple_of(_SUB * g, 8)
                        for b in range(_SUB // 16):
                            cdst2[0, pl.ds(16 * b, 16)] = (
                                cdl[pl.ds(gb + 16 * b, 16)])
                        pltpu.async_copy(hg_h.at[csrc.at[pl.ds(gb, _SUB)]],
                                         rows_v.at[pl.ds(gb, _SUB)],
                                         sem).wait()

                        def scale16(b, _):
                            rbase = gb + 16 * b
                            rid = (lax.broadcasted_iota(jnp.int32, (16,), 0)
                                   + rbase)
                            ssv = plsc.load_gather(
                                rows_v, [rid, jnp.full((16,), _SCOL,
                                                       jnp.int32)])
                            dlv = cdl[pl.ds(rbase, 16)]
                            sdv = plsc.load_gather(sdq, [dlv])
                            v = ssv + sdv
                            v = jnp.where(v > 0, v, 0.2 * v)
                            w = jnp.exp(jnp.minimum(v, 60.0))
                            for t in range(16):
                                wr = w[t]
                                rr = rbase + t
                                for hh in range(4):
                                    sl = pl.ds(16 * hh, 16)
                                    rows_v[rr, sl] = rows_v[rr, sl] * wr
                            return 0
                        lax.fori_loop(0, _SUB // 16, scale16, 0)
                        pltpu.sync_copy(rows_v.at[pl.ds(gb, _SUB)],
                                        xacc.at[cdst2.at[0]], add=True)
                    return 0
                lax.fori_loop(0, _CH // _SUB, group, 0)
                return 0

            lax.fori_loop(0, chunks, chunk, 0)
            plsc.subcore_barrier()

            def _wb(k, _):
                cid = _NT * k + s

                @pl.when((cid < nwc) & (lo + cid * _WCK < hi))
                def _():
                    loc = pl.multiple_of(cid * _WCK, 8)
                    pltpu.sync_copy(xacc.at[pl.ds(loc, _WCK)],
                                    rows_v.at[pl.ds(0, _WCK)])
                    pltpu.sync_copy(
                        rows_v.at[pl.ds(0, _WCK)],
                        x_h.at[pl.ds(pl.multiple_of(lo + loc, 8), _WCK)])
                return 0
            lax.fori_loop(0, wsteps, _wb, 0)
            plsc.subcore_barrier()

            lax.fori_loop(0, _WCK, _zrow, 0)
            return 0

        lax.fori_loop(0, _NPH, phase, 0)

    call = pl.kernel(
        body,
        out_type=[jax.ShapeDtypeStruct((n, 128), jnp.float32)],
        mesh=mesh,
        compiler_params=pltpu.CompilerParams(needs_layout_passes=False),
        scratch_types=[
            pltpu.VMEM((_QS,), jnp.float32),
            pltpu.VMEM((_CH,), jnp.int32),
            pltpu.VMEM((_CH,), jnp.int32),
            pltpu.VMEM((_CH + _SUB,), jnp.int32),
            pltpu.VMEM((_CH + _SUB,), jnp.int32),
            pltpu.VMEM((1, _SUB), jnp.int32),
            pltpu.VMEM((_CH, 128), jnp.float32),
            pltpu.VMEM_SHARED((_QS + 8, 128), jnp.float32),
            pltpu.SemaphoreType.DMA,
        ],
    )
    (x128,) = call(src1, dst1, sdst_pad, hg128)
    return x128


_LANCZOS_G = 7.0
_LANCZOS_C = (
    0.99999999999980993, 676.5203681218851, -1259.1392167224028,
    771.32342877765313, -176.61502916214059, 12.507343278686905,
    -0.13857109526572012, 9.9843695780195716e-6, 1.5056327351493116e-7,
)
_HALF_LOG_2PI = 0.9189385332046727


def _lgamma(x):
    small = x < 0.5
    xs = jnp.where(small, x + 1.0, x)
    z = xs - 1.0
    acc = jnp.full_like(z, _LANCZOS_C[0])
    for i, ci in enumerate(_LANCZOS_C[1:], start=1):
        acc = acc + ci / (z + float(i))
    t = z + _LANCZOS_G + 0.5
    lg = _HALF_LOG_2PI + (z + 0.5) * jnp.log(t) - t + jnp.log(acc)
    return jnp.where(small, lg - jnp.log(x), lg)


def _softplus(x):
    return jnp.maximum(x, 0.0) + jnp.log1p(jnp.exp(-jnp.abs(x)))


def _dec_body(x_ref, xn_ref, xc_ref, lib_ref,
              d1_ref, db1_ref, d2_ref, db2_ref,
              wpi_ref, bpi_ref, wdi_ref, bdi_ref, wme_ref, bme_ref,
              wre_ref, bre_ref, out_ref):
    eps = 1e-10
    xl = x_ref[...]
    marker = (lax.broadcasted_iota(jnp.int32, (1, xl.shape[1]), 1) == _DCOL)
    denom = jnp.sum(jnp.where(marker, xl, 0.0), axis=1, keepdims=True)
    z = xl * (1.0 / (denom + 1e-16))
    ez = jnp.where(z > 0, z, jnp.exp(jnp.minimum(z, 0.0)) - 1.0)
    h = jnp.maximum(ez @ d1_ref[...] + db1_ref[...], 0.0)
    h = jnp.maximum(h @ d2_ref[...] + db2_ref[...], 0.0)
    pi = 1.0 / (1.0 + jnp.exp(-(h @ wpi_ref[...] + bpi_ref[...])))
    disp = jnp.clip(_softplus(h @ wdi_ref[...] + bdi_ref[...]), 1e-4, 1e4)
    mean_ = jnp.clip(_softplus(h @ wme_ref[...] + bme_ref[...]), 1e-5, 1e6)
    recons = h @ wre_ref[...] + bre_ref[...]
    xn = xn_ref[...]
    xc = xc_ref[...]
    sm = mean_ * lib_ref[...]
    t1 = (_lgamma(disp + eps) + _lgamma(xc + 1.0)
          - _lgamma(xc + disp + eps))
    t2 = ((disp + xc) * jnp.log1p(sm / (disp + eps))
          + xc * (jnp.log(disp + eps) - jnp.log(sm + eps)))
    nb_case = t1 + t2 - jnp.log(1.0 - pi + eps)
    zero_nb = jnp.exp(disp * jnp.log(disp / (disp + sm + eps)))
    zero_case = -jnp.log(pi + (1.0 - pi) * zero_nb + eps)
    res = jnp.where(xc < 1e-8, zero_case, nb_case)
    s_nll = jnp.sum(res + 0.5 * pi * pi)
    s_mse = jnp.sum((recons - xn) ** 2)
    lane = lax.broadcasted_iota(jnp.int32, (1, 1, 128), 2)
    out_ref[...] = (jnp.where(lane == 0, s_nll, 0.0)
                    + jnp.where(lane == 1, s_mse, 0.0))


def _decoder(xl, xn, xc, lib, d1, db1, d2, db2,
             wpi, bpi, wdi, bdi, wme, bme, wre, bre):
    n, d_in = xn.shape
    dh2, dh1 = d2.shape
    grid = n // _BM
    full = lambda i: (0, 0)
    row = lambda i: (i, 0)
    return pl.pallas_call(
        _dec_body,
        grid=(grid,),
        in_specs=[
            pl.BlockSpec((_BM, 128), row),
            pl.BlockSpec((_BM, d_in), row),
            pl.BlockSpec((_BM, d_in), row),
            pl.BlockSpec((_BM, 1), row),
            pl.BlockSpec((128, dh2), full),
            pl.BlockSpec((1, dh2), full),
            pl.BlockSpec((dh2, dh1), full),
            pl.BlockSpec((1, dh1), full),
            pl.BlockSpec((dh1, d_in), full),
            pl.BlockSpec((1, d_in), full),
            pl.BlockSpec((dh1, d_in), full),
            pl.BlockSpec((1, d_in), full),
            pl.BlockSpec((dh1, d_in), full),
            pl.BlockSpec((1, d_in), full),
            pl.BlockSpec((dh1, d_in), full),
            pl.BlockSpec((1, d_in), full),
        ],
        out_specs=[pl.BlockSpec((1, 1, 128), lambda i: (i, 0, 0))],
        out_shape=[jax.ShapeDtypeStruct((grid, 1, 128), jnp.float32)],
    )(xl, xn, xc, lib, d1, db1, d2, db2,
      wpi, bpi, wdi, bdi, wme, bme, wre, bre)


def kernel(rna_norm, rna_counts, rna_libsize, cas_norm, cas_counts,
           cas_libsize, adt_norm, adt_counts, adt_libsize, edge_index,
           W1, b1, W2, b2, Wg, a_src, a_dst,
           D1, db1, D2, db2, Wpi, bpi, Wdisp, bdisp, Wmean, bmean,
           Wrec, brec):
    n, d_in = rna_norm.shape
    d_h2, d_lat = Wg.shape

    qs = Wg @ a_src
    qd = (Wg @ a_dst).reshape(1, -1)
    wgp = jnp.zeros((d_h2, 128), jnp.float32)
    wgp = wgp.at[:, :d_lat].set(Wg)
    wgp = wgp.at[:, _SCOL].set(qs)
    d1p = jnp.zeros((128, D1.shape[1]), jnp.float32).at[:d_lat].set(D1)

    hg128, sdst = _encoder(rna_norm, W1, b1.reshape(1, -1), W2,
                           b2.reshape(1, -1), wgp, qd)

    sdst_pad = jnp.concatenate(
        [sdst.reshape(-1), jnp.zeros((2 * _NPH * _QS - n,), jnp.float32)])
    x128 = _sc_edge_call(edge_index[0], edge_index[1], sdst_pad, hg128)

    (sums,) = _decoder(
        x128, rna_norm, rna_counts, rna_libsize,
        d1p, db1.reshape(1, -1), D2, db2.reshape(1, -1),
        Wpi, bpi.reshape(1, -1), Wdisp, bdisp.reshape(1, -1),
        Wmean, bmean.reshape(1, -1), Wrec, brec.reshape(1, -1))
    cnt = jnp.float32(n * d_in)
    nll = jnp.sum(sums[:, 0, 0]) / cnt
    mse = jnp.sum(sums[:, 0, 1]) / cnt
    return (nll, mse)

# --- scband reference (transcript-rebuilt; emitter-appended) ---
"""Pipeline reference for scband-present-18562848653426 (READ-ONLY COPY).

The authoritative reference and input builder live on the scoring server;
editing this copy changes nothing except your own understanding.
"""

import jax, jax.numpy as jnp
import numpy as np

N = 50000
E = 800000
D_IN = 128
D_H1 = 256
D_H2 = 128
D_LAT = 50

def _glorot(k, shape):
    lim = float(np.sqrt(6.0 / (shape[0] + shape[1])))
    return jax.random.uniform(k, shape, jnp.float32, -lim, lim)

def setup_inputs(seed: int = 0):
    key = jax.random.key(seed)
    ks = jax.random.split(key, 32)
    inp = {}
    inp["rna_norm"] = jax.random.uniform(ks[0], (N, D_IN), jnp.float32)
    inp["rna_counts"] = jax.random.uniform(ks[1], (N, D_IN), jnp.float32)
    inp["rna_libsize"] = jnp.ones((N, 1), jnp.float32)
    inp["cas_norm"] = jnp.zeros((1,), jnp.float32)
    inp["cas_counts"] = jnp.zeros((1,), jnp.float32)
    inp["cas_libsize"] = jnp.zeros((1,), jnp.float32)
    inp["adt_norm"] = jnp.zeros((1,), jnp.float32)
    inp["adt_counts"] = jnp.zeros((1,), jnp.float32)
    inp["adt_libsize"] = jnp.zeros((1,), jnp.float32)
    inp["edge_index"] = jax.random.randint(ks[2], (2, E), 0, N, jnp.int32)
    # encoder params (Bayesian GAT encoder, evaluated at weight means)
    inp["W1"] = _glorot(ks[3], (D_IN, D_H1)); inp["b1"] = jnp.zeros((D_H1,), jnp.float32)
    inp["W2"] = _glorot(ks[4], (D_H1, D_H2)); inp["b2"] = jnp.zeros((D_H2,), jnp.float32)
    inp["Wg"] = _glorot(ks[5], (D_H2, D_LAT))
    inp["a_src"] = jax.random.normal(ks[6], (D_LAT,), jnp.float32) * 0.1
    inp["a_dst"] = jax.random.normal(ks[7], (D_LAT,), jnp.float32) * 0.1
    # ZINB decoder params (Linear basic module)
    inp["D1"] = _glorot(ks[8], (D_LAT, D_H2)); inp["db1"] = jnp.zeros((D_H2,), jnp.float32)
    inp["D2"] = _glorot(ks[9], (D_H2, D_H1)); inp["db2"] = jnp.zeros((D_H1,), jnp.float32)
    inp["Wpi"] = _glorot(ks[10], (D_H1, D_IN)); inp["bpi"] = jnp.zeros((D_IN,), jnp.float32)
    inp["Wdisp"] = _glorot(ks[11], (D_H1, D_IN)); inp["bdisp"] = jnp.zeros((D_IN,), jnp.float32)
    inp["Wmean"] = _glorot(ks[12], (D_H1, D_IN)); inp["bmean"] = jnp.zeros((D_IN,), jnp.float32)
    inp["Wrec"] = _glorot(ks[13], (D_H1, D_IN)); inp["brec"] = jnp.zeros((D_IN,), jnp.float32)
    return inp

def reference(rna_norm, rna_counts, rna_libsize, cas_norm, cas_counts, cas_libsize,
              adt_norm, adt_counts, adt_libsize, edge_index,
              W1, b1, W2, b2, Wg, a_src, a_dst,
              D1, db1, D2, db2, Wpi, bpi, Wdisp, bdisp, Wmean, bmean, Wrec, brec):
    eps = 1e-10
    # --- BayesianGATEncoder (mean weights): MLP then GAT attention layer ---
    h = jax.nn.relu(rna_norm @ W1 + b1)
    h = jax.nn.relu(h @ W2 + b2)
    hg = h @ Wg  # [N, D_LAT]
    src = edge_index[0]
    dst = edge_index[1]
    s_src = hg @ a_src  # [N]
    s_dst = hg @ a_dst  # [N]
    e = jax.nn.leaky_relu(s_src[src] + s_dst[dst], 0.2)  # [E]
    emax = jax.ops.segment_max(e, dst, num_segments=N)
    emax = jnp.where(jnp.isfinite(emax), emax, 0.0)
    ex = jnp.exp(e - emax[dst])
    denom = jax.ops.segment_sum(ex, dst, num_segments=N)
    alpha = ex / (denom[dst] + 1e-16)
    x_lat = jax.ops.segment_sum(alpha[:, None] * hg[src], dst, num_segments=N)
    x_lat = jax.nn.elu(x_lat)
    # --- ZINBDecoder (Linear) ---
    hd = jax.nn.relu(x_lat @ D1 + db1)
    hd = jax.nn.relu(hd @ D2 + db2)
    pi = jax.nn.sigmoid(hd @ Wpi + bpi)
    disp = jnp.clip(jax.nn.softplus(hd @ Wdisp + bdisp), 1e-4, 1e4)
    mean_ = jnp.clip(jax.nn.softplus(hd @ Wmean + bmean), 1e-5, 1e6)
    recons = hd @ Wrec + brec
    # --- ZINB NLL loss ---
    sm = mean_ * rna_libsize
    t1 = jax.lax.lgamma(disp + eps) + jax.lax.lgamma(rna_counts + 1.0) - jax.lax.lgamma(rna_counts + disp + eps)
    t2 = (disp + rna_counts) * jnp.log1p(sm / (disp + eps)) + rna_counts * (jnp.log(disp + eps) - jnp.log(sm + eps))
    nb_case = t1 + t2 - jnp.log(1.0 - pi + eps)
    zero_nb = jnp.power(disp / (disp + sm + eps), disp)
    zero_case = -jnp.log(pi + (1.0 - pi) * zero_nb + eps)
    res = jnp.where(rna_counts < 1e-8, zero_case, nb_case)
    ridge = 0.5 * jnp.square(pi)
    nll_loss = jnp.mean(res + ridge)
    mse_loss = jnp.mean(jnp.square(recons - rna_norm))
    # single modality: ioa_loss is None in the torch module; return the two losses
    return (nll_loss, mse_loss)

if __name__ == "__main__":
    import jax
    _d = setup_inputs()
    print(jax.jit(kernel)(*tuple(_d.values())))

</pallas_src>

<mosaic_0001>
#map = affine_map<(d0, d1) -> (0)>
#map1 = affine_map<(d0, d1) -> (0, 0)>
module attributes {stable_mosaic.version = 14 : i64} {
  func.func @body(%arg0: i32, %arg1: i32, %arg2: memref<800000xi32, #tpu.memory_space<hbm>>, %arg3: memref<800000xi32, #tpu.memory_space<hbm>>, %arg4: memref<50400xf32, #tpu.memory_space<hbm>>, %arg5: memref<50000x128xf32, #tpu.memory_space<hbm>>, %arg6: memref<50000x128xf32, #tpu.memory_space<hbm>>, %arg7: memref<8400xf32, #tpu.memory_space<vmem>>, %arg8: memref<400xi32, #tpu.memory_space<vmem>>, %arg9: memref<400xi32, #tpu.memory_space<vmem>>, %arg10: memref<480xi32, #tpu.memory_space<vmem>>, %arg11: memref<480xi32, #tpu.memory_space<vmem>>, %arg12: memref<1x80xi32, #tpu.memory_space<vmem>>, %arg13: memref<400x128xf32, #tpu.memory_space<vmem>>, %arg14: memref<8408x128xf32, #tpu.memory_space<vmem_shared>>, %arg15: memref<!tpu.dma_semaphore, #tpu.memory_space<semaphore_mem>>) attributes {dimension_semantics = [#tpu.dimension_semantics<core_parallel>, #tpu.dimension_semantics<subcore_parallel>], iteration_bounds = array<i64: 2, 16>, scalar_prefetch = 0 : i64, scratch_operands = 9 : i64, tpu.core_type = #tpu.core_type<sc_vector_subcore>, window_params = [{transform_indices = #map}, {transform_indices = #map}, {transform_indices = #map}, {transform_indices = #map1}, {transform_indices = #map1}]} {
    %broadcast_in_dim3A = arith.constant 0.000000e+00 : f32
    %broadcast_in_dim3A_0 = vector.broadcast %broadcast_in_dim3A : f32 to vector<16xf32>
    %scan3A = arith.constant 0 : i32
    %scan3A_1 = arith.constant 0 : i32
    %scan3A_2 = arith.constant 200 : i32
    %scan3A_3 = arith.addi %scan3A_1, %scan3A_2 : i32
    %scan3A_4 = arith.constant 1 : i32
    %scan3A_5 = scf.for %scan3A_14 = %scan3A_1 to %scan3A_3 step %scan3A_4 iter_args(%scan3A_15 = %scan3A) -> (i32)  : i32 {
      %swap3A = arith.index_cast %scan3A_14 : i32 to index
      %swap3A_16 = arith.constant 0 : index
      %swap3A_17 = tpu.vector_load %arg13[%swap3A, %swap3A_16] {strides = array<i32>} : memref<400x128xf32, #tpu.memory_space<vmem>>, vector<16xf32>,
      tpu.vector_store %arg13[%swap3A, %swap3A_16], %broadcast_in_dim3A_0 {strides = array<i32>} : memref<400x128xf32, #tpu.memory_space<vmem>>, vector<16xf32>,
      %swap3A_18 = arith.index_cast %scan3A_14 : i32 to index
      %swap3A_19 = arith.constant 16 : index
      %swap3A_20 = tpu.vector_load %arg13[%swap3A_18, %swap3A_19] {strides = array<i32>} : memref<400x128xf32, #tpu.memory_space<vmem>>, vector<16xf32>,
      tpu.vector_store %arg13[%swap3A_18, %swap3A_19], %broadcast_in_dim3A_0 {strides = array<i32>} : memref<400x128xf32, #tpu.memory_space<vmem>>, vector<16xf32>,
      %swap3A_21 = arith.index_cast %scan3A_14 : i32 to index
      %swap3A_22 = arith.constant 32 : index
      %swap3A_23 = tpu.vector_load %arg13[%swap3A_21, %swap3A_22] {strides = array<i32>} : memref<400x128xf32, #tpu.memory_space<vmem>>, vector<16xf32>,
      tpu.vector_store %arg13[%swap3A_21, %swap3A_22], %broadcast_in_dim3A_0 {strides = array<i32>} : memref<400x128xf32, #tpu.memory_space<vmem>>, vector<16xf32>,
      %swap3A_24 = arith.index_cast %scan3A_14 : i32 to index
      %swap3A_25 = arith.constant 48 : index
      %swap3A_26 = tpu.vector_load %arg13[%swap3A_24, %swap3A_25] {strides = array<i32>} : memref<400x128xf32, #tpu.memory_space<vmem>>, vector<16xf32>,
      tpu.vector_store %arg13[%swap3A_24, %swap3A_25], %broadcast_in_dim3A_0 {strides = array<i32>} : memref<400x128xf32, #tpu.memory_space<vmem>>, vector<16xf32>,
      %swap3A_27 = arith.index_cast %scan3A_14 : i32 to index
      %swap3A_28 = arith.constant 64 : index
      %swap3A_29 = tpu.vector_load %arg13[%swap3A_27, %swap3A_28] {strides = array<i32>} : memref<400x128xf32, #tpu.memory_space<vmem>>, vector<16xf32>,
      tpu.vector_store %arg13[%swap3A_27, %swap3A_28], %broadcast_in_dim3A_0 {strides = array<i32>} : memref<400x128xf32, #tpu.memory_space<vmem>>, vector<16xf32>,
      %swap3A_30 = arith.index_cast %scan3A_14 : i32 to index
      %swap3A_31 = arith.constant 80 : index
      %swap3A_32 = tpu.vector_load %arg13[%swap3A_30, %swap3A_31] {strides = array<i32>} : memref<400x128xf32, #tpu.memory_space<vmem>>, vector<16xf32>,
      tpu.vector_store %arg13[%swap3A_30, %swap3A_31], %broadcast_in_dim3A_0 {strides = array<i32>} : memref<400x128xf32, #tpu.memory_space<vmem>>, vector<16xf32>,
      %swap3A_33 = arith.index_cast %scan3A_14 : i32 to index
      %swap3A_34 = arith.constant 96 : index
      %swap3A_35 = tpu.vector_load %arg13[%swap3A_33, %swap3A_34] {strides = array<i32>} : memref<400x128xf32, #tpu.memory_space<vmem>>, vector<16xf32>,
      tpu.vector_store %arg13[%swap3A_33, %swap3A_34], %broadcast_in_dim3A_0 {strides = array<i32>} : memref<400x128xf32, #tpu.memory_space<vmem>>, vector<16xf32>,
      %swap3A_36 = arith.index_cast %scan3A_14 : i32 to index
      %swap3A_37 = arith.constant 112 : index
      %swap3A_38 = tpu.vector_load %arg13[%swap3A_36, %swap3A_37] {strides = array<i32>} : memref<400x128xf32, #tpu.memory_space<vmem>>, vector<16xf32>,
      tpu.vector_store %arg13[%swap3A_36, %swap3A_37], %broadcast_in_dim3A_0 {strides = array<i32>} : memref<400x128xf32, #tpu.memory_space<vmem>>, vector<16xf32>,
      %scan3A_39 = arith.constant 0 : i32
      scf.yield %scan3A_39 : i32
    }
    %scan3A_6 = arith.constant 200 : i32
    %scan3A_7 = arith.constant 0 : i32
    %scan3A_8 = arith.constant 0 : i32
    %scan3A_9 = arith.constant 3 : i32
    %scan3A_10 = arith.addi %scan3A_8, %scan3A_9 : i32
    %scan3A_11 = arith.constant 1 : i32
    %scan3A_12 = scf.for %scan3A_14 = %scan3A_8 to %scan3A_10 step %scan3A_11 iter_args(%scan3A_15 = %scan3A_7) -> (i32)  : i32 {
      %mul3A = arith.constant 3 : i32
      %mul3A_16 = arith.muli %mul3A, %arg0 : i32
      %add3A = arith.addi %mul3A_16, %scan3A_14 : i32
      %mul3A_17 = arith.constant 8400 : i32
      %mul3A_18 = arith.muli %add3A, %mul3A_17 : i32
      %add3A_19 = arith.constant 8400 : i32
      %add3A_20 = arith.addi %mul3A_18, %add3A_19 : i32
      %min3A = arith.constant 50000 : i32
      %min3A_21 = arith.minsi %add3A_20, %min3A : i32
      %scan3A_22 = arith.constant 0 : i32
      %scan3A_23 = arith.constant 0 : i32
      %scan3A_24 = arith.constant 3 : i32
      %scan3A_25 = arith.addi %scan3A_23, %scan3A_24 : i32
      %scan3A_26 = arith.constant 1 : i32
      %scan3A_27 = scf.for %scan3A_53 = %scan3A_23 to %scan3A_25 step %scan3A_26 iter_args(%scan3A_54 = %scan3A_22) -> (i32)  : i32 {
        %mul3A_55 = arith.constant 16 : i32
        %mul3A_56 = arith.muli %mul3A_55, %scan3A_53 : i32
        %add3A_57 = arith.addi %mul3A_56, %arg1 : i32
        %lt3A = arith.constant 42 : i32
        %lt3A_58 = arith.cmpi slt, %add3A_57, %lt3A : i32
        %convert_element_type3A = arith.extui %lt3A_58 : i1 to i32
        %cond3A = arith.constant 0 : i32
        %cond3A_59 = arith.cmpi ne, %convert_element_type3A, %cond3A : i32
        scf.if %cond3A_59 {
          %mul3A_61 = arith.constant 200 : i32
          %mul3A_62 = arith.muli %add3A_57, %mul3A_61 : i32
          %multiple_of3A_63 = tpu.assume_multiple %mul3A_62, 8 : i32
          "tpu.region"() ({
            %run_scoped3A = tpu.sem_alloc : memref<!tpu.dma_semaphore, #tpu.memory_space<semaphore_mem>>
            %dma_start3A = arith.constant 0 : i32
            %dma_start3A_64 = arith.constant 0 : i32
            %dma_start3A_65 = tpu.memref_slice %arg13[%dma_start3A, %dma_start3A_64] : memref<400x128xf32, #tpu.memory_space<vmem>> -> memref<200x128xf32, #tpu.memory_space<vmem>>
            %dma_start3A_66 = arith.constant 0 : i32
            %dma_start3A_67 = tpu.memref_slice %arg14[%multiple_of3A_63, %dma_start3A_66] : memref<8408x128xf32, #tpu.memory_space<vmem_shared>> -> memref<200x128xf32, #tpu.memory_space<vmem_shared>>
            %dma_start3A_68 = arith.constant 0 : i32
            %dma_start3A_69 = tpu.memref_slice %arg14[%multiple_of3A_63, %dma_start3A_68] : memref<8408x128xf32, #tpu.memory_space<vmem_shared>> -> memref<200x128xf32, #tpu.memory_space<vmem_shared>>
            %dma_start3A_70 = arith.constant 0 : i32
            %dma_start3A_71 = arith.constant 0 : i32
            %dma_start3A_72 = tpu.memref_slice %arg13[%dma_start3A_70, %dma_start3A_71] : memref<400x128xf32, #tpu.memory_space<vmem>> -> memref<200x128xf32, #tpu.memory_space<vmem>>
            tpu.enqueue_dma source(%dma_start3A_72 : memref<200x128xf32, #tpu.memory_space<vmem>>) target(%dma_start3A_69 : memref<200x128xf32, #tpu.memory_space<vmem_shared>>) target_semaphore(%run_scoped3A : memref<!tpu.dma_semaphore, #tpu.memory_space<semaphore_mem>>)
            %dma_wait3A = arith.constant 0 : i32
            %dma_wait3A_73 = arith.constant 0 : i32
            %dma_wait3A_74 = tpu.memref_slice %arg13[%dma_wait3A, %dma_wait3A_73] : memref<400x128xf32, #tpu.memory_space<vmem>> -> memref<200x128xf32, #tpu.memory_space<vmem>>
            %dma_wait3A_75 = arith.constant 0 : i32
            %dma_wait3A_76 = tpu.memref_slice %arg14[%multiple_of3A_63, %dma_wait3A_75] : memref<8408x128xf32, #tpu.memory_space<vmem_shared>> -> memref<200x128xf32, #tpu.memory_space<vmem_shared>>
            %dma_wait3A_77 = arith.constant 0 : i32
            %dma_wait3A_78 = tpu.memref_slice %arg14[%multiple_of3A_63, %dma_wait3A_77] : memref<8408x128xf32, #tpu.memory_space<vmem_shared>> -> memref<200x128xf32, #tpu.memory_space<vmem_shared>>
            %dma_wait3A_79 = arith.constant 0 : i32
            %dma_wait3A_80 = arith.constant 0 : i32
            %dma_wait3A_81 = tpu.memref_slice %arg13[%dma_wait3A_79, %dma_wait3A_80] : memref<400x128xf32, #tpu.memory_space<vmem>> -> memref<200x128xf32, #tpu.memory_space<vmem>>
            tpu.wait_dma2 semaphore(%run_scoped3A : memref<!tpu.dma_semaphore, #tpu.memory_space<semaphore_mem>>) src(%dma_wait3A_81 : memref<200x128xf32, #tpu.memory_space<vmem>>) dst(%dma_wait3A_78 : memref<200x128xf32, #tpu.memory_space<vmem_shared>>)
            tpu.yield
          }) : () -> ()
        } else {
        }
        %scan3A_60 = arith.constant 0 : i32
        scf.yield %scan3A_60 : i32
      }
      %scan3A_28 = arith.constant 3 : i32
      %multiple_of3A = tpu.assume_multiple %mul3A_18, 8 : i32
      "tpu.region"() ({
        %run_scoped3A = tpu.sem_alloc : memref<!tpu.dma_semaphore, #tpu.memory_space<semaphore_mem>>
        %dma_start3A = tpu.memref_slice %arg4[%multiple_of3A] : memref<50400xf32, #tpu.memory_space<hbm>> -> memref<8400xf32, #tpu.memory_space<hbm>>
        %dma_start3A_53 = tpu.memref_slice %arg4[%multiple_of3A] : memref<50400xf32, #tpu.memory_space<hbm>> -> memref<8400xf32, #tpu.memory_space<hbm>>
        tpu.enqueue_dma source(%dma_start3A_53 : memref<8400xf32, #tpu.memory_space<hbm>>) target(%arg7 : memref<8400xf32, #tpu.memory_space<vmem>>) target_semaphore(%run_scoped3A : memref<!tpu.dma_semaphore, #tpu.memory_space<semaphore_mem>>)
        %dma_wait3A = tpu.memref_slice %arg4[%multiple_of3A] : memref<50400xf32, #tpu.memory_space<hbm>> -> memref<8400xf32, #tpu.memory_space<hbm>>
        %dma_wait3A_54 = tpu.memref_slice %arg4[%multiple_of3A] : memref<50400xf32, #tpu.memory_space<hbm>> -> memref<8400xf32, #tpu.memory_space<hbm>>
        tpu.wait_dma2 semaphore(%run_scoped3A : memref<!tpu.dma_semaphore, #tpu.memory_space<semaphore_mem>>) src(%dma_wait3A_54 : memref<8400xf32, #tpu.memory_space<hbm>>) dst(%arg7 : memref<8400xf32, #tpu.memory_space<vmem>>)
        tpu.yield
      }) : () -> ()
      %barrier3A = arith.constant 0 : index
      tpu.barrier barrier_id(%barrier3A)
      %scan3A_29 = arith.constant 0 : i32
      %scan3A_30 = arith.constant 0 : i32
      %scan3A_31 = arith.constant 125 : i32
      %scan3A_32 = arith.addi %scan3A_30, %scan3A_31 : i32
      %scan3A_33 = arith.constant 1 : i32
      %scan3A_34 = scf.for %scan3A_53 = %scan3A_30 to %scan3A_32 step %scan3A_33 iter_args(%scan3A_54 = %scan3A_29) -> (i32)  : i32 {
        %mul3A_55 = arith.constant 50000 : i32
        %mul3A_56 = arith.muli %arg1, %mul3A_55 : i32
        %mul3A_57 = arith.constant 400 : i32
        %mul3A_58 = arith.muli %scan3A_53, %mul3A_57 : i32
        %add3A_59 = arith.addi %mul3A_56, %mul3A_58 : i32
        %multiple_of3A_60 = tpu.assume_multiple %add3A_59, 8 : i32
        "tpu.region"() ({
          %run_scoped3A = tpu.sem_alloc : memref<!tpu.dma_semaphore, #tpu.memory_space<semaphore_mem>>
          %dma_start3A = tpu.memref_slice %arg2[%multiple_of3A_60] : memref<800000xi32, #tpu.memory_space<hbm>> -> memref<400xi32, #tpu.memory_space<hbm>>
          %dma_start3A_582 = tpu.memref_slice %arg2[%multiple_of3A_60] : memref<800000xi32, #tpu.memory_space<hbm>> -> memref<400xi32, #tpu.memory_space<hbm>>
          tpu.enqueue_dma source(%dma_start3A_582 : memref<400xi32, #tpu.memory_space<hbm>>) target(%arg8 : memref<400xi32, #tpu.memory_space<vmem>>) target_semaphore(%run_scoped3A : memref<!tpu.dma_semaphore, #tpu.memory_space<semaphore_mem>>)
          %dma_wait3A = tpu.memref_slice %arg2[%multiple_of3A_60] : memref<800000xi32, #tpu.memory_space<hbm>> -> memref<400xi32, #tpu.memory_space<hbm>>
          %dma_wait3A_583 = tpu.memref_slice %arg2[%multiple_of3A_60] : memref<800000xi32, #tpu.memory_space<hbm>> -> memref<400xi32, #tpu.memory_space<hbm>>
          tpu.wait_dma2 semaphore(%run_scoped3A : memref<!tpu.dma_semaphore, #tpu.memory_space<semaphore_mem>>) src(%dma_wait3A_583 : memref<400xi32, #tpu.memory_space<hbm>>) dst(%arg8 : memref<400xi32, #tpu.memory_space<vmem>>)
          tpu.yield
        }) : () -> ()
        "tpu.region"() ({
          %run_scoped3A = tpu.sem_alloc : memref<!tpu.dma_semaphore, #tpu.memory_space<semaphore_mem>>
          %dma_start3A = tpu.memref_slice %arg3[%multiple_of3A_60] : memref<800000xi32, #tpu.memory_space<hbm>> -> memref<400xi32, #tpu.memory_space<hbm>>
          %dma_start3A_582 = tpu.memref_slice %arg3[%multiple_of3A_60] : memref<800000xi32, #tpu.memory_space<hbm>> -> memref<400xi32, #tpu.memory_space<hbm>>
          tpu.enqueue_dma source(%dma_start3A_582 : memref<400xi32, #tpu.memory_space<hbm>>) target(%arg9 : memref<400xi32, #tpu.memory_space<vmem>>) target_semaphore(%run_scoped3A : memref<!tpu.dma_semaphore, #tpu.memory_space<semaphore_mem>>)
          %dma_wait3A = tpu.memref_slice %arg3[%multiple_of3A_60] : memref<800000xi32, #tpu.memory_space<hbm>> -> memref<400xi32, #tpu.memory_space<hbm>>
          %dma_wait3A_583 = tpu.memref_slice %arg3[%multiple_of3A_60] : memref<800000xi32, #tpu.memory_space<hbm>> -> memref<400xi32, #tpu.memory_space<hbm>>
          tpu.wait_dma2 semaphore(%run_scoped3A : memref<!tpu.dma_semaphore, #tpu.memory_space<semaphore_mem>>) src(%dma_wait3A_583 : memref<400xi32, #tpu.memory_space<hbm>>) dst(%arg9 : memref<400xi32, #tpu.memory_space<vmem>>)
          tpu.yield
        }) : () -> ()
        %get3A = arith.constant 0 : index
        %get3A_61 = tpu.vector_load %arg9[%get3A] {strides = array<i32>} : memref<400xi32, #tpu.memory_space<vmem>>, vector<16xi32>,
        %get3A_62 = arith.constant 0 : index
        %get3A_63 = tpu.vector_load %arg8[%get3A_62] {strides = array<i32>} : memref<400xi32, #tpu.memory_space<vmem>>, vector<16xi32>,
        %ge3A = vector.broadcast %mul3A_18 : i32 to vector<16xi32>
        %ge3A_64 = arith.cmpi sge, %get3A_61, %ge3A : vector<16xi32>
        %lt3A = vector.broadcast %min3A_21 : i32 to vector<16xi32>
        %lt3A_65 = arith.cmpi slt, %get3A_61, %lt3A : vector<16xi32>
        %and3A = arith.andi %ge3A_64, %lt3A_65 : vector<16xi1>
        %swap3A = arith.constant 0 : i32
        %swap3A_66 = arith.index_cast %swap3A : i32 to index
        %swap3A_67 = tpu.vector_load %arg10[%swap3A_66] masked %and3A {strides = array<i32>} : memref<480xi32, #tpu.memory_space<vmem>>, vector<16xi32>, vector<16xi1>
        tpu.vector_store %arg10[%swap3A_66], %get3A_63 masked %and3A {strides = array<i32>} : memref<480xi32, #tpu.memory_space<vmem>>, vector<16xi32>, vector<16xi1>
        %sub3A = vector.broadcast %mul3A_18 : i32 to vector<16xi32>
        %sub3A_68 = arith.subi %get3A_61, %sub3A : vector<16xi32>
        %swap3A_69 = arith.constant 0 : i32
        %swap3A_70 = arith.index_cast %swap3A_69 : i32 to index
        %swap3A_71 = tpu.vector_load %arg11[%swap3A_70] masked %and3A {strides = array<i32>} : memref<480xi32, #tpu.memory_space<vmem>>, vector<16xi32>, vector<16xi1>
        tpu.vector_store %arg11[%swap3A_70], %sub3A_68 masked %and3A {strides = array<i32>} : memref<480xi32, #tpu.memory_space<vmem>>, vector<16xi32>, vector<16xi1>
        %all_reduce_population_count3A = tpu.all_reduce %and3A {dim = 0 : i64, kind = #tpu.reduction_kind<sum>} : vector<16xi1> -> vector<16xi32>
        %slice3A = vector.extract_strided_slice %all_reduce_population_count3A {offsets = [0], sizes = [1], strides = [1]} : vector<16xi32> to vector<1xi32>
        %squeeze3A = vector.extract %slice3A[0] : i32 from vector<1xi32>
        %add3A_72 = arith.constant 0 : i32
        %add3A_73 = arith.addi %add3A_72, %squeeze3A : i32
        %get3A_74 = arith.constant 16 : index
        %get3A_75 = tpu.vector_load %arg9[%get3A_74] {strides = array<i32>} : memref<400xi32, #tpu.memory_space<vmem>>, vector<16xi32>,
        %get3A_76 = arith.constant 16 : index
        %get3A_77 = tpu.vector_load %arg8[%get3A_76] {strides = array<i32>} : memref<400xi32, #tpu.memory_space<vmem>>, vector<16xi32>,
        %ge3A_78 = vector.broadcast %mul3A_18 : i32 to vector<16xi32>
        %ge3A_79 = arith.cmpi sge, %get3A_75, %ge3A_78 : vector<16xi32>
        %lt3A_80 = vector.broadcast %min3A_21 : i32 to vector<16xi32>
        %lt3A_81 = arith.cmpi slt, %get3A_75, %lt3A_80 : vector<16xi32>
        %and3A_82 = arith.andi %ge3A_79, %lt3A_81 : vector<16xi1>
        %swap3A_83 = arith.index_cast %add3A_73 : i32 to index
        %swap3A_84 = tpu.vector_load %arg10[%swap3A_83] masked %and3A_82 {strides = array<i32>} : memref<480xi32, #tpu.memory_space<vmem>>, vector<16xi32>, vector<16xi1>
        tpu.vector_store %arg10[%swap3A_83], %get3A_77 masked %and3A_82 {strides = array<i32>} : memref<480xi32, #tpu.memory_space<vmem>>, vector<16xi32>, vector<16xi1>
        %sub3A_85 = vector.broadcast %mul3A_18 : i32 to vector<16xi32>
        %sub3A_86 = arith.subi %get3A_75, %sub3A_85 : vector<16xi32>
        %swap3A_87 = arith.index_cast %add3A_73 : i32 to index
        %swap3A_88 = tpu.vector_load %arg11[%swap3A_87] masked %and3A_82 {strides = array<i32>} : memref<480xi32, #tpu.memory_space<vmem>>, vector<16xi32>, vector<16xi1>
        tpu.vector_store %arg11[%swap3A_87], %sub3A_86 masked %and3A_82 {strides = array<i32>} : memref<480xi32, #tpu.memory_space<vmem>>, vector<16xi32>, vector<16xi1>
        %all_reduce_population_count3A_89 = tpu.all_reduce %and3A_82 {dim = 0 : i64, kind = #tpu.reduction_kind<sum>} : vector<16xi1> -> vector<16xi32>
        %slice3A_90 = vector.extract_strided_slice %all_reduce_population_count3A_89 {offsets = [0], sizes = [1], strides = [1]} : vector<16xi32> to vector<1xi32>
        %squeeze3A_91 = vector.extract %slice3A_90[0] : i32 from vector<1xi32>
        %add3A_92 = arith.addi %add3A_73, %squeeze3A_91 : i32
        %get3A_93 = arith.constant 32 : index
        %get3A_94 = tpu.vector_load %arg9[%get3A_93] {strides = array<i32>} : memref<400xi32, #tpu.memory_space<vmem>>, vector<16xi32>,
        %get3A_95 = arith.constant 32 : index
        %get3A_96 = tpu.vector_load %arg8[%get3A_95] {strides = array<i32>} : memref<400xi32, #tpu.memory_space<vmem>>, vector<16xi32>,
        %ge3A_97 = vector.broadcast %mul3A_18 : i32 to vector<16xi32>
        %ge3A_98 = arith.cmpi sge, %get3A_94, %ge3A_97 : vector<16xi32>
        %lt3A_99 = vector.broadcast %min3A_21 : i32 to vector<16xi32>
        %lt3A_100 = arith.cmpi slt, %get3A_94, %lt3A_99 : vector<16xi32>
        %and3A_101 = arith.andi %ge3A_98, %lt3A_100 : vector<16xi1>
        %swap3A_102 = arith.index_cast %add3A_92 : i32 to index
        %swap3A_103 = tpu.vector_load %arg10[%swap3A_102] masked %and3A_101 {strides = array<i32>} : memref<480xi32, #tpu.memory_space<vmem>>, vector<16xi32>, vector<16xi1>
        tpu.vector_store %arg10[%swap3A_102], %get3A_96 masked %and3A_101 {strides = array<i32>} : memref<480xi32, #tpu.memory_space<vmem>>, vector<16xi32>, vector<16xi1>
        %sub3A_104 = vector.broadcast %mul3A_18 : i32 to vector<16xi32>
        %sub3A_105 = arith.subi %get3A_94, %sub3A_104 : vector<16xi32>
        %swap3A_106 = arith.index_cast %add3A_92 : i32 to index
        %swap3A_107 = tpu.vector_load %arg11[%swap3A_106] masked %and3A_101 {strides = array<i32>} : memref<480xi32, #tpu.memory_space<vmem>>, vector<16xi32>, vector<16xi1>
        tpu.vector_store %arg11[%swap3A_106], %sub3A_105 masked %and3A_101 {strides = array<i32>} : memref<480xi32, #tpu.memory_space<vmem>>, vector<16xi32>, vector<16xi1>
        %all_reduce_population_count3A_108 = tpu.all_reduce %and3A_101 {dim = 0 : i64, kind = #tpu.reduction_kind<sum>} : vector<16xi1> -> vector<16xi32>
        %slice3A_109 = vector.extract_strided_slice %all_reduce_population_count3A_108 {offsets = [0], sizes = [1], strides = [1]} : vector<16xi32> to vector<1xi32>
        %squeeze3A_110 = vector.extract %slice3A_109[0] : i32 from vector<1xi32>
        %add3A_111 = arith.addi %add3A_92, %squeeze3A_110 : i32
        %get3A_112 = arith.constant 48 : index
        %get3A_113 = tpu.vector_load %arg9[%get3A_112] {strides = array<i32>} : memref<400xi32, #tpu.memory_space<vmem>>, vector<16xi32>,
        %get3A_114 = arith.constant 48 : index
        %get3A_115 = tpu.vector_load %arg8[%get3A_114] {strides = array<i32>} : memref<400xi32, #tpu.memory_space<vmem>>, vector<16xi32>,
        %ge3A_116 = vector.broadcast %mul3A_18 : i32 to vector<16xi32>
        %ge3A_117 = arith.cmpi sge, %get3A_113, %ge3A_116 : vector<16xi32>
        %lt3A_118 = vector.broadcast %min3A_21 : i32 to vector<16xi32>
        %lt3A_119 = arith.cmpi slt, %get3A_113, %lt3A_118 : vector<16xi32>
        %and3A_120 = arith.andi %ge3A_117, %lt3A_119 : vector<16xi1>
        %swap3A_121 = arith.index_cast %add3A_111 : i32 to index
        %swap3A_122 = tpu.vector_load %arg10[%swap3A_121] masked %and3A_120 {strides = array<i32>} : memref<480xi32, #tpu.memory_space<vmem>>, vector<16xi32>, vector<16xi1>
        tpu.vector_store %arg10[%swap3A_121], %get3A_115 masked %and3A_120 {strides = array<i32>} : memref<480xi32, #tpu.memory_space<vmem>>, vector<16xi32>, vector<16xi1>
        %sub3A_123 = vector.broadcast %mul3A_18 : i32 to vector<16xi32>
        %sub3A_124 = arith.subi %get3A_113, %sub3A_123 : vector<16xi32>
        %swap3A_125 = arith.index_cast %add3A_111 : i32 to index
        %swap3A_126 = tpu.vector_load %arg11[%swap3A_125] masked %and3A_120 {strides = array<i32>} : memref<480xi32, #tpu.memory_space<vmem>>, vector<16xi32>, vector<16xi1>
        tpu.vector_store %arg11[%swap3A_125], %sub3A_124 masked %and3A_120 {strides = array<i32>} : memref<480xi32, #tpu.memory_space<vmem>>, vector<16xi32>, vector<16xi1>
        %all_reduce_population_count3A_127 = tpu.all_reduce %and3A_120 {dim = 0 : i64, kind = #tpu.reduction_kind<sum>} : vector<16xi1> -> vector<16xi32>
        %slice3A_128 = vector.extract_strided_slice %all_reduce_population_count3A_127 {offsets = [0], sizes = [1], strides = [1]} : vector<16xi32> to vector<1xi32>
        %squeeze3A_129 = vector.extract %slice3A_128[0] : i32 from vector<1xi32>
        %add3A_130 = arith.addi %add3A_111, %squeeze3A_129 : i32
        %get3A_131 = arith.constant 64 : index
        %get3A_132 = tpu.vector_load %arg9[%get3A_131] {strides = array<i32>} : memref<400xi32, #tpu.memory_space<vmem>>, vector<16xi32>,
        %get3A_133 = arith.constant 64 : index
        %get3A_134 = tpu.vector_load %arg8[%get3A_133] {strides = array<i32>} : memref<400xi32, #tpu.memory_space<vmem>>, vector<16xi32>,
        %ge3A_135 = vector.broadcast %mul3A_18 : i32 to vector<16xi32>
        %ge3A_136 = arith.cmpi sge, %get3A_132, %ge3A_135 : vector<16xi32>
        %lt3A_137 = vector.broadcast %min3A_21 : i32 to vector<16xi32>
        %lt3A_138 = arith.cmpi slt, %get3A_132, %lt3A_137 : vector<16xi32>
        %and3A_139 = arith.andi %ge3A_136, %lt3A_138 : vector<16xi1>
        %swap3A_140 = arith.index_cast %add3A_130 : i32 to index
        %swap3A_141 = tpu.vector_load %arg10[%swap3A_140] masked %and3A_139 {strides = array<i32>} : memref<480xi32, #tpu.memory_space<vmem>>, vector<16xi32>, vector<16xi1>
        tpu.vector_store %arg10[%swap3A_140], %get3A_134 masked %and3A_139 {strides = array<i32>} : memref<480xi32, #tpu.memory_space<vmem>>, vector<16xi32>, vector<16xi1>
        %sub3A_142 = vector.broadcast %mul3A_18 : i32 to vector<16xi32>
        %sub3A_143 = arith.subi %get3A_132, %sub3A_142 : vector<16xi32>
        %swap3A_144 = arith.index_cast %add3A_130 : i32 to index
        %swap3A_145 = tpu.vector_load %arg11[%swap3A_144] masked %and3A_139 {strides = array<i32>} : memref<480xi32, #tpu.memory_space<vmem>>, vector<16xi32>, vector<16xi1>
        tpu.vector_store %arg11[%swap3A_144], %sub3A_143 masked %and3A_139 {strides = array<i32>} : memref<480xi32, #tpu.memory_space<vmem>>, vector<16xi32>, vector<16xi1>
        %all_reduce_population_count3A_146 = tpu.all_reduce %and3A_139 {dim = 0 : i64, kind = #tpu.reduction_kind<sum>} : vector<16xi1> -> vector<16xi32>
        %slice3A_147 = vector.extract_strided_slice %all_reduce_population_count3A_146 {offsets = [0], sizes = [1], strides = [1]} : vector<16xi32> to vector<1xi32>
        %squeeze3A_148 = vector.extract %slice3A_147[0] : i32 from vector<1xi32>
        %add3A_149 = arith.addi %add3A_130, %squeeze3A_148 : i32
        %get3A_150 = arith.constant 80 : index
        %get3A_151 = tpu.vector_load %arg9[%get3A_150] {strides = array<i32>} : memref<400xi32, #tpu.memory_space<vmem>>, vector<16xi32>,
        %get3A_152 = arith.constant 80 : index
        %get3A_153 = tpu.vector_load %arg8[%get3A_152] {strides = array<i32>} : memref<400xi32, #tpu.memory_space<vmem>>, vector<16xi32>,
        %ge3A_154 = vector.broadcast %mul3A_18 : i32 to vector<16xi32>
        %ge3A_155 = arith.cmpi sge, %get3A_151, %ge3A_154 : vector<16xi32>
        %lt3A_156 = vector.broadcast %min3A_21 : i32 to vector<16xi32>
        %lt3A_157 = arith.cmpi slt, %get3A_151, %lt3A_156 : vector<16xi32>
        %and3A_158 = arith.andi %ge3A_155, %lt3A_157 : vector<16xi1>
        %swap3A_159 = arith.index_cast %add3A_149 : i32 to index
        %swap3A_160 = tpu.vector_load %arg10[%swap3A_159] masked %and3A_158 {strides = array<i32>} : memref<480xi32, #tpu.memory_space<vmem>>, vector<16xi32>, vector<16xi1>
        tpu.vector_store %arg10[%swap3A_159], %get3A_153 masked %and3A_158 {strides = array<i32>} : memref<480xi32, #tpu.memory_space<vmem>>, vector<16xi32>, vector<16xi1>
        %sub3A_161 = vector.broadcast %mul3A_18 : i32 to vector<16xi32>
        %sub3A_162 = arith.subi %get3A_151, %sub3A_161 : vector<16xi32>
        %swap3A_163 = arith.index_cast %add3A_149 : i32 to index
        %swap3A_164 = tpu.vector_load %arg11[%swap3A_163] masked %and3A_158 {strides = array<i32>} : memref<480xi32, #tpu.memory_space<vmem>>, vector<16xi32>, vector<16xi1>
        tpu.vector_store %arg11[%swap3A_163], %sub3A_162 masked %and3A_158 {strides = array<i32>} : memref<480xi32, #tpu.memory_space<vmem>>, vector<16xi32>, vector<16xi1>
        %all_reduce_population_count3A_165 = tpu.all_reduce %and3A_158 {dim = 0 : i64, kind = #tpu.reduction_kind<sum>} : vector<16xi1> -> vector<16xi32>
        %slice3A_166 = vector.extract_strided_slice %all_reduce_population_count3A_165 {offsets = [0], sizes = [1], strides = [1]} : vector<16xi32> to vector<1xi32>
        %squeeze3A_167 = vector.extract %slice3A_166[0] : i32 from vector<1xi32>
        %add3A_168 = arith.addi %add3A_149, %squeeze3A_167 : i32
        %get3A_169 = arith.constant 96 : index
        %get3A_170 = tpu.vector_load %arg9[%get3A_169] {strides = array<i32>} : memref<400xi32, #tpu.memory_space<vmem>>, vector<16xi32>,
        %get3A_171 = arith.constant 96 : index
        %get3A_172 = tpu.vector_load %arg8[%get3A_171] {strides = array<i32>} : memref<400xi32, #tpu.memory_space<vmem>>, vector<16xi32>,
        %ge3A_173 = vector.broadcast %mul3A_18 : i32 to vector<16xi32>
        %ge3A_174 = arith.cmpi sge, %get3A_170, %ge3A_173 : vector<16xi32>
        %lt3A_175 = vector.broadcast %min3A_21 : i32 to vector<16xi32>
        %lt3A_176 = arith.cmpi slt, %get3A_170, %lt3A_175 : vector<16xi32>
        %and3A_177 = arith.andi %ge3A_174, %lt3A_176 : vector<16xi1>
        %swap3A_178 = arith.index_cast %add3A_168 : i32 to index
        %swap3A_179 = tpu.vector_load %arg10[%swap3A_178] masked %and3A_177 {strides = array<i32>} : memref<480xi32, #tpu.memory_space<vmem>>, vector<16xi32>, vector<16xi1>
        tpu.vector_store %arg10[%swap3A_178], %get3A_172 masked %and3A_177 {strides = array<i32>} : memref<480xi32, #tpu.memory_space<vmem>>, vector<16xi32>, vector<16xi1>
        %sub3A_180 = vector.broadcast %mul3A_18 : i32 to vector<16xi32>
        %sub3A_181 = arith.subi %get3A_170, %sub3A_180 : vector<16xi32>
        %swap3A_182 = arith.index_cast %add3A_168 : i32 to index
        %swap3A_183 = tpu.vector_load %arg11[%swap3A_182] masked %and3A_177 {strides = array<i32>} : memref<480xi32, #tpu.memory_space<vmem>>, vector<16xi32>, vector<16xi1>
        tpu.vector_store %arg11[%swap3A_182], %sub3A_181 masked %and3A_177 {strides = array<i32>} : memref<480xi32, #tpu.memory_space<vmem>>, vector<16xi32>, vector<16xi1>
        %all_reduce_population_count3A_184 = tpu.all_reduce %and3A_177 {dim = 0 : i64, kind = #tpu.reduction_kind<sum>} : vector<16xi1> -> vector<16xi32>
        %slice3A_185 = vector.extract_strided_slice %all_reduce_population_count3A_184 {offsets = [0], sizes = [1], strides = [1]} : vector<16xi32> to vector<1xi32>
        %squeeze3A_186 = vector.extract %slice3A_185[0] : i32 from vector<1xi32>
        %add3A_187 = arith.addi %add3A_168, %squeeze3A_186 : i32
        %get3A_188 = arith.constant 112 : index
        %get3A_189 = tpu.vector_load %arg9[%get3A_188] {strides = array<i32>} : memref<400xi32, #tpu.memory_space<vmem>>, vector<16xi32>,
        %get3A_190 = arith.constant 112 : index
        %get3A_191 = tpu.vector_load %arg8[%get3A_190] {strides = array<i32>} : memref<400xi32, #tpu.memory_space<vmem>>, vector<16xi32>,
        %ge3A_192 = vector.broadcast %mul3A_18 : i32 to vector<16xi32>
        %ge3A_193 = arith.cmpi sge, %get3A_189, %ge3A_192 : vector<16xi32>
        %lt3A_194 = vector.broadcast %min3A_21 : i32 to vector<16xi32>
        %lt3A_195 = arith.cmpi slt, %get3A_189, %lt3A_194 : vector<16xi32>
        %and3A_196 = arith.andi %ge3A_193, %lt3A_195 : vector<16xi1>
        %swap3A_197 = arith.index_cast %add3A_187 : i32 to index
        %swap3A_198 = tpu.vector_load %arg10[%swap3A_197] masked %and3A_196 {strides = array<i32>} : memref<480xi32, #tpu.memory_space<vmem>>, vector<16xi32>, vector<16xi1>
        tpu.vector_store %arg10[%swap3A_197], %get3A_191 masked %and3A_196 {strides = array<i32>} : memref<480xi32, #tpu.memory_space<vmem>>, vector<16xi32>, vector<16xi1>
        %sub3A_199 = vector.broadcast %mul3A_18 : i32 to vector<16xi32>
        %sub3A_200 = arith.subi %get3A_189, %sub3A_199 : vector<16xi32>
        %swap3A_201 = arith.index_cast %add3A_187 : i32 to index
        %swap3A_202 = tpu.vector_load %arg11[%swap3A_201] masked %and3A_196 {strides = array<i32>} : memref<480xi32, #tpu.memory_space<vmem>>, vector<16xi32>, vector<16xi1>
        tpu.vector_store %arg11[%swap3A_201], %sub3A_200 masked %and3A_196 {strides = array<i32>} : memref<480xi32, #tpu.memory_space<vmem>>, vector<16xi32>, vector<16xi1>
        %all_reduce_population_count3A_203 = tpu.all_reduce %and3A_196 {dim = 0 : i64, kind = #tpu.reduction_kind<sum>} : vector<16xi1> -> vector<16xi32>
        %slice3A_204 = vector.extract_strided_slice %all_reduce_population_count3A_203 {offsets = [0], sizes = [1], strides = [1]} : vector<16xi32> to vector<1xi32>
        %squeeze3A_205 = vector.extract %slice3A_204[0] : i32 from vector<1xi32>
        %add3A_206 = arith.addi %add3A_187, %squeeze3A_205 : i32
        %get3A_207 = arith.constant 128 : index
        %get3A_208 = tpu.vector_load %arg9[%get3A_207] {strides = array<i32>} : memref<400xi32, #tpu.memory_space<vmem>>, vector<16xi32>,
        %get3A_209 = arith.constant 128 : index
        %get3A_210 = tpu.vector_load %arg8[%get3A_209] {strides = array<i32>} : memref<400xi32, #tpu.memory_space<vmem>>, vector<16xi32>,
        %ge3A_211 = vector.broadcast %mul3A_18 : i32 to vector<16xi32>
        %ge3A_212 = arith.cmpi sge, %get3A_208, %ge3A_211 : vector<16xi32>
        %lt3A_213 = vector.broadcast %min3A_21 : i32 to vector<16xi32>
        %lt3A_214 = arith.cmpi slt, %get3A_208, %lt3A_213 : vector<16xi32>
        %and3A_215 = arith.andi %ge3A_212, %lt3A_214 : vector<16xi1>
        %swap3A_216 = arith.index_cast %add3A_206 : i32 to index
        %swap3A_217 = tpu.vector_load %arg10[%swap3A_216] masked %and3A_215 {strides = array<i32>} : memref<480xi32, #tpu.memory_space<vmem>>, vector<16xi32>, vector<16xi1>
        tpu.vector_store %arg10[%swap3A_216], %get3A_210 masked %and3A_215 {strides = array<i32>} : memref<480xi32, #tpu.memory_space<vmem>>, vector<16xi32>, vector<16xi1>
        %sub3A_218 = vector.broadcast %mul3A_18 : i32 to vector<16xi32>
        %sub3A_219 = arith.subi %get3A_208, %sub3A_218 : vector<16xi32>
        %swap3A_220 = arith.index_cast %add3A_206 : i32 to index
        %swap3A_221 = tpu.vector_load %arg11[%swap3A_220] masked %and3A_215 {strides = array<i32>} : memref<480xi32, #tpu.memory_space<vmem>>, vector<16xi32>, vector<16xi1>
        tpu.vector_store %arg11[%swap3A_220], %sub3A_219 masked %and3A_215 {strides = array<i32>} : memref<480xi32, #tpu.memory_space<vmem>>, vector<16xi32>, vector<16xi1>
        %all_reduce_population_count3A_222 = tpu.all_reduce %and3A_215 {dim = 0 : i64, kind = #tpu.reduction_kind<sum>} : vector<16xi1> -> vector<16xi32>
        %slice3A_223 = vector.extract_strided_slice %all_reduce_population_count3A_222 {offsets = [0], sizes = [1], strides = [1]} : vector<16xi32> to vector<1xi32>
        %squeeze3A_224 = vector.extract %slice3A_223[0] : i32 from vector<1xi32>
        %add3A_225 = arith.addi %add3A_206, %squeeze3A_224 : i32
        %get3A_226 = arith.constant 144 : index
        %get3A_227 = tpu.vector_load %arg9[%get3A_226] {strides = array<i32>} : memref<400xi32, #tpu.memory_space<vmem>>, vector<16xi32>,
        %get3A_228 = arith.constant 144 : index
        %get3A_229 = tpu.vector_load %arg8[%get3A_228] {strides = array<i32>} : memref<400xi32, #tpu.memory_space<vmem>>, vector<16xi32>,
        %ge3A_230 = vector.broadcast %mul3A_18 : i32 to vector<16xi32>
        %ge3A_231 = arith.cmpi sge, %get3A_227, %ge3A_230 : vector<16xi32>
        %lt3A_232 = vector.broadcast %min3A_21 : i32 to vector<16xi32>
        %lt3A_233 = arith.cmpi slt, %get3A_227, %lt3A_232 : vector<16xi32>
        %and3A_234 = arith.andi %ge3A_231, %lt3A_233 : vector<16xi1>
        %swap3A_235 = arith.index_cast %add3A_225 : i32 to index
        %swap3A_236 = tpu.vector_load %arg10[%swap3A_235] masked %and3A_234 {strides = array<i32>} : memref<480xi32, #tpu.memory_space<vmem>>, vector<16xi32>, vector<16xi1>
        tpu.vector_store %arg10[%swap3A_235], %get3A_229 masked %and3A_234 {strides = array<i32>} : memref<480xi32, #tpu.memory_space<vmem>>, vector<16xi32>, vector<16xi1>
        %sub3A_237 = vector.broadcast %mul3A_18 : i32 to vector<16xi32>
        %sub3A_238 = arith.subi %get3A_227, %sub3A_237 : vector<16xi32>
        %swap3A_239 = arith.index_cast %add3A_225 : i32 to index
        %swap3A_240 = tpu.vector_load %arg11[%swap3A_239] masked %and3A_234 {strides = array<i32>} : memref<480xi32, #tpu.memory_space<vmem>>, vector<16xi32>, vector<16xi1>
        tpu.vector_store %arg11[%swap3A_239], %sub3A_238 masked %and3A_234 {strides = array<i32>} : memref<480xi32, #tpu.memory_space<vmem>>, vector<16xi32>, vector<16xi1>
        %all_reduce_population_count3A_241 = tpu.all_reduce %and3A_234 {dim = 0 : i64, kind = #tpu.reduction_kind<sum>} : vector<16xi1> -> vector<16xi32>
        %slice3A_242 = vector.extract_strided_slice %all_reduce_population_count3A_241 {offsets = [0], sizes = [1], strides = [1]} : vector<16xi32> to vector<1xi32>
        %squeeze3A_243 = vector.extract %slice3A_242[0] : i32 from vector<1xi32>
        %add3A_244 = arith.addi %add3A_225, %squeeze3A_243 : i32
        %get3A_245 = arith.constant 160 : index
        %get3A_246 = tpu.vector_load %arg9[%get3A_245] {strides = array<i32>} : memref<400xi32, #tpu.memory_space<vmem>>, vector<16xi32>,
        %get3A_247 = arith.constant 160 : index
        %get3A_248 = tpu.vector_load %arg8[%get3A_247] {strides = array<i32>} : memref<400xi32, #tpu.memory_space<vmem>>, vector<16xi32>,
        %ge3A_249 = vector.broadcast %mul3A_18 : i32 to vector<16xi32>
        %ge3A_250 = arith.cmpi sge, %get3A_246, %ge3A_249 : vector<16xi32>
        %lt3A_251 = vector.broadcast %min3A_21 : i32 to vector<16xi32>
        %lt3A_252 = arith.cmpi slt, %get3A_246, %lt3A_251 : vector<16xi32>
        %and3A_253 = arith.andi %ge3A_250, %lt3A_252 : vector<16xi1>
        %swap3A_254 = arith.index_cast %add3A_244 : i32 to index
        %swap3A_255 = tpu.vector_load %arg10[%swap3A_254] masked %and3A_253 {strides = array<i32>} : memref<480xi32, #tpu.memory_space<vmem>>, vector<16xi32>, vector<16xi1>
        tpu.vector_store %arg10[%swap3A_254], %get3A_248 masked %and3A_253 {strides = array<i32>} : memref<480xi32, #tpu.memory_space<vmem>>, vector<16xi32>, vector<16xi1>
        %sub3A_256 = vector.broadcast %mul3A_18 : i32 to vector<16xi32>
        %sub3A_257 = arith.subi %get3A_246, %sub3A_256 : vector<16xi32>
        %swap3A_258 = arith.index_cast %add3A_244 : i32 to index
        %swap3A_259 = tpu.vector_load %arg11[%swap3A_258] masked %and3A_253 {strides = array<i32>} : memref<480xi32, #tpu.memory_space<vmem>>, vector<16xi32>, vector<16xi1>
        tpu.vector_store %arg11[%swap3A_258], %sub3A_257 masked %and3A_253 {strides = array<i32>} : memref<480xi32, #tpu.memory_space<vmem>>, vector<16xi32>, vector<16xi1>
        %all_reduce_population_count3A_260 = tpu.all_reduce %and3A_253 {dim = 0 : i64, kind = #tpu.reduction_kind<sum>} : vector<16xi1> -> vector<16xi32>
        %slice3A_261 = vector.extract_strided_slice %all_reduce_population_count3A_260 {offsets = [0], sizes = [1], strides = [1]} : vector<16xi32> to vector<1xi32>
        %squeeze3A_262 = vector.extract %slice3A_261[0] : i32 from vector<1xi32>
        %add3A_263 = arith.addi %add3A_244, %squeeze3A_262 : i32
        %get3A_264 = arith.constant 176 : index
        %get3A_265 = tpu.vector_load %arg9[%get3A_264] {strides = array<i32>} : memref<400xi32, #tpu.memory_space<vmem>>, vector<16xi32>,
        %get3A_266 = arith.constant 176 : index
        %get3A_267 = tpu.vector_load %arg8[%get3A_266] {strides = array<i32>} : memref<400xi32, #tpu.memory_space<vmem>>, vector<16xi32>,
        %ge3A_268 = vector.broadcast %mul3A_18 : i32 to vector<16xi32>
        %ge3A_269 = arith.cmpi sge, %get3A_265, %ge3A_268 : vector<16xi32>
        %lt3A_270 = vector.broadcast %min3A_21 : i32 to vector<16xi32>
        %lt3A_271 = arith.cmpi slt, %get3A_265, %lt3A_270 : vector<16xi32>
        %and3A_272 = arith.andi %ge3A_269, %lt3A_271 : vector<16xi1>
        %swap3A_273 = arith.index_cast %add3A_263 : i32 to index
        %swap3A_274 = tpu.vector_load %arg10[%swap3A_273] masked %and3A_272 {strides = array<i32>} : memref<480xi32, #tpu.memory_space<vmem>>, vector<16xi32>, vector<16xi1>
        tpu.vector_store %arg10[%swap3A_273], %get3A_267 masked %and3A_272 {strides = array<i32>} : memref<480xi32, #tpu.memory_space<vmem>>, vector<16xi32>, vector<16xi1>
        %sub3A_275 = vector.broadcast %mul3A_18 : i32 to vector<16xi32>
        %sub3A_276 = arith.subi %get3A_265, %sub3A_275 : vector<16xi32>
        %swap3A_277 = arith.index_cast %add3A_263 : i32 to index
        %swap3A_278 = tpu.vector_load %arg11[%swap3A_277] masked %and3A_272 {strides = array<i32>} : memref<480xi32, #tpu.memory_space<vmem>>, vector<16xi32>, vector<16xi1>
        tpu.vector_store %arg11[%swap3A_277], %sub3A_276 masked %and3A_272 {strides = array<i32>} : memref<480xi32, #tpu.memory_space<vmem>>, vector<16xi32>, vector<16xi1>
        %all_reduce_population_count3A_279 = tpu.all_reduce %and3A_272 {dim = 0 : i64, kind = #tpu.reduction_kind<sum>} : vector<16xi1> -> vector<16xi32>
        %slice3A_280 = vector.extract_strided_slice %all_reduce_population_count3A_279 {offsets = [0], sizes = [1], strides = [1]} : vector<16xi32> to vector<1xi32>
        %squeeze3A_281 = vector.extract %slice3A_280[0] : i32 from vector<1xi32>
        %add3A_282 = arith.addi %add3A_263, %squeeze3A_281 : i32
        %get3A_283 = arith.constant 192 : index
        %get3A_284 = tpu.vector_load %arg9[%get3A_283] {strides = array<i32>} : memref<400xi32, #tpu.memory_space<vmem>>, vector<16xi32>,
        %get3A_285 = arith.constant 192 : index
        %get3A_286 = tpu.vector_load %arg8[%get3A_285] {strides = array<i32>} : memref<400xi32, #tpu.memory_space<vmem>>, vector<16xi32>,
        %ge3A_287 = vector.broadcast %mul3A_18 : i32 to vector<16xi32>
        %ge3A_288 = arith.cmpi sge, %get3A_284, %ge3A_287 : vector<16xi32>
        %lt3A_289 = vector.broadcast %min3A_21 : i32 to vector<16xi32>
        %lt3A_290 = arith.cmpi slt, %get3A_284, %lt3A_289 : vector<16xi32>
        %and3A_291 = arith.andi %ge3A_288, %lt3A_290 : vector<16xi1>
        %swap3A_292 = arith.index_cast %add3A_282 : i32 to index
        %swap3A_293 = tpu.vector_load %arg10[%swap3A_292] masked %and3A_291 {strides = array<i32>} : memref<480xi32, #tpu.memory_space<vmem>>, vector<16xi32>, vector<16xi1>
        tpu.vector_store %arg10[%swap3A_292], %get3A_286 masked %and3A_291 {strides = array<i32>} : memref<480xi32, #tpu.memory_space<vmem>>, vector<16xi32>, vector<16xi1>
        %sub3A_294 = vector.broadcast %mul3A_18 : i32 to vector<16xi32>
        %sub3A_295 = arith.subi %get3A_284, %sub3A_294 : vector<16xi32>
        %swap3A_296 = arith.index_cast %add3A_282 : i32 to index
        %swap3A_297 = tpu.vector_load %arg11[%swap3A_296] masked %and3A_291 {strides = array<i32>} : memref<480xi32, #tpu.memory_space<vmem>>, vector<16xi32>, vector<16xi1>
        tpu.vector_store %arg11[%swap3A_296], %sub3A_295 masked %and3A_291 {strides = array<i32>} : memref<480xi32, #tpu.memory_space<vmem>>, vector<16xi32>, vector<16xi1>
        %all_reduce_population_count3A_298 = tpu.all_reduce %and3A_291 {dim = 0 : i64, kind = #tpu.reduction_kind<sum>} : vector<16xi1> -> vector<16xi32>
        %slice3A_299 = vector.extract_strided_slice %all_reduce_population_count3A_298 {offsets = [0], sizes = [1], strides = [1]} : vector<16xi32> to vector<1xi32>
        %squeeze3A_300 = vector.extract %slice3A_299[0] : i32 from vector<1xi32>
        %add3A_301 = arith.addi %add3A_282, %squeeze3A_300 : i32
        %get3A_302 = arith.constant 208 : index
        %get3A_303 = tpu.vector_load %arg9[%get3A_302] {strides = array<i32>} : memref<400xi32, #tpu.memory_space<vmem>>, vector<16xi32>,
        %get3A_304 = arith.constant 208 : index
        %get3A_305 = tpu.vector_load %arg8[%get3A_304] {strides = array<i32>} : memref<400xi32, #tpu.memory_space<vmem>>, vector<16xi32>,
        %ge3A_306 = vector.broadcast %mul3A_18 : i32 to vector<16xi32>
        %ge3A_307 = arith.cmpi sge, %get3A_303, %ge3A_306 : vector<16xi32>
        %lt3A_308 = vector.broadcast %min3A_21 : i32 to vector<16xi32>
        %lt3A_309 = arith.cmpi slt, %get3A_303, %lt3A_308 : vector<16xi32>
        %and3A_310 = arith.andi %ge3A_307, %lt3A_309 : vector<16xi1>
        %swap3A_311 = arith.index_cast %add3A_301 : i32 to index
        %swap3A_312 = tpu.vector_load %arg10[%swap3A_311] masked %and3A_310 {strides = array<i32>} : memref<480xi32, #tpu.memory_space<vmem>>, vector<16xi32>, vector<16xi1>
        tpu.vector_store %arg10[%swap3A_311], %get3A_305 masked %and3A_310 {strides = array<i32>} : memref<480xi32, #tpu.memory_space<vmem>>, vector<16xi32>, vector<16xi1>
        %sub3A_313 = vector.broadcast %mul3A_18 : i32 to vector<16xi32>
        %sub3A_314 = arith.subi %get3A_303, %sub3A_313 : vector<16xi32>
        %swap3A_315 = arith.index_cast %add3A_301 : i32 to index
        %swap3A_316 = tpu.vector_load %arg11[%swap3A_315] masked %and3A_310 {strides = array<i32>} : memref<480xi32, #tpu.memory_space<vmem>>, vector<16xi32>, vector<16xi1>
        tpu.vector_store %arg11[%swap3A_315], %sub3A_314 masked %and3A_310 {strides = array<i32>} : memref<480xi32, #tpu.memory_space<vmem>>, vector<16xi32>, vector<16xi1>
        %all_reduce_population_count3A_317 = tpu.all_reduce %and3A_310 {dim = 0 : i64, kind = #tpu.reduction_kind<sum>} : vector<16xi1> -> vector<16xi32>
        %slice3A_318 = vector.extract_strided_slice %all_reduce_population_count3A_317 {offsets = [0], sizes = [1], strides = [1]} : vector<16xi32> to vector<1xi32>
        %squeeze3A_319 = vector.extract %slice3A_318[0] : i32 from vector<1xi32>
        %add3A_320 = arith.addi %add3A_301, %squeeze3A_319 : i32
        %get3A_321 = arith.constant 224 : index
        %get3A_322 = tpu.vector_load %arg9[%get3A_321] {strides = array<i32>} : memref<400xi32, #tpu.memory_space<vmem>>, vector<16xi32>,
        %get3A_323 = arith.constant 224 : index
        %get3A_324 = tpu.vector_load %arg8[%get3A_323] {strides = array<i32>} : memref<400xi32, #tpu.memory_space<vmem>>, vector<16xi32>,
        %ge3A_325 = vector.broadcast %mul3A_18 : i32 to vector<16xi32>
        %ge3A_326 = arith.cmpi sge, %get3A_322, %ge3A_325 : vector<16xi32>
        %lt3A_327 = vector.broadcast %min3A_21 : i32 to vector<16xi32>
        %lt3A_328 = arith.cmpi slt, %get3A_322, %lt3A_327 : vector<16xi32>
        %and3A_329 = arith.andi %ge3A_326, %lt3A_328 : vector<16xi1>
        %swap3A_330 = arith.index_cast %add3A_320 : i32 to index
        %swap3A_331 = tpu.vector_load %arg10[%swap3A_330] masked %and3A_329 {strides = array<i32>} : memref<480xi32, #tpu.memory_space<vmem>>, vector<16xi32>, vector<16xi1>
        tpu.vector_store %arg10[%swap3A_330], %get3A_324 masked %and3A_329 {strides = array<i32>} : memref<480xi32, #tpu.memory_space<vmem>>, vector<16xi32>, vector<16xi1>
        %sub3A_332 = vector.broadcast %mul3A_18 : i32 to vector<16xi32>
        %sub3A_333 = arith.subi %get3A_322, %sub3A_332 : vector<16xi32>
        %swap3A_334 = arith.index_cast %add3A_320 : i32 to index
        %swap3A_335 = tpu.vector_load %arg11[%swap3A_334] masked %and3A_329 {strides = array<i32>} : memref<480xi32, #tpu.memory_space<vmem>>, vector<16xi32>, vector<16xi1>
        tpu.vector_store %arg11[%swap3A_334], %sub3A_333 masked %and3A_329 {strides = array<i32>} : memref<480xi32, #tpu.memory_space<vmem>>, vector<16xi32>, vector<16xi1>
        %all_reduce_population_count3A_336 = tpu.all_reduce %and3A_329 {dim = 0 : i64, kind = #tpu.reduction_kind<sum>} : vector<16xi1> -> vector<16xi32>
        %slice3A_337 = vector.extract_strided_slice %all_reduce_population_count3A_336 {offsets = [0], sizes = [1], strides = [1]} : vector<16xi32> to vector<1xi32>
        %squeeze3A_338 = vector.extract %slice3A_337[0] : i32 from vector<1xi32>
        %add3A_339 = arith.addi %add3A_320, %squeeze3A_338 : i32
        %get3A_340 = arith.constant 240 : index
        %get3A_341 = tpu.vector_load %arg9[%get3A_340] {strides = array<i32>} : memref<400xi32, #tpu.memory_space<vmem>>, vector<16xi32>,
        %get3A_342 = arith.constant 240 : index
        %get3A_343 = tpu.vector_load %arg8[%get3A_342] {strides = array<i32>} : memref<400xi32, #tpu.memory_space<vmem>>, vector<16xi32>,
        %ge3A_344 = vector.broadcast %mul3A_18 : i32 to vector<16xi32>
        %ge3A_345 = arith.cmpi sge, %get3A_341, %ge3A_344 : vector<16xi32>
        %lt3A_346 = vector.broadcast %min3A_21 : i32 to vector<16xi32>
        %lt3A_347 = arith.cmpi slt, %get3A_341, %lt3A_346 : vector<16xi32>
        %and3A_348 = arith.andi %ge3A_345, %lt3A_347 : vector<16xi1>
        %swap3A_349 = arith.index_cast %add3A_339 : i32 to index
        %swap3A_350 = tpu.vector_load %arg10[%swap3A_349] masked %and3A_348 {strides = array<i32>} : memref<480xi32, #tpu.memory_space<vmem>>, vector<16xi32>, vector<16xi1>
        tpu.vector_store %arg10[%swap3A_349], %get3A_343 masked %and3A_348 {strides = array<i32>} : memref<480xi32, #tpu.memory_space<vmem>>, vector<16xi32>, vector<16xi1>
        %sub3A_351 = vector.broadcast %mul3A_18 : i32 to vector<16xi32>
        %sub3A_352 = arith.subi %get3A_341, %sub3A_351 : vector<16xi32>
        %swap3A_353 = arith.index_cast %add3A_339 : i32 to index
        %swap3A_354 = tpu.vector_load %arg11[%swap3A_353] masked %and3A_348 {strides = array<i32>} : memref<480xi32, #tpu.memory_space<vmem>>, vector<16xi32>, vector<16xi1>
        tpu.vector_store %arg11[%swap3A_353], %sub3A_352 masked %and3A_348 {strides = array<i32>} : memref<480xi32, #tpu.memory_space<vmem>>, vector<16xi32>, vector<16xi1>
        %all_reduce_population_count3A_355 = tpu.all_reduce %and3A_348 {dim = 0 : i64, kind = #tpu.reduction_kind<sum>} : vector<16xi1> -> vector<16xi32>
        %slice3A_356 = vector.extract_strided_slice %all_reduce_population_count3A_355 {offsets = [0], sizes = [1], strides = [1]} : vector<16xi32> to vector<1xi32>
        %squeeze3A_357 = vector.extract %slice3A_356[0] : i32 from vector<1xi32>
        %add3A_358 = arith.addi %add3A_339, %squeeze3A_357 : i32
        %get3A_359 = arith.constant 256 : index
        %get3A_360 = tpu.vector_load %arg9[%get3A_359] {strides = array<i32>} : memref<400xi32, #tpu.memory_space<vmem>>, vector<16xi32>,
        %get3A_361 = arith.constant 256 : index
        %get3A_362 = tpu.vector_load %arg8[%get3A_361] {strides = array<i32>} : memref<400xi32, #tpu.memory_space<vmem>>, vector<16xi32>,
        %ge3A_363 = vector.broadcast %mul3A_18 : i32 to vector<16xi32>
        %ge3A_364 = arith.cmpi sge, %get3A_360, %ge3A_363 : vector<16xi32>
        %lt3A_365 = vector.broadcast %min3A_21 : i32 to vector<16xi32>
        %lt3A_366 = arith.cmpi slt, %get3A_360, %lt3A_365 : vector<16xi32>
        %and3A_367 = arith.andi %ge3A_364, %lt3A_366 : vector<16xi1>
        %swap3A_368 = arith.index_cast %add3A_358 : i32 to index
        %swap3A_369 = tpu.vector_load %arg10[%swap3A_368] masked %and3A_367 {strides = array<i32>} : memref<480xi32, #tpu.memory_space<vmem>>, vector<16xi32>, vector<16xi1>
        tpu.vector_store %arg10[%swap3A_368], %get3A_362 masked %and3A_367 {strides = array<i32>} : memref<480xi32, #tpu.memory_space<vmem>>, vector<16xi32>, vector<16xi1>
        %sub3A_370 = vector.broadcast %mul3A_18 : i32 to vector<16xi32>
        %sub3A_371 = arith.subi %get3A_360, %sub3A_370 : vector<16xi32>
        %swap3A_372 = arith.index_cast %add3A_358 : i32 to index
        %swap3A_373 = tpu.vector_load %arg11[%swap3A_372] masked %and3A_367 {strides = array<i32>} : memref<480xi32, #tpu.memory_space<vmem>>, vector<16xi32>, vector<16xi1>
        tpu.vector_store %arg11[%swap3A_372], %sub3A_371 masked %and3A_367 {strides = array<i32>} : memref<480xi32, #tpu.memory_space<vmem>>, vector<16xi32>, vector<16xi1>
        %all_reduce_population_count3A_374 = tpu.all_reduce %and3A_367 {dim = 0 : i64, kind = #tpu.reduction_kind<sum>} : vector<16xi1> -> vector<16xi32>
        %slice3A_375 = vector.extract_strided_slice %all_reduce_population_count3A_374 {offsets = [0], sizes = [1], strides = [1]} : vector<16xi32> to vector<1xi32>
        %squeeze3A_376 = vector.extract %slice3A_375[0] : i32 from vector<1xi32>
        %add3A_377 = arith.addi %add3A_358, %squeeze3A_376 : i32
        %get3A_378 = arith.constant 272 : index
        %get3A_379 = tpu.vector_load %arg9[%get3A_378] {strides = array<i32>} : memref<400xi32, #tpu.memory_space<vmem>>, vector<16xi32>,
        %get3A_380 = arith.constant 272 : index
        %get3A_381 = tpu.vector_load %arg8[%get3A_380] {strides = array<i32>} : memref<400xi32, #tpu.memory_space<vmem>>, vector<16xi32>,
        %ge3A_382 = vector.broadcast %mul3A_18 : i32 to vector<16xi32>
        %ge3A_383 = arith.cmpi sge, %get3A_379, %ge3A_382 : vector<16xi32>
        %lt3A_384 = vector.broadcast %min3A_21 : i32 to vector<16xi32>
        %lt3A_385 = arith.cmpi slt, %get3A_379, %lt3A_384 : vector<16xi32>
        %and3A_386 = arith.andi %ge3A_383, %lt3A_385 : vector<16xi1>
        %swap3A_387 = arith.index_cast %add3A_377 : i32 to index
        %swap3A_388 = tpu.vector_load %arg10[%swap3A_387] masked %and3A_386 {strides = array<i32>} : memref<480xi32, #tpu.memory_space<vmem>>, vector<16xi32>, vector<16xi1>
        tpu.vector_store %arg10[%swap3A_387], %get3A_381 masked %and3A_386 {strides = array<i32>} : memref<480xi32, #tpu.memory_space<vmem>>, vector<16xi32>, vector<16xi1>
        %sub3A_389 = vector.broadcast %mul3A_18 : i32 to vector<16xi32>
        %sub3A_390 = arith.subi %get3A_379, %sub3A_389 : vector<16xi32>
        %swap3A_391 = arith.index_cast %add3A_377 : i32 to index
        %swap3A_392 = tpu.vector_load %arg11[%swap3A_391] masked %and3A_386 {strides = array<i32>} : memref<480xi32, #tpu.memory_space<vmem>>, vector<16xi32>, vector<16xi1>
        tpu.vector_store %arg11[%swap3A_391], %sub3A_390 masked %and3A_386 {strides = array<i32>} : memref<480xi32, #tpu.memory_space<vmem>>, vector<16xi32>, vector<16xi1>
        %all_reduce_population_count3A_393 = tpu.all_reduce %and3A_386 {dim = 0 : i64, kind = #tpu.reduction_kind<sum>} : vector<16xi1> -> vector<16xi32>
        %slice3A_394 = vector.extract_strided_slice %all_reduce_population_count3A_393 {offsets = [0], sizes = [1], strides = [1]} : vector<16xi32> to vector<1xi32>
        %squeeze3A_395 = vector.extract %slice3A_394[0] : i32 from vector<1xi32>
        %add3A_396 = arith.addi %add3A_377, %squeeze3A_395 : i32
        %get3A_397 = arith.constant 288 : index
        %get3A_398 = tpu.vector_load %arg9[%get3A_397] {strides = array<i32>} : memref<400xi32, #tpu.memory_space<vmem>>, vector<16xi32>,
        %get3A_399 = arith.constant 288 : index
        %get3A_400 = tpu.vector_load %arg8[%get3A_399] {strides = array<i32>} : memref<400xi32, #tpu.memory_space<vmem>>, vector<16xi32>,
        %ge3A_401 = vector.broadcast %mul3A_18 : i32 to vector<16xi32>
        %ge3A_402 = arith.cmpi sge, %get3A_398, %ge3A_401 : vector<16xi32>
        %lt3A_403 = vector.broadcast %min3A_21 : i32 to vector<16xi32>
        %lt3A_404 = arith.cmpi slt, %get3A_398, %lt3A_403 : vector<16xi32>
        %and3A_405 = arith.andi %ge3A_402, %lt3A_404 : vector<16xi1>
        %swap3A_406 = arith.index_cast %add3A_396 : i32 to index
        %swap3A_407 = tpu.vector_load %arg10[%swap3A_406] masked %and3A_405 {strides = array<i32>} : memref<480xi32, #tpu.memory_space<vmem>>, vector<16xi32>, vector<16xi1>
        tpu.vector_store %arg10[%swap3A_406], %get3A_400 masked %and3A_405 {strides = array<i32>} : memref<480xi32, #tpu.memory_space<vmem>>, vector<16xi32>, vector<16xi1>
        %sub3A_408 = vector.broadcast %mul3A_18 : i32 to vector<16xi32>
        %sub3A_409 = arith.subi %get3A_398, %sub3A_408 : vector<16xi32>
        %swap3A_410 = arith.index_cast %add3A_396 : i32 to index
        %swap3A_411 = tpu.vector_load %arg11[%swap3A_410] masked %and3A_405 {strides = array<i32>} : memref<480xi32, #tpu.memory_space<vmem>>, vector<16xi32>, vector<16xi1>
        tpu.vector_store %arg11[%swap3A_410], %sub3A_409 masked %and3A_405 {strides = array<i32>} : memref<480xi32, #tpu.memory_space<vmem>>, vector<16xi32>, vector<16xi1>
        %all_reduce_population_count3A_412 = tpu.all_reduce %and3A_405 {dim = 0 : i64, kind = #tpu.reduction_kind<sum>} : vector<16xi1> -> vector<16xi32>
        %slice3A_413 = vector.extract_strided_slice %all_reduce_population_count3A_412 {offsets = [0], sizes = [1], strides = [1]} : vector<16xi32> to vector<1xi32>
        %squeeze3A_414 = vector.extract %slice3A_413[0] : i32 from vector<1xi32>
        %add3A_415 = arith.addi %add3A_396, %squeeze3A_414 : i32
        %get3A_416 = arith.constant 304 : index
        %get3A_417 = tpu.vector_load %arg9[%get3A_416] {strides = array<i32>} : memref<400xi32, #tpu.memory_space<vmem>>, vector<16xi32>,
        %get3A_418 = arith.constant 304 : index
        %get3A_419 = tpu.vector_load %arg8[%get3A_418] {strides = array<i32>} : memref<400xi32, #tpu.memory_space<vmem>>, vector<16xi32>,
        %ge3A_420 = vector.broadcast %mul3A_18 : i32 to vector<16xi32>
        %ge3A_421 = arith.cmpi sge, %get3A_417, %ge3A_420 : vector<16xi32>
        %lt3A_422 = vector.broadcast %min3A_21 : i32 to vector<16xi32>
        %lt3A_423 = arith.cmpi slt, %get3A_417, %lt3A_422 : vector<16xi32>
        %and3A_424 = arith.andi %ge3A_421, %lt3A_423 : vector<16xi1>
        %swap3A_425 = arith.index_cast %add3A_415 : i32 to index
        %swap3A_426 = tpu.vector_load %arg10[%swap3A_425] masked %and3A_424 {strides = array<i32>} : memref<480xi32, #tpu.memory_space<vmem>>, vector<16xi32>, vector<16xi1>
        tpu.vector_store %arg10[%swap3A_425], %get3A_419 masked %and3A_424 {strides = array<i32>} : memref<480xi32, #tpu.memory_space<vmem>>, vector<16xi32>, vector<16xi1>
        %sub3A_427 = vector.broadcast %mul3A_18 : i32 to vector<16xi32>
        %sub3A_428 = arith.subi %get3A_417, %sub3A_427 : vector<16xi32>
        %swap3A_429 = arith.index_cast %add3A_415 : i32 to index
        %swap3A_430 = tpu.vector_load %arg11[%swap3A_429] masked %and3A_424 {strides = array<i32>} : memref<480xi32, #tpu.memory_space<vmem>>, vector<16xi32>, vector<16xi1>
        tpu.vector_store %arg11[%swap3A_429], %sub3A_428 masked %and3A_424 {strides = array<i32>} : memref<480xi32, #tpu.memory_space<vmem>>, vector<16xi32>, vector<16xi1>
        %all_reduce_population_count3A_431 = tpu.all_reduce %and3A_424 {dim = 0 : i64, kind = #tpu.reduction_kind<sum>} : vector<16xi1> -> vector<16xi32>
        %slice3A_432 = vector.extract_strided_slice %all_reduce_population_count3A_431 {offsets = [0], sizes = [1], strides = [1]} : vector<16xi32> to vector<1xi32>
        %squeeze3A_433 = vector.extract %slice3A_432[0] : i32 from vector<1xi32>
        %add3A_434 = arith.addi %add3A_415, %squeeze3A_433 : i32
        %get3A_435 = arith.constant 320 : index
        %get3A_436 = tpu.vector_load %arg9[%get3A_435] {strides = array<i32>} : memref<400xi32, #tpu.memory_space<vmem>>, vector<16xi32>,
        %get3A_437 = arith.constant 320 : index
        %get3A_438 = tpu.vector_load %arg8[%get3A_437] {strides = array<i32>} : memref<400xi32, #tpu.memory_space<vmem>>, vector<16xi32>,
        %ge3A_439 = vector.broadcast %mul3A_18 : i32 to vector<16xi32>
        %ge3A_440 = arith.cmpi sge, %get3A_436, %ge3A_439 : vector<16xi32>
        %lt3A_441 = vector.broadcast %min3A_21 : i32 to vector<16xi32>
        %lt3A_442 = arith.cmpi slt, %get3A_436, %lt3A_441 : vector<16xi32>
        %and3A_443 = arith.andi %ge3A_440, %lt3A_442 : vector<16xi1>
        %swap3A_444 = arith.index_cast %add3A_434 : i32 to index
        %swap3A_445 = tpu.vector_load %arg10[%swap3A_444] masked %and3A_443 {strides = array<i32>} : memref<480xi32, #tpu.memory_space<vmem>>, vector<16xi32>, vector<16xi1>
        tpu.vector_store %arg10[%swap3A_444], %get3A_438 masked %and3A_443 {strides = array<i32>} : memref<480xi32, #tpu.memory_space<vmem>>, vector<16xi32>, vector<16xi1>
        %sub3A_446 = vector.broadcast %mul3A_18 : i32 to vector<16xi32>
        %sub3A_447 = arith.subi %get3A_436, %sub3A_446 : vector<16xi32>
        %swap3A_448 = arith.index_cast %add3A_434 : i32 to index
        %swap3A_449 = tpu.vector_load %arg11[%swap3A_448] masked %and3A_443 {strides = array<i32>} : memref<480xi32, #tpu.memory_space<vmem>>, vector<16xi32>, vector<16xi1>
        tpu.vector_store %arg11[%swap3A_448], %sub3A_447 masked %and3A_443 {strides = array<i32>} : memref<480xi32, #tpu.memory_space<vmem>>, vector<16xi32>, vector<16xi1>
        %all_reduce_population_count3A_450 = tpu.all_reduce %and3A_443 {dim = 0 : i64, kind = #tpu.reduction_kind<sum>} : vector<16xi1> -> vector<16xi32>
        %slice3A_451 = vector.extract_strided_slice %all_reduce_population_count3A_450 {offsets = [0], sizes = [1], strides = [1]} : vector<16xi32> to vector<1xi32>
        %squeeze3A_452 = vector.extract %slice3A_451[0] : i32 from vector<1xi32>
        %add3A_453 = arith.addi %add3A_434, %squeeze3A_452 : i32
        %get3A_454 = arith.constant 336 : index
        %get3A_455 = tpu.vector_load %arg9[%get3A_454] {strides = array<i32>} : memref<400xi32, #tpu.memory_space<vmem>>, vector<16xi32>,
        %get3A_456 = arith.constant 336 : index
        %get3A_457 = tpu.vector_load %arg8[%get3A_456] {strides = array<i32>} : memref<400xi32, #tpu.memory_space<vmem>>, vector<16xi32>,
        %ge3A_458 = vector.broadcast %mul3A_18 : i32 to vector<16xi32>
        %ge3A_459 = arith.cmpi sge, %get3A_455, %ge3A_458 : vector<16xi32>
        %lt3A_460 = vector.broadcast %min3A_21 : i32 to vector<16xi32>
        %lt3A_461 = arith.cmpi slt, %get3A_455, %lt3A_460 : vector<16xi32>
        %and3A_462 = arith.andi %ge3A_459, %lt3A_461 : vector<16xi1>
        %swap3A_463 = arith.index_cast %add3A_453 : i32 to index
        %swap3A_464 = tpu.vector_load %arg10[%swap3A_463] masked %and3A_462 {strides = array<i32>} : memref<480xi32, #tpu.memory_space<vmem>>, vector<16xi32>, vector<16xi1>
        tpu.vector_store %arg10[%swap3A_463], %get3A_457 masked %and3A_462 {strides = array<i32>} : memref<480xi32, #tpu.memory_space<vmem>>, vector<16xi32>, vector<16xi1>
        %sub3A_465 = vector.broadcast %mul3A_18 : i32 to vector<16xi32>
        %sub3A_466 = arith.subi %get3A_455, %sub3A_465 : vector<16xi32>
        %swap3A_467 = arith.index_cast %add3A_453 : i32 to index
        %swap3A_468 = tpu.vector_load %arg11[%swap3A_467] masked %and3A_462 {strides = array<i32>} : memref<480xi32, #tpu.memory_space<vmem>>, vector<16xi32>, vector<16xi1>
        tpu.vector_store %arg11[%swap3A_467], %sub3A_466 masked %and3A_462 {strides = array<i32>} : memref<480xi32, #tpu.memory_space<vmem>>, vector<16xi32>, vector<16xi1>
        %all_reduce_population_count3A_469 = tpu.all_reduce %and3A_462 {dim = 0 : i64, kind = #tpu.reduction_kind<sum>} : vector<16xi1> -> vector<16xi32>
        %slice3A_470 = vector.extract_strided_slice %all_reduce_population_count3A_469 {offsets = [0], sizes = [1], strides = [1]} : vector<16xi32> to vector<1xi32>
        %squeeze3A_471 = vector.extract %slice3A_470[0] : i32 from vector<1xi32>
        %add3A_472 = arith.addi %add3A_453, %squeeze3A_471 : i32
        %get3A_473 = arith.constant 352 : index
        %get3A_474 = tpu.vector_load %arg9[%get3A_473] {strides = array<i32>} : memref<400xi32, #tpu.memory_space<vmem>>, vector<16xi32>,
        %get3A_475 = arith.constant 352 : index
        %get3A_476 = tpu.vector_load %arg8[%get3A_475] {strides = array<i32>} : memref<400xi32, #tpu.memory_space<vmem>>, vector<16xi32>,
        %ge3A_477 = vector.broadcast %mul3A_18 : i32 to vector<16xi32>
        %ge3A_478 = arith.cmpi sge, %get3A_474, %ge3A_477 : vector<16xi32>
        %lt3A_479 = vector.broadcast %min3A_21 : i32 to vector<16xi32>
        %lt3A_480 = arith.cmpi slt, %get3A_474, %lt3A_479 : vector<16xi32>
        %and3A_481 = arith.andi %ge3A_478, %lt3A_480 : vector<16xi1>
        %swap3A_482 = arith.index_cast %add3A_472 : i32 to index
        %swap3A_483 = tpu.vector_load %arg10[%swap3A_482] masked %and3A_481 {strides = array<i32>} : memref<480xi32, #tpu.memory_space<vmem>>, vector<16xi32>, vector<16xi1>
        tpu.vector_store %arg10[%swap3A_482], %get3A_476 masked %and3A_481 {strides = array<i32>} : memref<480xi32, #tpu.memory_space<vmem>>, vector<16xi32>, vector<16xi1>
        %sub3A_484 = vector.broadcast %mul3A_18 : i32 to vector<16xi32>
        %sub3A_485 = arith.subi %get3A_474, %sub3A_484 : vector<16xi32>
        %swap3A_486 = arith.index_cast %add3A_472 : i32 to index
        %swap3A_487 = tpu.vector_load %arg11[%swap3A_486] masked %and3A_481 {strides = array<i32>} : memref<480xi32, #tpu.memory_space<vmem>>, vector<16xi32>, vector<16xi1>
        tpu.vector_store %arg11[%swap3A_486], %sub3A_485 masked %and3A_481 {strides = array<i32>} : memref<480xi32, #tpu.memory_space<vmem>>, vector<16xi32>, vector<16xi1>
        %all_reduce_population_count3A_488 = tpu.all_reduce %and3A_481 {dim = 0 : i64, kind = #tpu.reduction_kind<sum>} : vector<16xi1> -> vector<16xi32>
        %slice3A_489 = vector.extract_strided_slice %all_reduce_population_count3A_488 {offsets = [0], sizes = [1], strides = [1]} : vector<16xi32> to vector<1xi32>
        %squeeze3A_490 = vector.extract %slice3A_489[0] : i32 from vector<1xi32>
        %add3A_491 = arith.addi %add3A_472, %squeeze3A_490 : i32
        %get3A_492 = arith.constant 368 : index
        %get3A_493 = tpu.vector_load %arg9[%get3A_492] {strides = array<i32>} : memref<400xi32, #tpu.memory_space<vmem>>, vector<16xi32>,
        %get3A_494 = arith.constant 368 : index
        %get3A_495 = tpu.vector_load %arg8[%get3A_494] {strides = array<i32>} : memref<400xi32, #tpu.memory_space<vmem>>, vector<16xi32>,
        %ge3A_496 = vector.broadcast %mul3A_18 : i32 to vector<16xi32>
        %ge3A_497 = arith.cmpi sge, %get3A_493, %ge3A_496 : vector<16xi32>
        %lt3A_498 = vector.broadcast %min3A_21 : i32 to vector<16xi32>
        %lt3A_499 = arith.cmpi slt, %get3A_493, %lt3A_498 : vector<16xi32>
        %and3A_500 = arith.andi %ge3A_497, %lt3A_499 : vector<16xi1>
        %swap3A_501 = arith.index_cast %add3A_491 : i32 to index
        %swap3A_502 = tpu.vector_load %arg10[%swap3A_501] masked %and3A_500 {strides = array<i32>} : memref<480xi32, #tpu.memory_space<vmem>>, vector<16xi32>, vector<16xi1>
        tpu.vector_store %arg10[%swap3A_501], %get3A_495 masked %and3A_500 {strides = array<i32>} : memref<480xi32, #tpu.memory_space<vmem>>, vector<16xi32>, vector<16xi1>
        %sub3A_503 = vector.broadcast %mul3A_18 : i32 to vector<16xi32>
        %sub3A_504 = arith.subi %get3A_493, %sub3A_503 : vector<16xi32>
        %swap3A_505 = arith.index_cast %add3A_491 : i32 to index
        %swap3A_506 = tpu.vector_load %arg11[%swap3A_505] masked %and3A_500 {strides = array<i32>} : memref<480xi32, #tpu.memory_space<vmem>>, vector<16xi32>, vector<16xi1>
        tpu.vector_store %arg11[%swap3A_505], %sub3A_504 masked %and3A_500 {strides = array<i32>} : memref<480xi32, #tpu.memory_space<vmem>>, vector<16xi32>, vector<16xi1>
        %all_reduce_population_count3A_507 = tpu.all_reduce %and3A_500 {dim = 0 : i64, kind = #tpu.reduction_kind<sum>} : vector<16xi1> -> vector<16xi32>
        %slice3A_508 = vector.extract_strided_slice %all_reduce_population_count3A_507 {offsets = [0], sizes = [1], strides = [1]} : vector<16xi32> to vector<1xi32>
        %squeeze3A_509 = vector.extract %slice3A_508[0] : i32 from vector<1xi32>
        %add3A_510 = arith.addi %add3A_491, %squeeze3A_509 : i32
        %get3A_511 = arith.constant 384 : index
        %get3A_512 = tpu.vector_load %arg9[%get3A_511] {strides = array<i32>} : memref<400xi32, #tpu.memory_space<vmem>>, vector<16xi32>,
        %get3A_513 = arith.constant 384 : index
        %get3A_514 = tpu.vector_load %arg8[%get3A_513] {strides = array<i32>} : memref<400xi32, #tpu.memory_space<vmem>>, vector<16xi32>,
        %ge3A_515 = vector.broadcast %mul3A_18 : i32 to vector<16xi32>
        %ge3A_516 = arith.cmpi sge, %get3A_512, %ge3A_515 : vector<16xi32>
        %lt3A_517 = vector.broadcast %min3A_21 : i32 to vector<16xi32>
        %lt3A_518 = arith.cmpi slt, %get3A_512, %lt3A_517 : vector<16xi32>
        %and3A_519 = arith.andi %ge3A_516, %lt3A_518 : vector<16xi1>
        %swap3A_520 = arith.index_cast %add3A_510 : i32 to index
        %swap3A_521 = tpu.vector_load %arg10[%swap3A_520] masked %and3A_519 {strides = array<i32>} : memref<480xi32, #tpu.memory_space<vmem>>, vector<16xi32>, vector<16xi1>
        tpu.vector_store %arg10[%swap3A_520], %get3A_514 masked %and3A_519 {strides = array<i32>} : memref<480xi32, #tpu.memory_space<vmem>>, vector<16xi32>, vector<16xi1>
        %sub3A_522 = vector.broadcast %mul3A_18 : i32 to vector<16xi32>
        %sub3A_523 = arith.subi %get3A_512, %sub3A_522 : vector<16xi32>
        %swap3A_524 = arith.index_cast %add3A_510 : i32 to index
        %swap3A_525 = tpu.vector_load %arg11[%swap3A_524] masked %and3A_519 {strides = array<i32>} : memref<480xi32, #tpu.memory_space<vmem>>, vector<16xi32>, vector<16xi1>
        tpu.vector_store %arg11[%swap3A_524], %sub3A_523 masked %and3A_519 {strides = array<i32>} : memref<480xi32, #tpu.memory_space<vmem>>, vector<16xi32>, vector<16xi1>
        %all_reduce_population_count3A_526 = tpu.all_reduce %and3A_519 {dim = 0 : i64, kind = #tpu.reduction_kind<sum>} : vector<16xi1> -> vector<16xi32>
        %slice3A_527 = vector.extract_strided_slice %all_reduce_population_count3A_526 {offsets = [0], sizes = [1], strides = [1]} : vector<16xi32> to vector<1xi32>
        %squeeze3A_528 = vector.extract %slice3A_527[0] : i32 from vector<1xi32>
        %add3A_529 = arith.addi %add3A_510, %squeeze3A_528 : i32
        %broadcast_in_dim3A_530 = arith.constant 8400 : i32
        %broadcast_in_dim3A_531 = vector.broadcast %broadcast_in_dim3A_530 : i32 to vector<16xi32>
        %broadcast_in_dim3A_532 = arith.constant 0 : i32
        %broadcast_in_dim3A_533 = vector.broadcast %broadcast_in_dim3A_532 : i32 to vector<16xi32>
        %add3A_534 = arith.constant 0 : i32
        %add3A_535 = arith.addi %add3A_529, %add3A_534 : i32
        %swap3A_536 = arith.index_cast %add3A_535 : i32 to index
        %swap3A_537 = tpu.vector_load %arg10[%swap3A_536] {strides = array<i32>} : memref<480xi32, #tpu.memory_space<vmem>>, vector<16xi32>,
        tpu.vector_store %arg10[%swap3A_536], %broadcast_in_dim3A_533 {strides = array<i32>} : memref<480xi32, #tpu.memory_space<vmem>>, vector<16xi32>,
        %add3A_538 = arith.constant 0 : i32
        %add3A_539 = arith.addi %add3A_529, %add3A_538 : i32
        %swap3A_540 = arith.index_cast %add3A_539 : i32 to index
        %swap3A_541 = tpu.vector_load %arg11[%swap3A_540] {strides = array<i32>} : memref<480xi32, #tpu.memory_space<vmem>>, vector<16xi32>,
        tpu.vector_store %arg11[%swap3A_540], %broadcast_in_dim3A_531 {strides = array<i32>} : memref<480xi32, #tpu.memory_space<vmem>>, vector<16xi32>,
        %add3A_542 = arith.constant 16 : i32
        %add3A_543 = arith.addi %add3A_529, %add3A_542 : i32
        %swap3A_544 = arith.index_cast %add3A_543 : i32 to index
        %swap3A_545 = tpu.vector_load %arg10[%swap3A_544] {strides = array<i32>} : memref<480xi32, #tpu.memory_space<vmem>>, vector<16xi32>,
        tpu.vector_store %arg10[%swap3A_544], %broadcast_in_dim3A_533 {strides = array<i32>} : memref<480xi32, #tpu.memory_space<vmem>>, vector<16xi32>,
        %add3A_546 = arith.constant 16 : i32
        %add3A_547 = arith.addi %add3A_529, %add3A_546 : i32
        %swap3A_548 = arith.index_cast %add3A_547 : i32 to index
        %swap3A_549 = tpu.vector_load %arg11[%swap3A_548] {strides = array<i32>} : memref<480xi32, #tpu.memory_space<vmem>>, vector<16xi32>,
        tpu.vector_store %arg11[%swap3A_548], %broadcast_in_dim3A_531 {strides = array<i32>} : memref<480xi32, #tpu.memory_space<vmem>>, vector<16xi32>,
        %add3A_550 = arith.constant 32 : i32
        %add3A_551 = arith.addi %add3A_529, %add3A_550 : i32
        %swap3A_552 = arith.index_cast %add3A_551 : i32 to index
        %swap3A_553 = tpu.vector_load %arg10[%swap3A_552] {strides = array<i32>} : memref<480xi32, #tpu.memory_space<vmem>>, vector<16xi32>,
        tpu.vector_store %arg10[%swap3A_552], %broadcast_in_dim3A_533 {strides = array<i32>} : memref<480xi32, #tpu.memory_space<vmem>>, vector<16xi32>,
        %add3A_554 = arith.constant 32 : i32
        %add3A_555 = arith.addi %add3A_529, %add3A_554 : i32
        %swap3A_556 = arith.index_cast %add3A_555 : i32 to index
        %swap3A_557 = tpu.vector_load %arg11[%swap3A_556] {strides = array<i32>} : memref<480xi32, #tpu.memory_space<vmem>>, vector<16xi32>,
        tpu.vector_store %arg11[%swap3A_556], %broadcast_in_dim3A_531 {strides = array<i32>} : memref<480xi32, #tpu.memory_space<vmem>>, vector<16xi32>,
        %add3A_558 = arith.constant 48 : i32
        %add3A_559 = arith.addi %add3A_529, %add3A_558 : i32
        %swap3A_560 = arith.index_cast %add3A_559 : i32 to index
        %swap3A_561 = tpu.vector_load %arg10[%swap3A_560] {strides = array<i32>} : memref<480xi32, #tpu.memory_space<vmem>>, vector<16xi32>,
        tpu.vector_store %arg10[%swap3A_560], %broadcast_in_dim3A_533 {strides = array<i32>} : memref<480xi32, #tpu.memory_space<vmem>>, vector<16xi32>,
        %add3A_562 = arith.constant 48 : i32
        %add3A_563 = arith.addi %add3A_529, %add3A_562 : i32
        %swap3A_564 = arith.index_cast %add3A_563 : i32 to index
        %swap3A_565 = tpu.vector_load %arg11[%swap3A_564] {strides = array<i32>} : memref<480xi32, #tpu.memory_space<vmem>>, vector<16xi32>,
        tpu.vector_store %arg11[%swap3A_564], %broadcast_in_dim3A_531 {strides = array<i32>} : memref<480xi32, #tpu.memory_space<vmem>>, vector<16xi32>,
        %add3A_566 = arith.constant 64 : i32
        %add3A_567 = arith.addi %add3A_529, %add3A_566 : i32
        %swap3A_568 = arith.index_cast %add3A_567 : i32 to index
        %swap3A_569 = tpu.vector_load %arg10[%swap3A_568] {strides = array<i32>} : memref<480xi32, #tpu.memory_space<vmem>>, vector<16xi32>,
        tpu.vector_store %arg10[%swap3A_568], %broadcast_in_dim3A_533 {strides = array<i32>} : memref<480xi32, #tpu.memory_space<vmem>>, vector<16xi32>,
        %add3A_570 = arith.constant 64 : i32
        %add3A_571 = arith.addi %add3A_529, %add3A_570 : i32
        %swap3A_572 = arith.index_cast %add3A_571 : i32 to index
        %swap3A_573 = tpu.vector_load %arg11[%swap3A_572] {strides = array<i32>} : memref<480xi32, #tpu.memory_space<vmem>>, vector<16xi32>,
        tpu.vector_store %arg11[%swap3A_572], %broadcast_in_dim3A_531 {strides = array<i32>} : memref<480xi32, #tpu.memory_space<vmem>>, vector<16xi32>,
        %scan3A_574 = arith.constant 0 : i32
        %scan3A_575 = arith.constant 0 : i32
        %scan3A_576 = arith.constant 5 : i32
        %scan3A_577 = arith.addi %scan3A_575, %scan3A_576 : i32
        %scan3A_578 = arith.constant 1 : i32
        %scan3A_579 = scf.for %scan3A_582 = %scan3A_575 to %scan3A_577 step %scan3A_578 iter_args(%scan3A_583 = %scan3A_574) -> (i32)  : i32 {
          %mul3A_584 = arith.constant 80 : i32
          %mul3A_585 = arith.muli %mul3A_584, %scan3A_582 : i32
          %lt3A_586 = arith.cmpi slt, %mul3A_585, %add3A_529 : i32
          %convert_element_type3A = arith.extui %lt3A_586 : i1 to i32
          %cond3A = arith.constant 0 : i32
          %cond3A_587 = arith.cmpi ne, %convert_element_type3A, %cond3A : i32
          scf.if %cond3A_587 {
            %mul3A_589 = arith.constant 80 : i32
            %mul3A_590 = arith.muli %mul3A_589, %scan3A_582 : i32
            %multiple_of3A_591 = tpu.assume_multiple %mul3A_590, 8 : i32
            %add3A_592 = arith.constant 0 : i32
            %add3A_593 = arith.addi %multiple_of3A_591, %add3A_592 : i32
            %get3A_594 = arith.index_cast %add3A_593 : i32 to index
            %get3A_595 = tpu.vector_load %arg11[%get3A_594] {strides = array<i32>} : memref<480xi32, #tpu.memory_space<vmem>>, vector<16xi32>,
            %swap3A_596 = arith.constant 0 : i32
            %swap3A_597 = arith.index_cast %swap3A_596 : i32 to index
            %swap3A_598 = arith.constant 0 : index
            %swap3A_599 = tpu.vector_load %arg12[%swap3A_597, %swap3A_598] {strides = array<i32>} : memref<1x80xi32, #tpu.memory_space<vmem>>, vector<16xi32>,
            tpu.vector_store %arg12[%swap3A_597, %swap3A_598], %get3A_595 {strides = array<i32>} : memref<1x80xi32, #tpu.memory_space<vmem>>, vector<16xi32>,
            %add3A_600 = arith.constant 16 : i32
            %add3A_601 = arith.addi %multiple_of3A_591, %add3A_600 : i32
            %get3A_602 = arith.index_cast %add3A_601 : i32 to index
            %get3A_603 = tpu.vector_load %arg11[%get3A_602] {strides = array<i32>} : memref<480xi32, #tpu.memory_space<vmem>>, vector<16xi32>,
            %swap3A_604 = arith.constant 0 : i32
            %swap3A_605 = arith.index_cast %swap3A_604 : i32 to index
            %swap3A_606 = arith.constant 16 : index
            %swap3A_607 = tpu.vector_load %arg12[%swap3A_605, %swap3A_606] {strides = array<i32>} : memref<1x80xi32, #tpu.memory_space<vmem>>, vector<16xi32>,
            tpu.vector_store %arg12[%swap3A_605, %swap3A_606], %get3A_603 {strides = array<i32>} : memref<1x80xi32, #tpu.memory_space<vmem>>, vector<16xi32>,
            %add3A_608 = arith.constant 32 : i32
            %add3A_609 = arith.addi %multiple_of3A_591, %add3A_608 : i32
            %get3A_610 = arith.index_cast %add3A_609 : i32 to index
            %get3A_611 = tpu.vector_load %arg11[%get3A_610] {strides = array<i32>} : memref<480xi32, #tpu.memory_space<vmem>>, vector<16xi32>,
            %swap3A_612 = arith.constant 0 : i32
            %swap3A_613 = arith.index_cast %swap3A_612 : i32 to index
            %swap3A_614 = arith.constant 32 : index
            %swap3A_615 = tpu.vector_load %arg12[%swap3A_613, %swap3A_614] {strides = array<i32>} : memref<1x80xi32, #tpu.memory_space<vmem>>, vector<16xi32>,
            tpu.vector_store %arg12[%swap3A_613, %swap3A_614], %get3A_611 {strides = array<i32>} : memref<1x80xi32, #tpu.memory_space<vmem>>, vector<16xi32>,
            %add3A_616 = arith.constant 48 : i32
            %add3A_617 = arith.addi %multiple_of3A_591, %add3A_616 : i32
            %get3A_618 = arith.index_cast %add3A_617 : i32 to index
            %get3A_619 = tpu.vector_load %arg11[%get3A_618] {strides = array<i32>} : memref<480xi32, #tpu.memory_space<vmem>>, vector<16xi32>,
            %swap3A_620 = arith.constant 0 : i32
            %swap3A_621 = arith.index_cast %swap3A_620 : i32 to index
            %swap3A_622 = arith.constant 48 : index
            %swap3A_623 = tpu.vector_load %arg12[%swap3A_621, %swap3A_622] {strides = array<i32>} : memref<1x80xi32, #tpu.memory_space<vmem>>, vector<16xi32>,
            tpu.vector_store %arg12[%swap3A_621, %swap3A_622], %get3A_619 {strides = array<i32>} : memref<1x80xi32, #tpu.memory_space<vmem>>, vector<16xi32>,
            %add3A_624 = arith.constant 64 : i32
            %add3A_625 = arith.addi %multiple_of3A_591, %add3A_624 : i32
            %get3A_626 = arith.index_cast %add3A_625 : i32 to index
            %get3A_627 = tpu.vector_load %arg11[%get3A_626] {strides = array<i32>} : memref<480xi32, #tpu.memory_space<vmem>>, vector<16xi32>,
            %swap3A_628 = arith.constant 0 : i32
            %swap3A_629 = arith.index_cast %swap3A_628 : i32 to index
            %swap3A_630 = arith.constant 64 : index
            %swap3A_631 = tpu.vector_load %arg12[%swap3A_629, %swap3A_630] {strides = array<i32>} : memref<1x80xi32, #tpu.memory_space<vmem>>, vector<16xi32>,
            tpu.vector_store %arg12[%swap3A_629, %swap3A_630], %get3A_627 {strides = array<i32>} : memref<1x80xi32, #tpu.memory_space<vmem>>, vector<16xi32>,
            %dma_start3A = arith.constant 0 : i32
            %dma_start3A_632 = tpu.memref_slice %arg13[%multiple_of3A_591, %dma_start3A] : memref<400x128xf32, #tpu.memory_space<vmem>> -> memref<80x128xf32, #tpu.memory_space<vmem>>
            %dma_start3A_633 = tpu.memref_slice %arg10[%multiple_of3A_591] : memref<480xi32, #tpu.memory_space<vmem>> -> memref<80xi32, #tpu.memory_space<vmem>>
            %dma_start3A_634 = arith.constant 0 : i32
            %dma_start3A_635 = arith.constant 0 : i32
            %dma_start3A_636 = tpu.memref_slice %arg5[%dma_start3A_634, %dma_start3A_635] : memref<50000x128xf32, #tpu.memory_space<hbm>> -> memref<50000x128xf32, #tpu.memory_space<hbm>>
            tpu.enqueue_indirect_dma source(%dma_start3A_636 : memref<50000x128xf32, #tpu.memory_space<hbm>>) target(%dma_start3A_632 : memref<80x128xf32, #tpu.memory_space<vmem>>) offsets(%dma_start3A_633 : memref<80xi32, #tpu.memory_space<vmem>>) semaphore(%arg15 : memref<!tpu.dma_semaphore, #tpu.memory_space<semaphore_mem>>)
            %dma_wait3A = arith.constant 0 : i32
            %dma_wait3A_637 = tpu.memref_slice %arg13[%multiple_of3A_591, %dma_wait3A] : memref<400x128xf32, #tpu.memory_space<vmem>> -> memref<80x128xf32, #tpu.memory_space<vmem>>
            %dma_wait3A_638 = tpu.memref_slice %arg10[%multiple_of3A_591] : memref<480xi32, #tpu.memory_space<vmem>> -> memref<80xi32, #tpu.memory_space<vmem>>
            %dma_wait3A_639 = arith.constant 0 : i32
            %dma_wait3A_640 = arith.constant 0 : i32
            %dma_wait3A_641 = tpu.memref_slice %arg5[%dma_wait3A_639, %dma_wait3A_640] : memref<50000x128xf32, #tpu.memory_space<hbm>> -> memref<50000x128xf32, #tpu.memory_space<hbm>>
            tpu.wait_indirect_dma semaphore(%arg15 : memref<!tpu.dma_semaphore, #tpu.memory_space<semaphore_mem>>) src(%dma_wait3A_641 : memref<50000x128xf32, #tpu.memory_space<hbm>>) dst(%dma_wait3A_637 : memref<80x128xf32, #tpu.memory_space<vmem>>)
            %scan3A_642 = arith.constant 0 : i32
            %scan3A_643 = arith.constant 0 : i32
            %scan3A_644 = arith.constant 5 : i32
            %scan3A_645 = arith.addi %scan3A_643, %scan3A_644 : i32
            %scan3A_646 = arith.constant 1 : i32
            %scan3A_647 = scf.for %scan3A_649 = %scan3A_643 to %scan3A_645 step %scan3A_646 iter_args(%scan3A_650 = %scan3A_642) -> (i32)  : i32 {
              %mul3A_651 = arith.constant 16 : i32
              %mul3A_652 = arith.muli %mul3A_651, %scan3A_649 : i32
              %add3A_653 = arith.addi %multiple_of3A_591, %mul3A_652 : i32
              %iota3A = tpu.iota {dimensions = array<i32: 0>} : vector<16xi32>
              %add3A_654 = vector.broadcast %add3A_653 : i32 to vector<16xi32>
              %add3A_655 = arith.addi %iota3A, %add3A_654 : vector<16xi32>
              %broadcast_in_dim3A_656 = arith.constant 51 : i32
              %broadcast_in_dim3A_657 = vector.broadcast %broadcast_in_dim3A_656 : i32 to vector<16xi32>
              %gather3A = tpu.vector_load_idx %arg13[%add3A_655, %broadcast_in_dim3A_657] : memref<400x128xf32, #tpu.memory_space<vmem>>[vector<16xi32>, vector<16xi32>], vector<16xf32>,
              %get3A_658 = arith.index_cast %add3A_653 : i32 to index
              %get3A_659 = tpu.vector_load %arg11[%get3A_658] {strides = array<i32>} : memref<480xi32, #tpu.memory_space<vmem>>, vector<16xi32>,
              %gather3A_660 = tpu.vector_load_idx %arg7[%get3A_659] : memref<8400xf32, #tpu.memory_space<vmem>>[vector<16xi32>], vector<16xf32>,
              %add3A_661 = arith.addf %gather3A, %gather3A_660 : vector<16xf32>
              %gt3A = arith.constant 0.000000e+00 : f32
              %gt3A_662 = vector.broadcast %gt3A : f32 to vector<16xf32>
              %gt3A_663 = arith.cmpf ogt, %add3A_661, %gt3A_662 : vector<16xf32>
              %mul3A_664 = arith.constant 2.000000e-01 : f32
              %mul3A_665 = vector.broadcast %mul3A_664 : f32 to vector<16xf32>
              %mul3A_666 = arith.mulf %mul3A_665, %add3A_661 : vector<16xf32>
              %select_n3A = arith.select %gt3A_663, %add3A_661, %mul3A_666 : vector<16xi1>, vector<16xf32>
              %min3A_667 = arith.constant 6.000000e+01 : f32
              %min3A_668 = vector.broadcast %min3A_667 : f32 to vector<16xf32>
              %min3A_669 = arith.minimumf %select_n3A, %min3A_668 : vector<16xf32>
              %exp3A = math.exp %min3A_669 : vector<16xf32>
              %slice3A_670 = vector.extract_strided_slice %exp3A {offsets = [0], sizes = [1], strides = [1]} : vector<16xf32> to vector<1xf32>
              %squeeze3A_671 = vector.extract %slice3A_670[0] : f32 from vector<1xf32>
              %add3A_672 = arith.constant 0 : i32
              %add3A_673 = arith.addi %add3A_653, %add3A_672 : i32
              %get3A_674 = arith.index_cast %add3A_673 : i32 to index
              %get3A_675 = arith.constant 0 : index
              %get3A_676 = tpu.vector_load %arg13[%get3A_674, %get3A_675] {strides = array<i32>} : memref<400x128xf32, #tpu.memory_space<vmem>>, vector<16xf32>,
              %mul3A_677 = vector.broadcast %squeeze3A_671 : f32 to vector<16xf32>
              %mul3A_678 = arith.mulf %get3A_676, %mul3A_677 : vector<16xf32>
              %swap3A_679 = arith.index_cast %add3A_673 : i32 to index
              %swap3A_680 = arith.constant 0 : index
              %swap3A_681 = tpu.vector_load %arg13[%swap3A_679, %swap3A_680] {strides = array<i32>} : memref<400x128xf32, #tpu.memory_space<vmem>>, vector<16xf32>,
              tpu.vector_store %arg13[%swap3A_679, %swap3A_680], %mul3A_678 {strides = array<i32>} : memref<400x128xf32, #tpu.memory_space<vmem>>, vector<16xf32>,
              %get3A_682 = arith.index_cast %add3A_673 : i32 to index
              %get3A_683 = arith.constant 16 : index
              %get3A_684 = tpu.vector_load %arg13[%get3A_682, %get3A_683] {strides = array<i32>} : memref<400x128xf32, #tpu.memory_space<vmem>>, vector<16xf32>,
              %mul3A_685 = vector.broadcast %squeeze3A_671 : f32 to vector<16xf32>
              %mul3A_686 = arith.mulf %get3A_684, %mul3A_685 : vector<16xf32>
              %swap3A_687 = arith.index_cast %add3A_673 : i32 to index
              %swap3A_688 = arith.constant 16 : index
              %swap3A_689 = tpu.vector_load %arg13[%swap3A_687, %swap3A_688] {strides = array<i32>} : memref<400x128xf32, #tpu.memory_space<vmem>>, vector<16xf32>,
              tpu.vector_store %arg13[%swap3A_687, %swap3A_688], %mul3A_686 {strides = array<i32>} : memref<400x128xf32, #tpu.memory_space<vmem>>, vector<16xf32>,
              %get3A_690 = arith.index_cast %add3A_673 : i32 to index
              %get3A_691 = arith.constant 32 : index
              %get3A_692 = tpu.vector_load %arg13[%get3A_690, %get3A_691] {strides = array<i32>} : memref<400x128xf32, #tpu.memory_space<vmem>>, vector<16xf32>,
              %mul3A_693 = vector.broadcast %squeeze3A_671 : f32 to vector<16xf32>
              %mul3A_694 = arith.mulf %get3A_692, %mul3A_693 : vector<16xf32>
              %swap3A_695 = arith.index_cast %add3A_673 : i32 to index
              %swap3A_696 = arith.constant 32 : index
              %swap3A_697 = tpu.vector_load %arg13[%swap3A_695, %swap3A_696] {strides = array<i32>} : memref<400x128xf32, #tpu.memory_space<vmem>>, vector<16xf32>,
              tpu.vector_store %arg13[%swap3A_695, %swap3A_696], %mul3A_694 {strides = array<i32>} : memref<400x128xf32, #tpu.memory_space<vmem>>, vector<16xf32>,
              %get3A_698 = arith.index_cast %add3A_673 : i32 to index
              %get3A_699 = arith.constant 48 : index
              %get3A_700 = tpu.vector_load %arg13[%get3A_698, %get3A_699] {strides = array<i32>} : memref<400x128xf32, #tpu.memory_space<vmem>>, vector<16xf32>,
              %mul3A_701 = vector.broadcast %squeeze3A_671 : f32 to vector<16xf32>
              %mul3A_702 = arith.mulf %get3A_700, %mul3A_701 : vector<16xf32>
              %swap3A_703 = arith.index_cast %add3A_673 : i32 to index
              %swap3A_704 = arith.constant 48 : index
              %swap3A_705 = tpu.vector_load %arg13[%swap3A_703, %swap3A_704] {strides = array<i32>} : memref<400x128xf32, #tpu.memory_space<vmem>>, vector<16xf32>,
              tpu.vector_store %arg13[%swap3A_703, %swap3A_704], %mul3A_702 {strides = array<i32>} : memref<400x128xf32, #tpu.memory_space<vmem>>, vector<16xf32>,
              %slice3A_706 = vector.extract_strided_slice %exp3A {offsets = [1], sizes = [1], strides = [1]} : vector<16xf32> to vector<1xf32>
              %squeeze3A_707 = vector.extract %slice3A_706[0] : f32 from vector<1xf32>
              %add3A_708 = arith.constant 1 : i32
              %add3A_709 = arith.addi %add3A_653, %add3A_708 : i32
              %get3A_710 = arith.index_cast %add3A_709 : i32 to index
              %get3A_711 = arith.constant 0 : index
              %get3A_712 = tpu.vector_load %arg13[%get3A_710, %get3A_711] {strides = array<i32>} : memref<400x128xf32, #tpu.memory_space<vmem>>, vector<16xf32>,
              %mul3A_713 = vector.broadcast %squeeze3A_707 : f32 to vector<16xf32>
              %mul3A_714 = arith.mulf %get3A_712, %mul3A_713 : vector<16xf32>
              %swap3A_715 = arith.index_cast %add3A_709 : i32 to index
              %swap3A_716 = arith.constant 0 : index
              %swap3A_717 = tpu.vector_load %arg13[%swap3A_715, %swap3A_716] {strides = array<i32>} : memref<400x128xf32, #tpu.memory_space<vmem>>, vector<16xf32>,
              tpu.vector_store %arg13[%swap3A_715, %swap3A_716], %mul3A_714 {strides = array<i32>} : memref<400x128xf32, #tpu.memory_space<vmem>>, vector<16xf32>,
              %get3A_718 = arith.index_cast %add3A_709 : i32 to index
              %get3A_719 = arith.constant 16 : index
              %get3A_720 = tpu.vector_load %arg13[%get3A_718, %get3A_719] {strides = array<i32>} : memref<400x128xf32, #tpu.memory_space<vmem>>, vector<16xf32>,
              %mul3A_721 = vector.broadcast %squeeze3A_707 : f32 to vector<16xf32>
              %mul3A_722 = arith.mulf %get3A_720, %mul3A_721 : vector<16xf32>
              %swap3A_723 = arith.index_cast %add3A_709 : i32 to index
              %swap3A_724 = arith.constant 16 : index
              %swap3A_725 = tpu.vector_load %arg13[%swap3A_723, %swap3A_724] {strides = array<i32>} : memref<400x128xf32, #tpu.memory_space<vmem>>, vector<16xf32>,
              tpu.vector_store %arg13[%swap3A_723, %swap3A_724], %mul3A_722 {strides = array<i32>} : memref<400x128xf32, #tpu.memory_space<vmem>>, vector<16xf32>,
              %get3A_726 = arith.index_cast %add3A_709 : i32 to index
              %get3A_727 = arith.constant 32 : index
              %get3A_728 = tpu.vector_load %arg13[%get3A_726, %get3A_727] {strides = array<i32>} : memref<400x128xf32, #tpu.memory_space<vmem>>, vector<16xf32>,
              %mul3A_729 = vector.broadcast %squeeze3A_707 : f32 to vector<16xf32>
              %mul3A_730 = arith.mulf %get3A_728, %mul3A_729 : vector<16xf32>
              %swap3A_731 = arith.index_cast %add3A_709 : i32 to index
              %swap3A_732 = arith.constant 32 : index
              %swap3A_733 = tpu.vector_load %arg13[%swap3A_731, %swap3A_732] {strides = array<i32>} : memref<400x128xf32, #tpu.memory_space<vmem>>, vector<16xf32>,
              tpu.vector_store %arg13[%swap3A_731, %swap3A_732], %mul3A_730 {strides = array<i32>} : memref<400x128xf32, #tpu.memory_space<vmem>>, vector<16xf32>,
              %get3A_734 = arith.index_cast %add3A_709 : i32 to index
              %get3A_735 = arith.constant 48 : index
              %get3A_736 = tpu.vector_load %arg13[%get3A_734, %get3A_735] {strides = array<i32>} : memref<400x128xf32, #tpu.memory_space<vmem>>, vector<16xf32>,
              %mul3A_737 = vector.broadcast %squeeze3A_707 : f32 to vector<16xf32>
              %mul3A_738 = arith.mulf %get3A_736, %mul3A_737 : vector<16xf32>
              %swap3A_739 = arith.index_cast %add3A_709 : i32 to index
              %swap3A_740 = arith.constant 48 : index
              %swap3A_741 = tpu.vector_load %arg13[%swap3A_739, %swap3A_740] {strides = array<i32>} : memref<400x128xf32, #tpu.memory_space<vmem>>, vector<16xf32>,
              tpu.vector_store %arg13[%swap3A_739, %swap3A_740], %mul3A_738 {strides = array<i32>} : memref<400x128xf32, #tpu.memory_space<vmem>>, vector<16xf32>,
              %slice3A_742 = vector.extract_strided_slice %exp3A {offsets = [2], sizes = [1], strides = [1]} : vector<16xf32> to vector<1xf32>
              %squeeze3A_743 = vector.extract %slice3A_742[0] : f32 from vector<1xf32>
              %add3A_744 = arith.constant 2 : i32
              %add3A_745 = arith.addi %add3A_653, %add3A_744 : i32
              %get3A_746 = arith.index_cast %add3A_745 : i32 to index
              %get3A_747 = arith.constant 0 : index
              %get3A_748 = tpu.vector_load %arg13[%get3A_746, %get3A_747] {strides = array<i32>} : memref<400x128xf32, #tpu.memory_space<vmem>>, vector<16xf32>,
              %mul3A_749 = vector.broadcast %squeeze3A_743 : f32 to vector<16xf32>
              %mul3A_750 = arith.mulf %get3A_748, %mul3A_749 : vector<16xf32>
              %swap3A_751 = arith.index_cast %add3A_745 : i32 to index
              %swap3A_752 = arith.constant 0 : index
              %swap3A_753 = tpu.vector_load %arg13[%swap3A_751, %swap3A_752] {strides = array<i32>} : memref<400x128xf32, #tpu.memory_space<vmem>>, vector<16xf32>,
              tpu.vector_store %arg13[%swap3A_751, %swap3A_752], %mul3A_750 {strides = array<i32>} : memref<400x128xf32, #tpu.memory_space<vmem>>, vector<16xf32>,
              %get3A_754 = arith.index_cast %add3A_745 : i32 to index
              %get3A_755 = arith.constant 16 : index
              %get3A_756 = tpu.vector_load %arg13[%get3A_754, %get3A_755] {strides = array<i32>} : memref<400x128xf32, #tpu.memory_space<vmem>>, vector<16xf32>,
              %mul3A_757 = vector.broadcast %squeeze3A_743 : f32 to vector<16xf32>
              %mul3A_758 = arith.mulf %get3A_756, %mul3A_757 : vector<16xf32>
              %swap3A_759 = arith.index_cast %add3A_745 : i32 to index
              %swap3A_760 = arith.constant 16 : index
              %swap3A_761 = tpu.vector_load %arg13[%swap3A_759, %swap3A_760] {strides = array<i32>} : memref<400x128xf32, #tpu.memory_space<vmem>>, vector<16xf32>,
              tpu.vector_store %arg13[%swap3A_759, %swap3A_760], %mul3A_758 {strides = array<i32>} : memref<400x128xf32, #tpu.memory_space<vmem>>, vector<16xf32>,
              %get3A_762 = arith.index_cast %add3A_745 : i32 to index
              %get3A_763 = arith.constant 32 : index
              %get3A_764 = tpu.vector_load %arg13[%get3A_762, %get3A_763] {strides = array<i32>} : memref<400x128xf32, #tpu.memory_space<vmem>>, vector<16xf32>,
              %mul3A_765 = vector.broadcast %squeeze3A_743 : f32 to vector<16xf32>
              %mul3A_766 = arith.mulf %get3A_764, %mul3A_765 : vector<16xf32>
              %swap3A_767 = arith.index_cast %add3A_745 : i32 to index
              %swap3A_768 = arith.constant 32 : index
              %swap3A_769 = tpu.vector_load %arg13[%swap3A_767, %swap3A_768] {strides = array<i32>} : memref<400x128xf32, #tpu.memory_space<vmem>>, vector<16xf32>,
              tpu.vector_store %arg13[%swap3A_767, %swap3A_768], %mul3A_766 {strides = array<i32>} : memref<400x128xf32, #tpu.memory_space<vmem>>, vector<16xf32>,
              %get3A_770 = arith.index_cast %add3A_745 : i32 to index
              %get3A_771 = arith.constant 48 : index
              %get3A_772 = tpu.vector_load %arg13[%get3A_770, %get3A_771] {strides = array<i32>} : memref<400x128xf32, #tpu.memory_space<vmem>>, vector<16xf32>,
              %mul3A_773 = vector.broadcast %squeeze3A_743 : f32 to vector<16xf32>
              %mul3A_774 = arith.mulf %get3A_772, %mul3A_773 : vector<16xf32>
              %swap3A_775 = arith.index_cast %add3A_745 : i32 to index
              %swap3A_776 = arith.constant 48 : index
              %swap3A_777 = tpu.vector_load %arg13[%swap3A_775, %swap3A_776] {strides = array<i32>} : memref<400x128xf32, #tpu.memory_space<vmem>>, vector<16xf32>,
              tpu.vector_store %arg13[%swap3A_775, %swap3A_776], %mul3A_774 {strides = array<i32>} : memref<400x128xf32, #tpu.memory_space<vmem>>, vector<16xf32>,
              %slice3A_778 = vector.extract_strided_slice %exp3A {offsets = [3], sizes = [1], strides = [1]} : vector<16xf32> to vector<1xf32>
              %squeeze3A_779 = vector.extract %slice3A_778[0] : f32 from vector<1xf32>
              %add3A_780 = arith.constant 3 : i32
              %add3A_781 = arith.addi %add3A_653, %add3A_780 : i32
              %get3A_782 = arith.index_cast %add3A_781 : i32 to index
              %get3A_783 = arith.constant 0 : index
              %get3A_784 = tpu.vector_load %arg13[%get3A_782, %get3A_783] {strides = array<i32>} : memref<400x128xf32, #tpu.memory_space<vmem>>, vector<16xf32>,
              %mul3A_785 = vector.broadcast %squeeze3A_779 : f32 to vector<16xf32>
              %mul3A_786 = arith.mulf %get3A_784, %mul3A_785 : vector<16xf32>
              %swap3A_787 = arith.index_cast %add3A_781 : i32 to index
              %swap3A_788 = arith.constant 0 : index
              %swap3A_789 = tpu.vector_load %arg13[%swap3A_787, %swap3A_788] {strides = array<i32>} : memref<400x128xf32, #tpu.memory_space<vmem>>, vector<16xf32>,
              tpu.vector_store %arg13[%swap3A_787, %swap3A_788], %mul3A_786 {strides = array<i32>} : memref<400x128xf32, #tpu.memory_space<vmem>>, vector<16xf32>,
              %get3A_790 = arith.index_cast %add3A_781 : i32 to index
              %get3A_791 = arith.constant 16 : index
              %get3A_792 = tpu.vector_load %arg13[%get3A_790, %get3A_791] {strides = array<i32>} : memref<400x128xf32, #tpu.memory_space<vmem>>, vector<16xf32>,
              %mul3A_793 = vector.broadcast %squeeze3A_779 : f32 to vector<16xf32>
              %mul3A_794 = arith.mulf %get3A_792, %mul3A_793 : vector<16xf32>
              %swap3A_795 = arith.index_cast %add3A_781 : i32 to index
              %swap3A_796 = arith.constant 16 : index
              %swap3A_797 = tpu.vector_load %arg13[%swap3A_795, %swap3A_796] {strides = array<i32>} : memref<400x128xf32, #tpu.memory_space<vmem>>, vector<16xf32>,
              tpu.vector_store %arg13[%swap3A_795, %swap3A_796], %mul3A_794 {strides = array<i32>} : memref<400x128xf32, #tpu.memory_space<vmem>>, vector<16xf32>,
              %get3A_798 = arith.index_cast %add3A_781 : i32 to index
              %get3A_799 = arith.constant 32 : index
              %get3A_800 = tpu.vector_load %arg13[%get3A_798, %get3A_799] {strides = array<i32>} : memref<400x128xf32, #tpu.memory_space<vmem>>, vector<16xf32>,
              %mul3A_801 = vector.broadcast %squeeze3A_779 : f32 to vector<16xf32>
              %mul3A_802 = arith.mulf %get3A_800, %mul3A_801 : vector<16xf32>
              %swap3A_803 = arith.index_cast %add3A_781 : i32 to index
              %swap3A_804 = arith.constant 32 : index
              %swap3A_805 = tpu.vector_load %arg13[%swap3A_803, %swap3A_804] {strides = array<i32>} : memref<400x128xf32, #tpu.memory_space<vmem>>, vector<16xf32>,
              tpu.vector_store %arg13[%swap3A_803, %swap3A_804], %mul3A_802 {strides = array<i32>} : memref<400x128xf32, #tpu.memory_space<vmem>>, vector<16xf32>,
              %get3A_806 = arith.index_cast %add3A_781 : i32 to index
              %get3A_807 = arith.constant 48 : index
              %get3A_808 = tpu.vector_load %arg13[%get3A_806, %get3A_807] {strides = array<i32>} : memref<400x128xf32, #tpu.memory_space<vmem>>, vector<16xf32>,
              %mul3A_809 = vector.broadcast %squeeze3A_779 : f32 to vector<16xf32>
              %mul3A_810 = arith.mulf %get3A_808, %mul3A_809 : vector<16xf32>
              %swap3A_811 = arith.index_cast %add3A_781 : i32 to index
              %swap3A_812 = arith.constant 48 : index
              %swap3A_813 = tpu.vector_load %arg13[%swap3A_811, %swap3A_812] {strides = array<i32>} : memref<400x128xf32, #tpu.memory_space<vmem>>, vector<16xf32>,
              tpu.vector_store %arg13[%swap3A_811, %swap3A_812], %mul3A_810 {strides = array<i32>} : memref<400x128xf32, #tpu.memory_space<vmem>>, vector<16xf32>,
              %slice3A_814 = vector.extract_strided_slice %exp3A {offsets = [4], sizes = [1], strides = [1]} : vector<16xf32> to vector<1xf32>
              %squeeze3A_815 = vector.extract %slice3A_814[0] : f32 from vector<1xf32>
              %add3A_816 = arith.constant 4 : i32
              %add3A_817 = arith.addi %add3A_653, %add3A_816 : i32
              %get3A_818 = arith.index_cast %add3A_817 : i32 to index
              %get3A_819 = arith.constant 0 : index
              %get3A_820 = tpu.vector_load %arg13[%get3A_818, %get3A_819] {strides = array<i32>} : memref<400x128xf32, #tpu.memory_space<vmem>>, vector<16xf32>,
              %mul3A_821 = vector.broadcast %squeeze3A_815 : f32 to vector<16xf32>
              %mul3A_822 = arith.mulf %get3A_820, %mul3A_821 : vector<16xf32>
              %swap3A_823 = arith.index_cast %add3A_817 : i32 to index
              %swap3A_824 = arith.constant 0 : index
              %swap3A_825 = tpu.vector_load %arg13[%swap3A_823, %swap3A_824] {strides = array<i32>} : memref<400x128xf32, #tpu.memory_space<vmem>>, vector<16xf32>,
              tpu.vector_store %arg13[%swap3A_823, %swap3A_824], %mul3A_822 {strides = array<i32>} : memref<400x128xf32, #tpu.memory_space<vmem>>, vector<16xf32>,
              %get3A_826 = arith.index_cast %add3A_817 : i32 to index
              %get3A_827 = arith.constant 16 : index
              %get3A_828 = tpu.vector_load %arg13[%get3A_826, %get3A_827] {strides = array<i32>} : memref<400x128xf32, #tpu.memory_space<vmem>>, vector<16xf32>,
              %mul3A_829 = vector.broadcast %squeeze3A_815 : f32 to vector<16xf32>
              %mul3A_830 = arith.mulf %get3A_828, %mul3A_829 : vector<16xf32>
              %swap3A_831 = arith.index_cast %add3A_817 : i32 to index
              %swap3A_832 = arith.constant 16 : index
              %swap3A_833 = tpu.vector_load %arg13[%swap3A_831, %swap3A_832] {strides = array<i32>} : memref<400x128xf32, #tpu.memory_space<vmem>>, vector<16xf32>,
              tpu.vector_store %arg13[%swap3A_831, %swap3A_832], %mul3A_830 {strides = array<i32>} : memref<400x128xf32, #tpu.memory_space<vmem>>, vector<16xf32>,
              %get3A_834 = arith.index_cast %add3A_817 : i32 to index
              %get3A_835 = arith.constant 32 : index
              %get3A_836 = tpu.vector_load %arg13[%get3A_834, %get3A_835] {strides = array<i32>} : memref<400x128xf32, #tpu.memory_space<vmem>>, vector<16xf32>,
              %mul3A_837 = vector.broadcast %squeeze3A_815 : f32 to vector<16xf32>
              %mul3A_838 = arith.mulf %get3A_836, %mul3A_837 : vector<16xf32>
              %swap3A_839 = arith.index_cast %add3A_817 : i32 to index
              %swap3A_840 = arith.constant 32 : index
              %swap3A_841 = tpu.vector_load %arg13[%swap3A_839, %swap3A_840] {strides = array<i32>} : memref<400x128xf32, #tpu.memory_space<vmem>>, vector<16xf32>,
              tpu.vector_store %arg13[%swap3A_839, %swap3A_840], %mul3A_838 {strides = array<i32>} : memref<400x128xf32, #tpu.memory_space<vmem>>, vector<16xf32>,
              %get3A_842 = arith.index_cast %add3A_817 : i32 to index
              %get3A_843 = arith.constant 48 : index
              %get3A_844 = tpu.vector_load %arg13[%get3A_842, %get3A_843] {strides = array<i32>} : memref<400x128xf32, #tpu.memory_space<vmem>>, vector<16xf32>,
              %mul3A_845 = vector.broadcast %squeeze3A_815 : f32 to vector<16xf32>
              %mul3A_846 = arith.mulf %get3A_844, %mul3A_845 : vector<16xf32>
              %swap3A_847 = arith.index_cast %add3A_817 : i32 to index
              %swap3A_848 = arith.constant 48 : index
              %swap3A_849 = tpu.vector_load %arg13[%swap3A_847, %swap3A_848] {strides = array<i32>} : memref<400x128xf32, #tpu.memory_space<vmem>>, vector<16xf32>,
              tpu.vector_store %arg13[%swap3A_847, %swap3A_848], %mul3A_846 {strides = array<i32>} : memref<400x128xf32, #tpu.memory_space<vmem>>, vector<16xf32>,
              %slice3A_850 = vector.extract_strided_slice %exp3A {offsets = [5], sizes = [1], strides = [1]} : vector<16xf32> to vector<1xf32>
              %squeeze3A_851 = vector.extract %slice3A_850[0] : f32 from vector<1xf32>
              %add3A_852 = arith.constant 5 : i32
              %add3A_853 = arith.addi %add3A_653, %add3A_852 : i32
              %get3A_854 = arith.index_cast %add3A_853 : i32 to index
              %get3A_855 = arith.constant 0 : index
              %get3A_856 = tpu.vector_load %arg13[%get3A_854, %get3A_855] {strides = array<i32>} : memref<400x128xf32, #tpu.memory_space<vmem>>, vector<16xf32>,
              %mul3A_857 = vector.broadcast %squeeze3A_851 : f32 to vector<16xf32>
              %mul3A_858 = arith.mulf %get3A_856, %mul3A_857 : vector<16xf32>
              %swap3A_859 = arith.index_cast %add3A_853 : i32 to index
              %swap3A_860 = arith.constant 0 : index
              %swap3A_861 = tpu.vector_load %arg13[%swap3A_859, %swap3A_860] {strides = array<i32>} : memref<400x128xf32, #tpu.memory_space<vmem>>, vector<16xf32>,
              tpu.vector_store %arg13[%swap3A_859, %swap3A_860], %mul3A_858 {strides = array<i32>} : memref<400x128xf32, #tpu.memory_space<vmem>>, vector<16xf32>,
              %get3A_862 = arith.index_cast %add3A_853 : i32 to index
              %get3A_863 = arith.constant 16 : index
              %get3A_864 = tpu.vector_load %arg13[%get3A_862, %get3A_863] {strides = array<i32>} : memref<400x128xf32, #tpu.memory_space<vmem>>, vector<16xf32>,
              %mul3A_865 = vector.broadcast %squeeze3A_851 : f32 to vector<16xf32>
              %mul3A_866 = arith.mulf %get3A_864, %mul3A_865 : vector<16xf32>
              %swap3A_867 = arith.index_cast %add3A_853 : i32 to index
              %swap3A_868 = arith.constant 16 : index
              %swap3A_869 = tpu.vector_load %arg13[%swap3A_867, %swap3A_868] {strides = array<i32>} : memref<400x128xf32, #tpu.memory_space<vmem>>, vector<16xf32>,
              tpu.vector_store %arg13[%swap3A_867, %swap3A_868], %mul3A_866 {strides = array<i32>} : memref<400x128xf32, #tpu.memory_space<vmem>>, vector<16xf32>,
              %get3A_870 = arith.index_cast %add3A_853 : i32 to index
              %get3A_871 = arith.constant 32 : index
              %get3A_872 = tpu.vector_load %arg13[%get3A_870, %get3A_871] {strides = array<i32>} : memref<400x128xf32, #tpu.memory_space<vmem>>, vector<16xf32>,
              %mul3A_873 = vector.broadcast %squeeze3A_851 : f32 to vector<16xf32>
              %mul3A_874 = arith.mulf %get3A_872, %mul3A_873 : vector<16xf32>
              %swap3A_875 = arith.index_cast %add3A_853 : i32 to index
              %swap3A_876 = arith.constant 32 : index
              %swap3A_877 = tpu.vector_load %arg13[%swap3A_875, %swap3A_876] {strides = array<i32>} : memref<400x128xf32, #tpu.memory_space<vmem>>, vector<16xf32>,
              tpu.vector_store %arg13[%swap3A_875, %swap3A_876], %mul3A_874 {strides = array<i32>} : memref<400x128xf32, #tpu.memory_space<vmem>>, vector<16xf32>,
              %get3A_878 = arith.index_cast %add3A_853 : i32 to index
              %get3A_879 = arith.constant 48 : index
              %get3A_880 = tpu.vector_load %arg13[%get3A_878, %get3A_879] {strides = array<i32>} : memref<400x128xf32, #tpu.memory_space<vmem>>, vector<16xf32>,
              %mul3A_881 = vector.broadcast %squeeze3A_851 : f32 to vector<16xf32>
              %mul3A_882 = arith.mulf %get3A_880, %mul3A_881 : vector<16xf32>
              %swap3A_883 = arith.index_cast %add3A_853 : i32 to index
              %swap3A_884 = arith.constant 48 : index
              %swap3A_885 = tpu.vector_load %arg13[%swap3A_883, %swap3A_884] {strides = array<i32>} : memref<400x128xf32, #tpu.memory_space<vmem>>, vector<16xf32>,
              tpu.vector_store %arg13[%swap3A_883, %swap3A_884], %mul3A_882 {strides = array<i32>} : memref<400x128xf32, #tpu.memory_space<vmem>>, vector<16xf32>,
              %slice3A_886 = vector.extract_strided_slice %exp3A {offsets = [6], sizes = [1], strides = [1]} : vector<16xf32> to vector<1xf32>
              %squeeze3A_887 = vector.extract %slice3A_886[0] : f32 from vector<1xf32>
              %add3A_888 = arith.constant 6 : i32
              %add3A_889 = arith.addi %add3A_653, %add3A_888 : i32
              %get3A_890 = arith.index_cast %add3A_889 : i32 to index
              %get3A_891 = arith.constant 0 : index
              %get3A_892 = tpu.vector_load %arg13[%get3A_890, %get3A_891] {strides = array<i32>} : memref<400x128xf32, #tpu.memory_space<vmem>>, vector<16xf32>,
              %mul3A_893 = vector.broadcast %squeeze3A_887 : f32 to vector<16xf32>
              %mul3A_894 = arith.mulf %get3A_892, %mul3A_893 : vector<16xf32>
              %swap3A_895 = arith.index_cast %add3A_889 : i32 to index
              %swap3A_896 = arith.constant 0 : index
              %swap3A_897 = tpu.vector_load %arg13[%swap3A_895, %swap3A_896] {strides = array<i32>} : memref<400x128xf32, #tpu.memory_space<vmem>>, vector<16xf32>,
              tpu.vector_store %arg13[%swap3A_895, %swap3A_896], %mul3A_894 {strides = array<i32>} : memref<400x128xf32, #tpu.memory_space<vmem>>, vector<16xf32>,
              %get3A_898 = arith.index_cast %add3A_889 : i32 to index
              %get3A_899 = arith.constant 16 : index
              %get3A_900 = tpu.vector_load %arg13[%get3A_898, %get3A_899] {strides = array<i32>} : memref<400x128xf32, #tpu.memory_space<vmem>>, vector<16xf32>,
              %mul3A_901 = vector.broadcast %squeeze3A_887 : f32 to vector<16xf32>
              %mul3A_902 = arith.mulf %get3A_900, %mul3A_901 : vector<16xf32>
              %swap3A_903 = arith.index_cast %add3A_889 : i32 to index
              %swap3A_904 = arith.constant 16 : index
              %swap3A_905 = tpu.vector_load %arg13[%swap3A_903, %swap3A_904] {strides = array<i32>} : memref<400x128xf32, #tpu.memory_space<vmem>>, vector<16xf32>,
              tpu.vector_store %arg13[%swap3A_903, %swap3A_904], %mul3A_902 {strides = array<i32>} : memref<400x128xf32, #tpu.memory_space<vmem>>, vector<16xf32>,
              %get3A_906 = arith.index_cast %add3A_889 : i32 to index
              %get3A_907 = arith.constant 32 : index
              %get3A_908 = tpu.vector_load %arg13[%get3A_906, %get3A_907] {strides = array<i32>} : memref<400x128xf32, #tpu.memory_space<vmem>>, vector<16xf32>,
              %mul3A_909 = vector.broadcast %squeeze3A_887 : f32 to vector<16xf32>
              %mul3A_910 = arith.mulf %get3A_908, %mul3A_909 : vector<16xf32>
              %swap3A_911 = arith.index_cast %add3A_889 : i32 to index
              %swap3A_912 = arith.constant 32 : index
              %swap3A_913 = tpu.vector_load %arg13[%swap3A_911, %swap3A_912] {strides = array<i32>} : memref<400x128xf32, #tpu.memory_space<vmem>>, vector<16xf32>,
              tpu.vector_store %arg13[%swap3A_911, %swap3A_912], %mul3A_910 {strides = array<i32>} : memref<400x128xf32, #tpu.memory_space<vmem>>, vector<16xf32>,
              %get3A_914 = arith.index_cast %add3A_889 : i32 to index
              %get3A_915 = arith.constant 48 : index
              %get3A_916 = tpu.vector_load %arg13[%get3A_914, %get3A_915] {strides = array<i32>} : memref<400x128xf32, #tpu.memory_space<vmem>>, vector<16xf32>,
              %mul3A_917 = vector.broadcast %squeeze3A_887 : f32 to vector<16xf32>
              %mul3A_918 = arith.mulf %get3A_916, %mul3A_917 : vector<16xf32>
              %swap3A_919 = arith.index_cast %add3A_889 : i32 to index
              %swap3A_920 = arith.constant 48 : index
              %swap3A_921 = tpu.vector_load %arg13[%swap3A_919, %swap3A_920] {strides = array<i32>} : memref<400x128xf32, #tpu.memory_space<vmem>>, vector<16xf32>,
              tpu.vector_store %arg13[%swap3A_919, %swap3A_920], %mul3A_918 {strides = array<i32>} : memref<400x128xf32, #tpu.memory_space<vmem>>, vector<16xf32>,
              %slice3A_922 = vector.extract_strided_slice %exp3A {offsets = [7], sizes = [1], strides = [1]} : vector<16xf32> to vector<1xf32>
              %squeeze3A_923 = vector.extract %slice3A_922[0] : f32 from vector<1xf32>
              %add3A_924 = arith.constant 7 : i32
              %add3A_925 = arith.addi %add3A_653, %add3A_924 : i32
              %get3A_926 = arith.index_cast %add3A_925 : i32 to index
              %get3A_927 = arith.constant 0 : index
              %get3A_928 = tpu.vector_load %arg13[%get3A_926, %get3A_927] {strides = array<i32>} : memref<400x128xf32, #tpu.memory_space<vmem>>, vector<16xf32>,
              %mul3A_929 = vector.broadcast %squeeze3A_923 : f32 to vector<16xf32>
              %mul3A_930 = arith.mulf %get3A_928, %mul3A_929 : vector<16xf32>
              %swap3A_931 = arith.index_cast %add3A_925 : i32 to index
              %swap3A_932 = arith.constant 0 : index
              %swap3A_933 = tpu.vector_load %arg13[%swap3A_931, %swap3A_932] {strides = array<i32>} : memref<400x128xf32, #tpu.memory_space<vmem>>, vector<16xf32>,
              tpu.vector_store %arg13[%swap3A_931, %swap3A_932], %mul3A_930 {strides = array<i32>} : memref<400x128xf32, #tpu.memory_space<vmem>>, vector<16xf32>,
              %get3A_934 = arith.index_cast %add3A_925 : i32 to index
              %get3A_935 = arith.constant 16 : index
              %get3A_936 = tpu.vector_load %arg13[%get3A_934, %get3A_935] {strides = array<i32>} : memref<400x128xf32, #tpu.memory_space<vmem>>, vector<16xf32>,
              %mul3A_937 = vector.broadcast %squeeze3A_923 : f32 to vector<16xf32>
              %mul3A_938 = arith.mulf %get3A_936, %mul3A_937 : vector<16xf32>
              %swap3A_939 = arith.index_cast %add3A_925 : i32 to index
              %swap3A_940 = arith.constant 16 : index
              %swap3A_941 = tpu.vector_load %arg13[%swap3A_939, %swap3A_940] {strides = array<i32>} : memref<400x128xf32, #tpu.memory_space<vmem>>, vector<16xf32>,
              tpu.vector_store %arg13[%swap3A_939, %swap3A_940], %mul3A_938 {strides = array<i32>} : memref<400x128xf32, #tpu.memory_space<vmem>>, vector<16xf32>,
              %get3A_942 = arith.index_cast %add3A_925 : i32 to index
              %get3A_943 = arith.constant 32 : index
              %get3A_944 = tpu.vector_load %arg13[%get3A_942, %get3A_943] {strides = array<i32>} : memref<400x128xf32, #tpu.memory_space<vmem>>, vector<16xf32>,
              %mul3A_945 = vector.broadcast %squeeze3A_923 : f32 to vector<16xf32>
              %mul3A_946 = arith.mulf %get3A_944, %mul3A_945 : vector<16xf32>
              %swap3A_947 = arith.index_cast %add3A_925 : i32 to index
              %swap3A_948 = arith.constant 32 : index
              %swap3A_949 = tpu.vector_load %arg13[%swap3A_947, %swap3A_948] {strides = array<i32>} : memref<400x128xf32, #tpu.memory_space<vmem>>, vector<16xf32>,
              tpu.vector_store %arg13[%swap3A_947, %swap3A_948], %mul3A_946 {strides = array<i32>} : memref<400x128xf32, #tpu.memory_space<vmem>>, vector<16xf32>,
              %get3A_950 = arith.index_cast %add3A_925 : i32 to index
              %get3A_951 = arith.constant 48 : index
              %get3A_952 = tpu.vector_load %arg13[%get3A_950, %get3A_951] {strides = array<i32>} : memref<400x128xf32, #tpu.memory_space<vmem>>, vector<16xf32>,
              %mul3A_953 = vector.broadcast %squeeze3A_923 : f32 to vector<16xf32>
              %mul3A_954 = arith.mulf %get3A_952, %mul3A_953 : vector<16xf32>
              %swap3A_955 = arith.index_cast %add3A_925 : i32 to index
              %swap3A_956 = arith.constant 48 : index
              %swap3A_957 = tpu.vector_load %arg13[%swap3A_955, %swap3A_956] {strides = array<i32>} : memref<400x128xf32, #tpu.memory_space<vmem>>, vector<16xf32>,
              tpu.vector_store %arg13[%swap3A_955, %swap3A_956], %mul3A_954 {strides = array<i32>} : memref<400x128xf32, #tpu.memory_space<vmem>>, vector<16xf32>,
              %slice3A_958 = vector.extract_strided_slice %exp3A {offsets = [8], sizes = [1], strides = [1]} : vector<16xf32> to vector<1xf32>
              %squeeze3A_959 = vector.extract %slice3A_958[0] : f32 from vector<1xf32>
              %add3A_960 = arith.constant 8 : i32
              %add3A_961 = arith.addi %add3A_653, %add3A_960 : i32
              %get3A_962 = arith.index_cast %add3A_961 : i32 to index
              %get3A_963 = arith.constant 0 : index
              %get3A_964 = tpu.vector_load %arg13[%get3A_962, %get3A_963] {strides = array<i32>} : memref<400x128xf32, #tpu.memory_space<vmem>>, vector<16xf32>,
              %mul3A_965 = vector.broadcast %squeeze3A_959 : f32 to vector<16xf32>
              %mul3A_966 = arith.mulf %get3A_964, %mul3A_965 : vector<16xf32>
              %swap3A_967 = arith.index_cast %add3A_961 : i32 to index
              %swap3A_968 = arith.constant 0 : index
              %swap3A_969 = tpu.vector_load %arg13[%swap3A_967, %swap3A_968] {strides = array<i32>} : memref<400x128xf32, #tpu.memory_space<vmem>>, vector<16xf32>,
              tpu.vector_store %arg13[%swap3A_967, %swap3A_968], %mul3A_966 {strides = array<i32>} : memref<400x128xf32, #tpu.memory_space<vmem>>, vector<16xf32>,
              %get3A_970 = arith.index_cast %add3A_961 : i32 to index
              %get3A_971 = arith.constant 16 : index
              %get3A_972 = tpu.vector_load %arg13[%get3A_970, %get3A_971] {strides = array<i32>} : memref<400x128xf32, #tpu.memory_space<vmem>>, vector<16xf32>,
              %mul3A_973 = vector.broadcast %squeeze3A_959 : f32 to vector<16xf32>
              %mul3A_974 = arith.mulf %get3A_972, %mul3A_973 : vector<16xf32>
              %swap3A_975 = arith.index_cast %add3A_961 : i32 to index
              %swap3A_976 = arith.constant 16 : index
              %swap3A_977 = tpu.vector_load %arg13[%swap3A_975, %swap3A_976] {strides = array<i32>} : memref<400x128xf32, #tpu.memory_space<vmem>>, vector<16xf32>,
              tpu.vector_store %arg13[%swap3A_975, %swap3A_976], %mul3A_974 {strides = array<i32>} : memref<400x128xf32, #tpu.memory_space<vmem>>, vector<16xf32>,
              %get3A_978 = arith.index_cast %add3A_961 : i32 to index
              %get3A_979 = arith.constant 32 : index
              %get3A_980 = tpu.vector_load %arg13[%get3A_978, %get3A_979] {strides = array<i32>} : memref<400x128xf32, #tpu.memory_space<vmem>>, vector<16xf32>,
              %mul3A_981 = vector.broadcast %squeeze3A_959 : f32 to vector<16xf32>
              %mul3A_982 = arith.mulf %get3A_980, %mul3A_981 : vector<16xf32>
              %swap3A_983 = arith.index_cast %add3A_961 : i32 to index
              %swap3A_984 = arith.constant 32 : index
              %swap3A_985 = tpu.vector_load %arg13[%swap3A_983, %swap3A_984] {strides = array<i32>} : memref<400x128xf32, #tpu.memory_space<vmem>>, vector<16xf32>,
              tpu.vector_store %arg13[%swap3A_983, %swap3A_984], %mul3A_982 {strides = array<i32>} : memref<400x128xf32, #tpu.memory_space<vmem>>, vector<16xf32>,
              %get3A_986 = arith.index_cast %add3A_961 : i32 to index
              %get3A_987 = arith.constant 48 : index
              %get3A_988 = tpu.vector_load %arg13[%get3A_986, %get3A_987] {strides = array<i32>} : memref<400x128xf32, #tpu.memory_space<vmem>>, vector<16xf32>,
              %mul3A_989 = vector.broadcast %squeeze3A_959 : f32 to vector<16xf32>
              %mul3A_990 = arith.mulf %get3A_988, %mul3A_989 : vector<16xf32>
              %swap3A_991 = arith.index_cast %add3A_961 : i32 to index
              %swap3A_992 = arith.constant 48 : index
              %swap3A_993 = tpu.vector_load %arg13[%swap3A_991, %swap3A_992] {strides = array<i32>} : memref<400x128xf32, #tpu.memory_space<vmem>>, vector<16xf32>,
              tpu.vector_store %arg13[%swap3A_991, %swap3A_992], %mul3A_990 {strides = array<i32>} : memref<400x128xf32, #tpu.memory_space<vmem>>, vector<16xf32>,
              %slice3A_994 = vector.extract_strided_slice %exp3A {offsets = [9], sizes = [1], strides = [1]} : vector<16xf32> to vector<1xf32>
              %squeeze3A_995 = vector.extract %slice3A_994[0] : f32 from vector<1xf32>
              %add3A_996 = arith.constant 9 : i32
              %add3A_997 = arith.addi %add3A_653, %add3A_996 : i32
              %get3A_998 = arith.index_cast %add3A_997 : i32 to index
              %get3A_999 = arith.constant 0 : index
              %get3A_1000 = tpu.vector_load %arg13[%get3A_998, %get3A_999] {strides = array<i32>} : memref<400x128xf32, #tpu.memory_space<vmem>>, vector<16xf32>,
              %mul3A_1001 = vector.broadcast %squeeze3A_995 : f32 to vector<16xf32>
              %mul3A_1002 = arith.mulf %get3A_1000, %mul3A_1001 : vector<16xf32>
              %swap3A_1003 = arith.index_cast %add3A_997 : i32 to index
              %swap3A_1004 = arith.constant 0 : index
              %swap3A_1005 = tpu.vector_load %arg13[%swap3A_1003, %swap3A_1004] {strides = array<i32>} : memref<400x128xf32, #tpu.memory_space<vmem>>, vector<16xf32>,
              tpu.vector_store %arg13[%swap3A_1003, %swap3A_1004], %mul3A_1002 {strides = array<i32>} : memref<400x128xf32, #tpu.memory_space<vmem>>, vector<16xf32>,
              %get3A_1006 = arith.index_cast %add3A_997 : i32 to index
              %get3A_1007 = arith.constant 16 : index
              %get3A_1008 = tpu.vector_load %arg13[%get3A_1006, %get3A_1007] {strides = array<i32>} : memref<400x128xf32, #tpu.memory_space<vmem>>, vector<16xf32>,
              %mul3A_1009 = vector.broadcast %squeeze3A_995 : f32 to vector<16xf32>
              %mul3A_1010 = arith.mulf %get3A_1008, %mul3A_1009 : vector<16xf32>
              %swap3A_1011 = arith.index_cast %add3A_997 : i32 to index
              %swap3A_1012 = arith.constant 16 : index
              %swap3A_1013 = tpu.vector_load %arg13[%swap3A_1011, %swap3A_1012] {strides = array<i32>} : memref<400x128xf32, #tpu.memory_space<vmem>>, vector<16xf32>,
              tpu.vector_store %arg13[%swap3A_1011, %swap3A_1012], %mul3A_1010 {strides = array<i32>} : memref<400x128xf32, #tpu.memory_space<vmem>>, vector<16xf32>,
              %get3A_1014 = arith.index_cast %add3A_997 : i32 to index
              %get3A_1015 = arith.constant 32 : index
              %get3A_1016 = tpu.vector_load %arg13[%get3A_1014, %get3A_1015] {strides = array<i32>} : memref<400x128xf32, #tpu.memory_space<vmem>>, vector<16xf32>,
              %mul3A_1017 = vector.broadcast %squeeze3A_995 : f32 to vector<16xf32>
              %mul3A_1018 = arith.mulf %get3A_1016, %mul3A_1017 : vector<16xf32>
              %swap3A_1019 = arith.index_cast %add3A_997 : i32 to index
              %swap3A_1020 = arith.constant 32 : index
              %swap3A_1021 = tpu.vector_load %arg13[%swap3A_1019, %swap3A_1020] {strides = array<i32>} : memref<400x128xf32, #tpu.memory_space<vmem>>, vector<16xf32>,
              tpu.vector_store %arg13[%swap3A_1019, %swap3A_1020], %mul3A_1018 {strides = array<i32>} : memref<400x128xf32, #tpu.memory_space<vmem>>, vector<16xf32>,
              %get3A_1022 = arith.index_cast %add3A_997 : i32 to index
              %get3A_1023 = arith.constant 48 : index
              %get3A_1024 = tpu.vector_load %arg13[%get3A_1022, %get3A_1023] {strides = array<i32>} : memref<400x128xf32, #tpu.memory_space<vmem>>, vector<16xf32>,
              %mul3A_1025 = vector.broadcast %squeeze3A_995 : f32 to vector<16xf32>
              %mul3A_1026 = arith.mulf %get3A_1024, %mul3A_1025 : vector<16xf32>
              %swap3A_1027 = arith.index_cast %add3A_997 : i32 to index
              %swap3A_1028 = arith.constant 48 : index
              %swap3A_1029 = tpu.vector_load %arg13[%swap3A_1027, %swap3A_1028] {strides = array<i32>} : memref<400x128xf32, #tpu.memory_space<vmem>>, vector<16xf32>,
              tpu.vector_store %arg13[%swap3A_1027, %swap3A_1028], %mul3A_1026 {strides = array<i32>} : memref<400x128xf32, #tpu.memory_space<vmem>>, vector<16xf32>,
              %slice3A_1030 = vector.extract_strided_slice %exp3A {offsets = [10], sizes = [1], strides = [1]} : vector<16xf32> to vector<1xf32>
              %squeeze3A_1031 = vector.extract %slice3A_1030[0] : f32 from vector<1xf32>
              %add3A_1032 = arith.constant 10 : i32
              %add3A_1033 = arith.addi %add3A_653, %add3A_1032 : i32
              %get3A_1034 = arith.index_cast %add3A_1033 : i32 to index
              %get3A_1035 = arith.constant 0 : index
              %get3A_1036 = tpu.vector_load %arg13[%get3A_1034, %get3A_1035] {strides = array<i32>} : memref<400x128xf32, #tpu.memory_space<vmem>>, vector<16xf32>,
              %mul3A_1037 = vector.broadcast %squeeze3A_1031 : f32 to vector<16xf32>
              %mul3A_1038 = arith.mulf %get3A_1036, %mul3A_1037 : vector<16xf32>
              %swap3A_1039 = arith.index_cast %add3A_1033 : i32 to index
              %swap3A_1040 = arith.constant 0 : index
              %swap3A_1041 = tpu.vector_load %arg13[%swap3A_1039, %swap3A_1040] {strides = array<i32>} : memref<400x128xf32, #tpu.memory_space<vmem>>, vector<16xf32>,
              tpu.vector_store %arg13[%swap3A_1039, %swap3A_1040], %mul3A_1038 {strides = array<i32>} : memref<400x128xf32, #tpu.memory_space<vmem>>, vector<16xf32>,
              %get3A_1042 = arith.index_cast %add3A_1033 : i32 to index
              %get3A_1043 = arith.constant 16 : index
              %get3A_1044 = tpu.vector_load %arg13[%get3A_1042, %get3A_1043] {strides = array<i32>} : memref<400x128xf32, #tpu.memory_space<vmem>>, vector<16xf32>,
              %mul3A_1045 = vector.broadcast %squeeze3A_1031 : f32 to vector<16xf32>
              %mul3A_1046 = arith.mulf %get3A_1044, %mul3A_1045 : vector<16xf32>
              %swap3A_1047 = arith.index_cast %add3A_1033 : i32 to index
              %swap3A_1048 = arith.constant 16 : index
              %swap3A_1049 = tpu.vector_load %arg13[%swap3A_1047, %swap3A_1048] {strides = array<i32>} : memref<400x128xf32, #tpu.memory_space<vmem>>, vector<16xf32>,
              tpu.vector_store %arg13[%swap3A_1047, %swap3A_1048], %mul3A_1046 {strides = array<i32>} : memref<400x128xf32, #tpu.memory_space<vmem>>, vector<16xf32>,
              %get3A_1050 = arith.index_cast %add3A_1033 : i32 to index
              %get3A_1051 = arith.constant 32 : index
              %get3A_1052 = tpu.vector_load %arg13[%get3A_1050, %get3A_1051] {strides = array<i32>} : memref<400x128xf32, #tpu.memory_space<vmem>>, vector<16xf32>,
              %mul3A_1053 = vector.broadcast %squeeze3A_1031 : f32 to vector<16xf32>
              %mul3A_1054 = arith.mulf %get3A_1052, %mul3A_1053 : vector<16xf32>
              %swap3A_1055 = arith.index_cast %add3A_1033 : i32 to index
              %swap3A_1056 = arith.constant 32 : index
              %swap3A_1057 = tpu.vector_load %arg13[%swap3A_1055, %swap3A_1056] {strides = array<i32>} : memref<400x128xf32, #tpu.memory_space<vmem>>, vector<16xf32>,
              tpu.vector_store %arg13[%swap3A_1055, %swap3A_1056], %mul3A_1054 {strides = array<i32>} : memref<400x128xf32, #tpu.memory_space<vmem>>, vector<16xf32>,
              %get3A_1058 = arith.index_cast %add3A_1033 : i32 to index
              %get3A_1059 = arith.constant 48 : index
              %get3A_1060 = tpu.vector_load %arg13[%get3A_1058, %get3A_1059] {strides = array<i32>} : memref<400x128xf32, #tpu.memory_space<vmem>>, vector<16xf32>,
              %mul3A_1061 = vector.broadcast %squeeze3A_1031 : f32 to vector<16xf32>
              %mul3A_1062 = arith.mulf %get3A_1060, %mul3A_1061 : vector<16xf32>
              %swap3A_1063 = arith.index_cast %add3A_1033 : i32 to index
              %swap3A_1064 = arith.constant 48 : index
              %swap3A_1065 = tpu.vector_load %arg13[%swap3A_1063, %swap3A_1064] {strides = array<i32>} : memref<400x128xf32, #tpu.memory_space<vmem>>, vector<16xf32>,
              tpu.vector_store %arg13[%swap3A_1063, %swap3A_1064], %mul3A_1062 {strides = array<i32>} : memref<400x128xf32, #tpu.memory_space<vmem>>, vector<16xf32>,
              %slice3A_1066 = vector.extract_strided_slice %exp3A {offsets = [11], sizes = [1], strides = [1]} : vector<16xf32> to vector<1xf32>
              %squeeze3A_1067 = vector.extract %slice3A_1066[0] : f32 from vector<1xf32>
              %add3A_1068 = arith.constant 11 : i32
              %add3A_1069 = arith.addi %add3A_653, %add3A_1068 : i32
              %get3A_1070 = arith.index_cast %add3A_1069 : i32 to index
              %get3A_1071 = arith.constant 0 : index
              %get3A_1072 = tpu.vector_load %arg13[%get3A_1070, %get3A_1071] {strides = array<i32>} : memref<400x128xf32, #tpu.memory_space<vmem>>, vector<16xf32>,
              %mul3A_1073 = vector.broadcast %squeeze3A_1067 : f32 to vector<16xf32>
              %mul3A_1074 = arith.mulf %get3A_1072, %mul3A_1073 : vector<16xf32>
              %swap3A_1075 = arith.index_cast %add3A_1069 : i32 to index
              %swap3A_1076 = arith.constant 0 : index
              %swap3A_1077 = tpu.vector_load %arg13[%swap3A_1075, %swap3A_1076] {strides = array<i32>} : memref<400x128xf32, #tpu.memory_space<vmem>>, vector<16xf32>,
              tpu.vector_store %arg13[%swap3A_1075, %swap3A_1076], %mul3A_1074 {strides = array<i32>} : memref<400x128xf32, #tpu.memory_space<vmem>>, vector<16xf32>,
              %get3A_1078 = arith.index_cast %add3A_1069 : i32 to index
              %get3A_1079 = arith.constant 16 : index
              %get3A_1080 = tpu.vector_load %arg13[%get3A_1078, %get3A_1079] {strides = array<i32>} : memref<400x128xf32, #tpu.memory_space<vmem>>, vector<16xf32>,
              %mul3A_1081 = vector.broadcast %squeeze3A_1067 : f32 to vector<16xf32>
              %mul3A_1082 = arith.mulf %get3A_1080, %mul3A_1081 : vector<16xf32>
              %swap3A_1083 = arith.index_cast %add3A_1069 : i32 to index
              %swap3A_1084 = arith.constant 16 : index
              %swap3A_1085 = tpu.vector_load %arg13[%swap3A_1083, %swap3A_1084] {strides = array<i32>} : memref<400x128xf32, #tpu.memory_space<vmem>>, vector<16xf32>,
              tpu.vector_store %arg13[%swap3A_1083, %swap3A_1084], %mul3A_1082 {strides = array<i32>} : memref<400x128xf32, #tpu.memory_space<vmem>>, vector<16xf32>,
              %get3A_1086 = arith.index_cast %add3A_1069 : i32 to index
              %get3A_1087 = arith.constant 32 : index
              %get3A_1088 = tpu.vector_load %arg13[%get3A_1086, %get3A_1087] {strides = array<i32>} : memref<400x128xf32, #tpu.memory_space<vmem>>, vector<16xf32>,
              %mul3A_1089 = vector.broadcast %squeeze3A_1067 : f32 to vector<16xf32>
              %mul3A_1090 = arith.mulf %get3A_1088, %mul3A_1089 : vector<16xf32>
              %swap3A_1091 = arith.index_cast %add3A_1069 : i32 to index
              %swap3A_1092 = arith.constant 32 : index
              %swap3A_1093 = tpu.vector_load %arg13[%swap3A_1091, %swap3A_1092] {strides = array<i32>} : memref<400x128xf32, #tpu.memory_space<vmem>>, vector<16xf32>,
              tpu.vector_store %arg13[%swap3A_1091, %swap3A_1092], %mul3A_1090 {strides = array<i32>} : memref<400x128xf32, #tpu.memory_space<vmem>>, vector<16xf32>,
              %get3A_1094 = arith.index_cast %add3A_1069 : i32 to index
              %get3A_1095 = arith.constant 48 : index
              %get3A_1096 = tpu.vector_load %arg13[%get3A_1094, %get3A_1095] {strides = array<i32>} : memref<400x128xf32, #tpu.memory_space<vmem>>, vector<16xf32>,
              %mul3A_1097 = vector.broadcast %squeeze3A_1067 : f32 to vector<16xf32>
              %mul3A_1098 = arith.mulf %get3A_1096, %mul3A_1097 : vector<16xf32>
              %swap3A_1099 = arith.index_cast %add3A_1069 : i32 to index
              %swap3A_1100 = arith.constant 48 : index
              %swap3A_1101 = tpu.vector_load %arg13[%swap3A_1099, %swap3A_1100] {strides = array<i32>} : memref<400x128xf32, #tpu.memory_space<vmem>>, vector<16xf32>,
              tpu.vector_store %arg13[%swap3A_1099, %swap3A_1100], %mul3A_1098 {strides = array<i32>} : memref<400x128xf32, #tpu.memory_space<vmem>>, vector<16xf32>,
              %slice3A_1102 = vector.extract_strided_slice %exp3A {offsets = [12], sizes = [1], strides = [1]} : vector<16xf32> to vector<1xf32>
              %squeeze3A_1103 = vector.extract %slice3A_1102[0] : f32 from vector<1xf32>
              %add3A_1104 = arith.constant 12 : i32
              %add3A_1105 = arith.addi %add3A_653, %add3A_1104 : i32
              %get3A_1106 = arith.index_cast %add3A_1105 : i32 to index
              %get3A_1107 = arith.constant 0 : index
              %get3A_1108 = tpu.vector_load %arg13[%get3A_1106, %get3A_1107] {strides = array<i32>} : memref<400x128xf32, #tpu.memory_space<vmem>>, vector<16xf32>,
              %mul3A_1109 = vector.broadcast %squeeze3A_1103 : f32 to vector<16xf32>
              %mul3A_1110 = arith.mulf %get3A_1108, %mul3A_1109 : vector<16xf32>
              %swap3A_1111 = arith.index_cast %add3A_1105 : i32 to index
              %swap3A_1112 = arith.constant 0 : index
              %swap3A_1113 = tpu.vector_load %arg13[%swap3A_1111, %swap3A_1112] {strides = array<i32>} : memref<400x128xf32, #tpu.memory_space<vmem>>, vector<16xf32>,
              tpu.vector_store %arg13[%swap3A_1111, %swap3A_1112], %mul3A_1110 {strides = array<i32>} : memref<400x128xf32, #tpu.memory_space<vmem>>, vector<16xf32>,
              %get3A_1114 = arith.index_cast %add3A_1105 : i32 to index
              %get3A_1115 = arith.constant 16 : index
              %get3A_1116 = tpu.vector_load %arg13[%get3A_1114, %get3A_1115] {strides = array<i32>} : memref<400x128xf32, #tpu.memory_space<vmem>>, vector<16xf32>,
              %mul3A_1117 = vector.broadcast %squeeze3A_1103 : f32 to vector<16xf32>
              %mul3A_1118 = arith.mulf %get3A_1116, %mul3A_1117 : vector<16xf32>
              %swap3A_1119 = arith.index_cast %add3A_1105 : i32 to index
              %swap3A_1120 = arith.constant 16 : index
              %swap3A_1121 = tpu.vector_load %arg13[%swap3A_1119, %swap3A_1120] {strides = array<i32>} : memref<400x128xf32, #tpu.memory_space<vmem>>, vector<16xf32>,
              tpu.vector_store %arg13[%swap3A_1119, %swap3A_1120], %mul3A_1118 {strides = array<i32>} : memref<400x128xf32, #tpu.memory_space<vmem>>, vector<16xf32>,
              %get3A_1122 = arith.index_cast %add3A_1105 : i32 to index
              %get3A_1123 = arith.constant 32 : index
              %get3A_1124 = tpu.vector_load %arg13[%get3A_1122, %get3A_1123] {strides = array<i32>} : memref<400x128xf32, #tpu.memory_space<vmem>>, vector<16xf32>,
              %mul3A_1125 = vector.broadcast %squeeze3A_1103 : f32 to vector<16xf32>
              %mul3A_1126 = arith.mulf %get3A_1124, %mul3A_1125 : vector<16xf32>
              %swap3A_1127 = arith.index_cast %add3A_1105 : i32 to index
              %swap3A_1128 = arith.constant 32 : index
              %swap3A_1129 = tpu.vector_load %arg13[%swap3A_1127, %swap3A_1128] {strides = array<i32>} : memref<400x128xf32, #tpu.memory_space<vmem>>, vector<16xf32>,
              tpu.vector_store %arg13[%swap3A_1127, %swap3A_1128], %mul3A_1126 {strides = array<i32>} : memref<400x128xf32, #tpu.memory_space<vmem>>, vector<16xf32>,
              %get3A_1130 = arith.index_cast %add3A_1105 : i32 to index
              %get3A_1131 = arith.constant 48 : index
              %get3A_1132 = tpu.vector_load %arg13[%get3A_1130, %get3A_1131] {strides = array<i32>} : memref<400x128xf32, #tpu.memory_space<vmem>>, vector<16xf32>,
              %mul3A_1133 = vector.broadcast %squeeze3A_1103 : f32 to vector<16xf32>
              %mul3A_1134 = arith.mulf %get3A_1132, %mul3A_1133 : vector<16xf32>
              %swap3A_1135 = arith.index_cast %add3A_1105 : i32 to index
              %swap3A_1136 = arith.constant 48 : index
              %swap3A_1137 = tpu.vector_load %arg13[%swap3A_1135, %swap3A_1136] {strides = array<i32>} : memref<400x128xf32, #tpu.memory_space<vmem>>, vector<16xf32>,
              tpu.vector_store %arg13[%swap3A_1135, %swap3A_1136], %mul3A_1134 {strides = array<i32>} : memref<400x128xf32, #tpu.memory_space<vmem>>, vector<16xf32>,
              %slice3A_1138 = vector.extract_strided_slice %exp3A {offsets = [13], sizes = [1], strides = [1]} : vector<16xf32> to vector<1xf32>
              %squeeze3A_1139 = vector.extract %slice3A_1138[0] : f32 from vector<1xf32>
              %add3A_1140 = arith.constant 13 : i32
              %add3A_1141 = arith.addi %add3A_653, %add3A_1140 : i32
              %get3A_1142 = arith.index_cast %add3A_1141 : i32 to index
              %get3A_1143 = arith.constant 0 : index
              %get3A_1144 = tpu.vector_load %arg13[%get3A_1142, %get3A_1143] {strides = array<i32>} : memref<400x128xf32, #tpu.memory_space<vmem>>, vector<16xf32>,
              %mul3A_1145 = vector.broadcast %squeeze3A_1139 : f32 to vector<16xf32>
              %mul3A_1146 = arith.mulf %get3A_1144, %mul3A_1145 : vector<16xf32>
              %swap3A_1147 = arith.index_cast %add3A_1141 : i32 to index
              %swap3A_1148 = arith.constant 0 : index
              %swap3A_1149 = tpu.vector_load %arg13[%swap3A_1147, %swap3A_1148] {strides = array<i32>} : memref<400x128xf32, #tpu.memory_space<vmem>>, vector<16xf32>,
              tpu.vector_store %arg13[%swap3A_1147, %swap3A_1148], %mul3A_1146 {strides = array<i32>} : memref<400x128xf32, #tpu.memory_space<vmem>>, vector<16xf32>,
              %get3A_1150 = arith.index_cast %add3A_1141 : i32 to index
              %get3A_1151 = arith.constant 16 : index
              %get3A_1152 = tpu.vector_load %arg13[%get3A_1150, %get3A_1151] {strides = array<i32>} : memref<400x128xf32, #tpu.memory_space<vmem>>, vector<16xf32>,
              %mul3A_1153 = vector.broadcast %squeeze3A_1139 : f32 to vector<16xf32>
              %mul3A_1154 = arith.mulf %get3A_1152, %mul3A_1153 : vector<16xf32>
              %swap3A_1155 = arith.index_cast %add3A_1141 : i32 to index
              %swap3A_1156 = arith.constant 16 : index
              %swap3A_1157 = tpu.vector_load %arg13[%swap3A_1155, %swap3A_1156] {strides = array<i32>} : memref<400x128xf32, #tpu.memory_space<vmem>>, vector<16xf32>,
              tpu.vector_store %arg13[%swap3A_1155, %swap3A_1156], %mul3A_1154 {strides = array<i32>} : memref<400x128xf32, #tpu.memory_space<vmem>>, vector<16xf32>,
              %get3A_1158 = arith.index_cast %add3A_1141 : i32 to index
              %get3A_1159 = arith.constant 32 : index
              %get3A_1160 = tpu.vector_load %arg13[%get3A_1158, %get3A_1159] {strides = array<i32>} : memref<400x128xf32, #tpu.memory_space<vmem>>, vector<16xf32>,
              %mul3A_1161 = vector.broadcast %squeeze3A_1139 : f32 to vector<16xf32>
              %mul3A_1162 = arith.mulf %get3A_1160, %mul3A_1161 : vector<16xf32>
              %swap3A_1163 = arith.index_cast %add3A_1141 : i32 to index
              %swap3A_1164 = arith.constant 32 : index
              %swap3A_1165 = tpu.vector_load %arg13[%swap3A_1163, %swap3A_1164] {strides = array<i32>} : memref<400x128xf32, #tpu.memory_space<vmem>>, vector<16xf32>,
              tpu.vector_store %arg13[%swap3A_1163, %swap3A_1164], %mul3A_1162 {strides = array<i32>} : memref<400x128xf32, #tpu.memory_space<vmem>>, vector<16xf32>,
              %get3A_1166 = arith.index_cast %add3A_1141 : i32 to index
              %get3A_1167 = arith.constant 48 : index
              %get3A_1168 = tpu.vector_load %arg13[%get3A_1166, %get3A_1167] {strides = array<i32>} : memref<400x128xf32, #tpu.memory_space<vmem>>, vector<16xf32>,
              %mul3A_1169 = vector.broadcast %squeeze3A_1139 : f32 to vector<16xf32>
              %mul3A_1170 = arith.mulf %get3A_1168, %mul3A_1169 : vector<16xf32>
              %swap3A_1171 = arith.index_cast %add3A_1141 : i32 to index
              %swap3A_1172 = arith.constant 48 : index
              %swap3A_1173 = tpu.vector_load %arg13[%swap3A_1171, %swap3A_1172] {strides = array<i32>} : memref<400x128xf32, #tpu.memory_space<vmem>>, vector<16xf32>,
              tpu.vector_store %arg13[%swap3A_1171, %swap3A_1172], %mul3A_1170 {strides = array<i32>} : memref<400x128xf32, #tpu.memory_space<vmem>>, vector<16xf32>,
              %slice3A_1174 = vector.extract_strided_slice %exp3A {offsets = [14], sizes = [1], strides = [1]} : vector<16xf32> to vector<1xf32>
              %squeeze3A_1175 = vector.extract %slice3A_1174[0] : f32 from vector<1xf32>
              %add3A_1176 = arith.constant 14 : i32
              %add3A_1177 = arith.addi %add3A_653, %add3A_1176 : i32
              %get3A_1178 = arith.index_cast %add3A_1177 : i32 to index
              %get3A_1179 = arith.constant 0 : index
              %get3A_1180 = tpu.vector_load %arg13[%get3A_1178, %get3A_1179] {strides = array<i32>} : memref<400x128xf32, #tpu.memory_space<vmem>>, vector<16xf32>,
              %mul3A_1181 = vector.broadcast %squeeze3A_1175 : f32 to vector<16xf32>
              %mul3A_1182 = arith.mulf %get3A_1180, %mul3A_1181 : vector<16xf32>
              %swap3A_1183 = arith.index_cast %add3A_1177 : i32 to index
              %swap3A_1184 = arith.constant 0 : index
              %swap3A_1185 = tpu.vector_load %arg13[%swap3A_1183, %swap3A_1184] {strides = array<i32>} : memref<400x128xf32, #tpu.memory_space<vmem>>, vector<16xf32>,
              tpu.vector_store %arg13[%swap3A_1183, %swap3A_1184], %mul3A_1182 {strides = array<i32>} : memref<400x128xf32, #tpu.memory_space<vmem>>, vector<16xf32>,
              %get3A_1186 = arith.index_cast %add3A_1177 : i32 to index
              %get3A_1187 = arith.constant 16 : index
              %get3A_1188 = tpu.vector_load %arg13[%get3A_1186, %get3A_1187] {strides = array<i32>} : memref<400x128xf32, #tpu.memory_space<vmem>>, vector<16xf32>,
              %mul3A_1189 = vector.broadcast %squeeze3A_1175 : f32 to vector<16xf32>
              %mul3A_1190 = arith.mulf %get3A_1188, %mul3A_1189 : vector<16xf32>
              %swap3A_1191 = arith.index_cast %add3A_1177 : i32 to index
              %swap3A_1192 = arith.constant 16 : index
              %swap3A_1193 = tpu.vector_load %arg13[%swap3A_1191, %swap3A_1192] {strides = array<i32>} : memref<400x128xf32, #tpu.memory_space<vmem>>, vector<16xf32>,
              tpu.vector_store %arg13[%swap3A_1191, %swap3A_1192], %mul3A_1190 {strides = array<i32>} : memref<400x128xf32, #tpu.memory_space<vmem>>, vector<16xf32>,
              %get3A_1194 = arith.index_cast %add3A_1177 : i32 to index
              %get3A_1195 = arith.constant 32 : index
              %get3A_1196 = tpu.vector_load %arg13[%get3A_1194, %get3A_1195] {strides = array<i32>} : memref<400x128xf32, #tpu.memory_space<vmem>>, vector<16xf32>,
              %mul3A_1197 = vector.broadcast %squeeze3A_1175 : f32 to vector<16xf32>
              %mul3A_1198 = arith.mulf %get3A_1196, %mul3A_1197 : vector<16xf32>
              %swap3A_1199 = arith.index_cast %add3A_1177 : i32 to index
              %swap3A_1200 = arith.constant 32 : index
              %swap3A_1201 = tpu.vector_load %arg13[%swap3A_1199, %swap3A_1200] {strides = array<i32>} : memref<400x128xf32, #tpu.memory_space<vmem>>, vector<16xf32>,
              tpu.vector_store %arg13[%swap3A_1199, %swap3A_1200], %mul3A_1198 {strides = array<i32>} : memref<400x128xf32, #tpu.memory_space<vmem>>, vector<16xf32>,
              %get3A_1202 = arith.index_cast %add3A_1177 : i32 to index
              %get3A_1203 = arith.constant 48 : index
              %get3A_1204 = tpu.vector_load %arg13[%get3A_1202, %get3A_1203] {strides = array<i32>} : memref<400x128xf32, #tpu.memory_space<vmem>>, vector<16xf32>,
              %mul3A_1205 = vector.broadcast %squeeze3A_1175 : f32 to vector<16xf32>
              %mul3A_1206 = arith.mulf %get3A_1204, %mul3A_1205 : vector<16xf32>
              %swap3A_1207 = arith.index_cast %add3A_1177 : i32 to index
              %swap3A_1208 = arith.constant 48 : index
              %swap3A_1209 = tpu.vector_load %arg13[%swap3A_1207, %swap3A_1208] {strides = array<i32>} : memref<400x128xf32, #tpu.memory_space<vmem>>, vector<16xf32>,
              tpu.vector_store %arg13[%swap3A_1207, %swap3A_1208], %mul3A_1206 {strides = array<i32>} : memref<400x128xf32, #tpu.memory_space<vmem>>, vector<16xf32>,
              %slice3A_1210 = vector.extract_strided_slice %exp3A {offsets = [15], sizes = [1], strides = [1]} : vector<16xf32> to vector<1xf32>
              %squeeze3A_1211 = vector.extract %slice3A_1210[0] : f32 from vector<1xf32>
              %add3A_1212 = arith.constant 15 : i32
              %add3A_1213 = arith.addi %add3A_653, %add3A_1212 : i32
              %get3A_1214 = arith.index_cast %add3A_1213 : i32 to index
              %get3A_1215 = arith.constant 0 : index
              %get3A_1216 = tpu.vector_load %arg13[%get3A_1214, %get3A_1215] {strides = array<i32>} : memref<400x128xf32, #tpu.memory_space<vmem>>, vector<16xf32>,
              %mul3A_1217 = vector.broadcast %squeeze3A_1211 : f32 to vector<16xf32>
              %mul3A_1218 = arith.mulf %get3A_1216, %mul3A_1217 : vector<16xf32>
              %swap3A_1219 = arith.index_cast %add3A_1213 : i32 to index
              %swap3A_1220 = arith.constant 0 : index
              %swap3A_1221 = tpu.vector_load %arg13[%swap3A_1219, %swap3A_1220] {strides = array<i32>} : memref<400x128xf32, #tpu.memory_space<vmem>>, vector<16xf32>,
              tpu.vector_store %arg13[%swap3A_1219, %swap3A_1220], %mul3A_1218 {strides = array<i32>} : memref<400x128xf32, #tpu.memory_space<vmem>>, vector<16xf32>,
              %get3A_1222 = arith.index_cast %add3A_1213 : i32 to index
              %get3A_1223 = arith.constant 16 : index
              %get3A_1224 = tpu.vector_load %arg13[%get3A_1222, %get3A_1223] {strides = array<i32>} : memref<400x128xf32, #tpu.memory_space<vmem>>, vector<16xf32>,
              %mul3A_1225 = vector.broadcast %squeeze3A_1211 : f32 to vector<16xf32>
              %mul3A_1226 = arith.mulf %get3A_1224, %mul3A_1225 : vector<16xf32>
              %swap3A_1227 = arith.index_cast %add3A_1213 : i32 to index
              %swap3A_1228 = arith.constant 16 : index
              %swap3A_1229 = tpu.vector_load %arg13[%swap3A_1227, %swap3A_1228] {strides = array<i32>} : memref<400x128xf32, #tpu.memory_space<vmem>>, vector<16xf32>,
              tpu.vector_store %arg13[%swap3A_1227, %swap3A_1228], %mul3A_1226 {strides = array<i32>} : memref<400x128xf32, #tpu.memory_space<vmem>>, vector<16xf32>,
              %get3A_1230 = arith.index_cast %add3A_1213 : i32 to index
              %get3A_1231 = arith.constant 32 : index
              %get3A_1232 = tpu.vector_load %arg13[%get3A_1230, %get3A_1231] {strides = array<i32>} : memref<400x128xf32, #tpu.memory_space<vmem>>, vector<16xf32>,
              %mul3A_1233 = vector.broadcast %squeeze3A_1211 : f32 to vector<16xf32>
              %mul3A_1234 = arith.mulf %get3A_1232, %mul3A_1233 : vector<16xf32>
              %swap3A_1235 = arith.index_cast %add3A_1213 : i32 to index
              %swap3A_1236 = arith.constant 32 : index
              %swap3A_1237 = tpu.vector_load %arg13[%swap3A_1235, %swap3A_1236] {strides = array<i32>} : memref<400x128xf32, #tpu.memory_space<vmem>>, vector<16xf32>,
              tpu.vector_store %arg13[%swap3A_1235, %swap3A_1236], %mul3A_1234 {strides = array<i32>} : memref<400x128xf32, #tpu.memory_space<vmem>>, vector<16xf32>,
              %get3A_1238 = arith.index_cast %add3A_1213 : i32 to index
              %get3A_1239 = arith.constant 48 : index
              %get3A_1240 = tpu.vector_load %arg13[%get3A_1238, %get3A_1239] {strides = array<i32>} : memref<400x128xf32, #tpu.memory_space<vmem>>, vector<16xf32>,
              %mul3A_1241 = vector.broadcast %squeeze3A_1211 : f32 to vector<16xf32>
              %mul3A_1242 = arith.mulf %get3A_1240, %mul3A_1241 : vector<16xf32>
              %swap3A_1243 = arith.index_cast %add3A_1213 : i32 to index
              %swap3A_1244 = arith.constant 48 : index
              %swap3A_1245 = tpu.vector_load %arg13[%swap3A_1243, %swap3A_1244] {strides = array<i32>} : memref<400x128xf32, #tpu.memory_space<vmem>>, vector<16xf32>,
              tpu.vector_store %arg13[%swap3A_1243, %swap3A_1244], %mul3A_1242 {strides = array<i32>} : memref<400x128xf32, #tpu.memory_space<vmem>>, vector<16xf32>,
              %scan3A_1246 = arith.constant 0 : i32
              scf.yield %scan3A_1246 : i32
            }
            %scan3A_648 = arith.constant 5 : i32
            %run_scoped3A = arith.constant 0 : i32
            "tpu.region"() ({
              %run_scoped3A_649 = tpu.sem_alloc : memref<!tpu.dma_semaphore, #tpu.memory_space<semaphore_mem>>
              %dma_start3A_650 = arith.constant 0 : i32
              %dma_start3A_651 = tpu.memref_slice %arg13[%multiple_of3A_591, %dma_start3A_650] : memref<400x128xf32, #tpu.memory_space<vmem>> -> memref<80x128xf32, #tpu.memory_space<vmem>>
              %dma_start3A_652 = arith.constant 0 : i32
              %dma_start3A_653 = tpu.memref_slice %arg12[%run_scoped3A, %dma_start3A_652] : memref<1x80xi32, #tpu.memory_space<vmem>> -> memref<1x80xi32, #tpu.memory_space<vmem>>
              %dma_start3A_654 = tpu.memref_squeeze %dma_start3A_653 : memref<1x80xi32, #tpu.memory_space<vmem>> -> memref<80xi32, #tpu.memory_space<vmem>>
              %dma_start3A_655 = arith.constant 0 : i32
              %dma_start3A_656 = arith.constant 0 : i32
              %dma_start3A_657 = tpu.memref_slice %arg14[%dma_start3A_655, %dma_start3A_656] : memref<8408x128xf32, #tpu.memory_space<vmem_shared>> -> memref<8408x128xf32, #tpu.memory_space<vmem_shared>>
              tpu.enqueue_indirect_dma source(%dma_start3A_651 : memref<80x128xf32, #tpu.memory_space<vmem>>) target(%dma_start3A_657 : memref<8408x128xf32, #tpu.memory_space<vmem_shared>>) offsets(%dma_start3A_654 : memref<80xi32, #tpu.memory_space<vmem>>) semaphore(%run_scoped3A_649 : memref<!tpu.dma_semaphore, #tpu.memory_space<semaphore_mem>>) {add = true}
              %dma_wait3A_658 = arith.constant 0 : i32
              %dma_wait3A_659 = tpu.memref_slice %arg13[%multiple_of3A_591, %dma_wait3A_658] : memref<400x128xf32, #tpu.memory_space<vmem>> -> memref<80x128xf32, #tpu.memory_space<vmem>>
              %dma_wait3A_660 = arith.constant 0 : i32
              %dma_wait3A_661 = tpu.memref_slice %arg12[%run_scoped3A, %dma_wait3A_660] : memref<1x80xi32, #tpu.memory_space<vmem>> -> memref<1x80xi32, #tpu.memory_space<vmem>>
              %dma_wait3A_662 = tpu.memref_squeeze %dma_wait3A_661 : memref<1x80xi32, #tpu.memory_space<vmem>> -> memref<80xi32, #tpu.memory_space<vmem>>
              %dma_wait3A_663 = arith.constant 0 : i32
              %dma_wait3A_664 = arith.constant 0 : i32
              %dma_wait3A_665 = tpu.memref_slice %arg14[%dma_wait3A_663, %dma_wait3A_664] : memref<8408x128xf32, #tpu.memory_space<vmem_shared>> -> memref<8408x128xf32, #tpu.memory_space<vmem_shared>>
              tpu.wait_indirect_dma semaphore(%run_scoped3A_649 : memref<!tpu.dma_semaphore, #tpu.memory_space<semaphore_mem>>) src(%dma_wait3A_659 : memref<80x128xf32, #tpu.memory_space<vmem>>) dst(%dma_wait3A_665 : memref<8408x128xf32, #tpu.memory_space<vmem_shared>>)
              tpu.yield
            }) : () -> ()
          } else {
          }
          %scan3A_588 = arith.constant 0 : i32
          scf.yield %scan3A_588 : i32
        }
        %scan3A_580 = arith.constant 5 : i32
        %scan3A_581 = arith.constant 0 : i32
        scf.yield %scan3A_581 : i32
      }
      %scan3A_35 = arith.constant 125 : i32
      %barrier3A_36 = arith.constant 0 : index
      tpu.barrier barrier_id(%barrier3A_36)
      %scan3A_37 = arith.constant 0 : i32
      %scan3A_38 = arith.constant 0 : i32
      %scan3A_39 = arith.constant 3 : i32
      %scan3A_40 = arith.addi %scan3A_38, %scan3A_39 : i32
      %scan3A_41 = arith.constant 1 : i32
      %scan3A_42 = scf.for %scan3A_53 = %scan3A_38 to %scan3A_40 step %scan3A_41 iter_args(%scan3A_54 = %scan3A_37) -> (i32)  : i32 {
        %mul3A_55 = arith.constant 16 : i32
        %mul3A_56 = arith.muli %mul3A_55, %scan3A_53 : i32
        %add3A_57 = arith.addi %mul3A_56, %arg1 : i32
        %lt3A = arith.constant 42 : i32
        %lt3A_58 = arith.cmpi slt, %add3A_57, %lt3A : i32
        %mul3A_59 = arith.constant 200 : i32
        %mul3A_60 = arith.muli %add3A_57, %mul3A_59 : i32
        %add3A_61 = arith.addi %mul3A_18, %mul3A_60 : i32
        %lt3A_62 = arith.cmpi slt, %add3A_61, %min3A_21 : i32
        %and3A = arith.andi %lt3A_58, %lt3A_62 : i1
        %convert_element_type3A = arith.extui %and3A : i1 to i32
        %cond3A = arith.constant 0 : i32
        %cond3A_63 = arith.cmpi ne, %convert_element_type3A, %cond3A : i32
        scf.if %cond3A_63 {
          %mul3A_65 = arith.constant 200 : i32
          %mul3A_66 = arith.muli %add3A_57, %mul3A_65 : i32
          %multiple_of3A_67 = tpu.assume_multiple %mul3A_66, 8 : i32
          "tpu.region"() ({
            %run_scoped3A = tpu.sem_alloc : memref<!tpu.dma_semaphore, #tpu.memory_space<semaphore_mem>>
            %dma_start3A = arith.constant 0 : i32
            %dma_start3A_70 = arith.constant 0 : i32
            %dma_start3A_71 = tpu.memref_slice %arg13[%dma_start3A, %dma_start3A_70] : memref<400x128xf32, #tpu.memory_space<vmem>> -> memref<200x128xf32, #tpu.memory_space<vmem>>
            %dma_start3A_72 = arith.constant 0 : i32
            %dma_start3A_73 = tpu.memref_slice %arg14[%multiple_of3A_67, %dma_start3A_72] : memref<8408x128xf32, #tpu.memory_space<vmem_shared>> -> memref<200x128xf32, #tpu.memory_space<vmem_shared>>
            %dma_start3A_74 = arith.constant 0 : i32
            %dma_start3A_75 = arith.constant 0 : i32
            %dma_start3A_76 = tpu.memref_slice %arg13[%dma_start3A_74, %dma_start3A_75] : memref<400x128xf32, #tpu.memory_space<vmem>> -> memref<200x128xf32, #tpu.memory_space<vmem>>
            %dma_start3A_77 = arith.constant 0 : i32
            %dma_start3A_78 = tpu.memref_slice %arg14[%multiple_of3A_67, %dma_start3A_77] : memref<8408x128xf32, #tpu.memory_space<vmem_shared>> -> memref<200x128xf32, #tpu.memory_space<vmem_shared>>
            tpu.enqueue_dma source(%dma_start3A_78 : memref<200x128xf32, #tpu.memory_space<vmem_shared>>) target(%dma_start3A_76 : memref<200x128xf32, #tpu.memory_space<vmem>>) target_semaphore(%run_scoped3A : memref<!tpu.dma_semaphore, #tpu.memory_space<semaphore_mem>>)
            %dma_wait3A = arith.constant 0 : i32
            %dma_wait3A_79 = arith.constant 0 : i32
            %dma_wait3A_80 = tpu.memref_slice %arg13[%dma_wait3A, %dma_wait3A_79] : memref<400x128xf32, #tpu.memory_space<vmem>> -> memref<200x128xf32, #tpu.memory_space<vmem>>
            %dma_wait3A_81 = arith.constant 0 : i32
            %dma_wait3A_82 = tpu.memref_slice %arg14[%multiple_of3A_67, %dma_wait3A_81] : memref<8408x128xf32, #tpu.memory_space<vmem_shared>> -> memref<200x128xf32, #tpu.memory_space<vmem_shared>>
            %dma_wait3A_83 = arith.constant 0 : i32
            %dma_wait3A_84 = arith.constant 0 : i32
            %dma_wait3A_85 = tpu.memref_slice %arg13[%dma_wait3A_83, %dma_wait3A_84] : memref<400x128xf32, #tpu.memory_space<vmem>> -> memref<200x128xf32, #tpu.memory_space<vmem>>
            %dma_wait3A_86 = arith.constant 0 : i32
            %dma_wait3A_87 = tpu.memref_slice %arg14[%multiple_of3A_67, %dma_wait3A_86] : memref<8408x128xf32, #tpu.memory_space<vmem_shared>> -> memref<200x128xf32, #tpu.memory_space<vmem_shared>>
            tpu.wait_dma2 semaphore(%run_scoped3A : memref<!tpu.dma_semaphore, #tpu.memory_space<semaphore_mem>>) src(%dma_wait3A_87 : memref<200x128xf32, #tpu.memory_space<vmem_shared>>) dst(%dma_wait3A_85 : memref<200x128xf32, #tpu.memory_space<vmem>>)
            tpu.yield
          }) : () -> ()
          %add3A_68 = arith.addi %mul3A_18, %multiple_of3A_67 : i32
          %multiple_of3A_69 = tpu.assume_multiple %add3A_68, 8 : i32
          "tpu.region"() ({
            %run_scoped3A = tpu.sem_alloc : memref<!tpu.dma_semaphore, #tpu.memory_space<semaphore_mem>>
            %dma_start3A = arith.constant 0 : i32
            %dma_start3A_70 = arith.constant 0 : i32
            %dma_start3A_71 = tpu.memref_slice %arg13[%dma_start3A, %dma_start3A_70] : memref<400x128xf32, #tpu.memory_space<vmem>> -> memref<200x128xf32, #tpu.memory_space<vmem>>
            %dma_start3A_72 = arith.constant 0 : i32
            %dma_start3A_73 = tpu.memref_slice %arg6[%multiple_of3A_69, %dma_start3A_72] : memref<50000x128xf32, #tpu.memory_space<hbm>> -> memref<200x128xf32, #tpu.memory_space<hbm>>
            %dma_start3A_74 = arith.constant 0 : i32
            %dma_start3A_75 = tpu.memref_slice %arg6[%multiple_of3A_69, %dma_start3A_74] : memref<50000x128xf32, #tpu.memory_space<hbm>> -> memref<200x128xf32, #tpu.memory_space<hbm>>
            %dma_start3A_76 = arith.constant 0 : i32
            %dma_start3A_77 = arith.constant 0 : i32
            %dma_start3A_78 = tpu.memref_slice %arg13[%dma_start3A_76, %dma_start3A_77] : memref<400x128xf32, #tpu.memory_space<vmem>> -> memref<200x128xf32, #tpu.memory_space<vmem>>
            tpu.enqueue_dma source(%dma_start3A_78 : memref<200x128xf32, #tpu.memory_space<vmem>>) target(%dma_start3A_75 : memref<200x128xf32, #tpu.memory_space<hbm>>) target_semaphore(%run_scoped3A : memref<!tpu.dma_semaphore, #tpu.memory_space<semaphore_mem>>)
            %dma_wait3A = arith.constant 0 : i32
            %dma_wait3A_79 = arith.constant 0 : i32
            %dma_wait3A_80 = tpu.memref_slice %arg13[%dma_wait3A, %dma_wait3A_79] : memref<400x128xf32, #tpu.memory_space<vmem>> -> memref<200x128xf32, #tpu.memory_space<vmem>>
            %dma_wait3A_81 = arith.constant 0 : i32
            %dma_wait3A_82 = tpu.memref_slice %arg6[%multiple_of3A_69, %dma_wait3A_81] : memref<50000x128xf32, #tpu.memory_space<hbm>> -> memref<200x128xf32, #tpu.memory_space<hbm>>
            %dma_wait3A_83 = arith.constant 0 : i32
            %dma_wait3A_84 = tpu.memref_slice %arg6[%multiple_of3A_69, %dma_wait3A_83] : memref<50000x128xf32, #tpu.memory_space<hbm>> -> memref<200x128xf32, #tpu.memory_space<hbm>>
            %dma_wait3A_85 = arith.constant 0 : i32
            %dma_wait3A_86 = arith.constant 0 : i32
            %dma_wait3A_87 = tpu.memref_slice %arg13[%dma_wait3A_85, %dma_wait3A_86] : memref<400x128xf32, #tpu.memory_space<vmem>> -> memref<200x128xf32, #tpu.memory_space<vmem>>
            tpu.wait_dma2 semaphore(%run_scoped3A : memref<!tpu.dma_semaphore, #tpu.memory_space<semaphore_mem>>) src(%dma_wait3A_87 : memref<200x128xf32, #tpu.memory_space<vmem>>) dst(%dma_wait3A_84 : memref<200x128xf32, #tpu.memory_space<hbm>>)
            tpu.yield
          }) : () -> ()
        } else {
        }
        %scan3A_64 = arith.constant 0 : i32
        scf.yield %scan3A_64 : i32
      }
      %scan3A_43 = arith.constant 3 : i32
      %barrier3A_44 = arith.constant 0 : index
      tpu.barrier barrier_id(%barrier3A_44)
      %scan3A_45 = arith.constant 0 : i32
      %scan3A_46 = arith.constant 0 : i32
      %scan3A_47 = arith.constant 200 : i32
      %scan3A_48 = arith.addi %scan3A_46, %scan3A_47 : i32
      %scan3A_49 = arith.constant 1 : i32
      %scan3A_50 = scf.for %scan3A_53 = %scan3A_46 to %scan3A_48 step %scan3A_49 iter_args(%scan3A_54 = %scan3A_45) -> (i32)  : i32 {
        %swap3A = arith.index_cast %scan3A_53 : i32 to index
        %swap3A_55 = arith.constant 0 : index
        %swap3A_56 = tpu.vector_load %arg13[%swap3A, %swap3A_55] {strides = array<i32>} : memref<400x128xf32, #tpu.memory_space<vmem>>, vector<16xf32>,
        tpu.vector_store %arg13[%swap3A, %swap3A_55], %broadcast_in_dim3A_0 {strides = array<i32>} : memref<400x128xf32, #tpu.memory_space<vmem>>, vector<16xf32>,
        %swap3A_57 = arith.index_cast %scan3A_53 : i32 to index
        %swap3A_58 = arith.constant 16 : index
        %swap3A_59 = tpu.vector_load %arg13[%swap3A_57, %swap3A_58] {strides = array<i32>} : memref<400x128xf32, #tpu.memory_space<vmem>>, vector<16xf32>,
        tpu.vector_store %arg13[%swap3A_57, %swap3A_58], %broadcast_in_dim3A_0 {strides = array<i32>} : memref<400x128xf32, #tpu.memory_space<vmem>>, vector<16xf32>,
        %swap3A_60 = arith.index_cast %scan3A_53 : i32 to index
        %swap3A_61 = arith.constant 32 : index
        %swap3A_62 = tpu.vector_load %arg13[%swap3A_60, %swap3A_61] {strides = array<i32>} : memref<400x128xf32, #tpu.memory_space<vmem>>, vector<16xf32>,
        tpu.vector_store %arg13[%swap3A_60, %swap3A_61], %broadcast_in_dim3A_0 {strides = array<i32>} : memref<400x128xf32, #tpu.memory_space<vmem>>, vector<16xf32>,
        %swap3A_63 = arith.index_cast %scan3A_53 : i32 to index
        %swap3A_64 = arith.constant 48 : index
        %swap3A_65 = tpu.vector_load %arg13[%swap3A_63, %swap3A_64] {strides = array<i32>} : memref<400x128xf32, #tpu.memory_space<vmem>>, vector<16xf32>,
        tpu.vector_store %arg13[%swap3A_63, %swap3A_64], %broadcast_in_dim3A_0 {strides = array<i32>} : memref<400x128xf32, #tpu.memory_space<vmem>>, vector<16xf32>,
        %swap3A_66 = arith.index_cast %scan3A_53 : i32 to index
        %swap3A_67 = arith.constant 64 : index
        %swap3A_68 = tpu.vector_load %arg13[%swap3A_66, %swap3A_67] {strides = array<i32>} : memref<400x128xf32, #tpu.memory_space<vmem>>, vector<16xf32>,
        tpu.vector_store %arg13[%swap3A_66, %swap3A_67], %broadcast_in_dim3A_0 {strides = array<i32>} : memref<400x128xf32, #tpu.memory_space<vmem>>, vector<16xf32>,
        %swap3A_69 = arith.index_cast %scan3A_53 : i32 to index
        %swap3A_70 = arith.constant 80 : index
        %swap3A_71 = tpu.vector_load %arg13[%swap3A_69, %swap3A_70] {strides = array<i32>} : memref<400x128xf32, #tpu.memory_space<vmem>>, vector<16xf32>,
        tpu.vector_store %arg13[%swap3A_69, %swap3A_70], %broadcast_in_dim3A_0 {strides = array<i32>} : memref<400x128xf32, #tpu.memory_space<vmem>>, vector<16xf32>,
        %swap3A_72 = arith.index_cast %scan3A_53 : i32 to index
        %swap3A_73 = arith.constant 96 : index
        %swap3A_74 = tpu.vector_load %arg13[%swap3A_72, %swap3A_73] {strides = array<i32>} : memref<400x128xf32, #tpu.memory_space<vmem>>, vector<16xf32>,
        tpu.vector_store %arg13[%swap3A_72, %swap3A_73], %broadcast_in_dim3A_0 {strides = array<i32>} : memref<400x128xf32, #tpu.memory_space<vmem>>, vector<16xf32>,
        %swap3A_75 = arith.index_cast %scan3A_53 : i32 to index
        %swap3A_76 = arith.constant 112 : index
        %swap3A_77 = tpu.vector_load %arg13[%swap3A_75, %swap3A_76] {strides = array<i32>} : memref<400x128xf32, #tpu.memory_space<vmem>>, vector<16xf32>,
        tpu.vector_store %arg13[%swap3A_75, %swap3A_76], %broadcast_in_dim3A_0 {strides = array<i32>} : memref<400x128xf32, #tpu.memory_space<vmem>>, vector<16xf32>,
        %scan3A_78 = arith.constant 0 : i32
        scf.yield %scan3A_78 : i32
      }
      %scan3A_51 = arith.constant 200 : i32
      %scan3A_52 = arith.constant 0 : i32
      scf.yield %scan3A_52 : i32
    }
    %scan3A_13 = arith.constant 3 : i32
    return
  }
}

module attributes {stable_mosaic.version = 14 : i64} {
  func.func @_enc_body(%arg0: i32, %arg1: memref<400x128xf32, #tpu.memory_space<vmem>>, %arg2: memref<128x256xf32, #tpu.memory_space<vmem>>, %arg3: memref<1x256xf32, #tpu.memory_space<vmem>>, %arg4: memref<256x128xf32, #tpu.memory_space<vmem>>, %arg5: memref<1x128xf32, #tpu.memory_space<vmem>>, %arg6: memref<128x128xf32, #tpu.memory_space<vmem>>, %arg7: memref<1x128xf32, #tpu.memory_space<vmem>>, %arg8: memref<400x128xf32, #tpu.memory_space<vmem>>, %arg9: memref<400x1xf32, #tpu.memory_space<vmem>>) attributes {dimension_semantics = [#tpu.dimension_semantics<arbitrary>], iteration_bounds = array<i64: 125>, scalar_prefetch = 0 : i64, scratch_operands = 0 : i64, tpu.core_type = #tpu.core_type<tc>, window_params = [{transform_indices = @transform_0, window_bounds = array<i64: 400, 128>}, {pipeline_mode = #tpu.pipeline_mode<synchronous>, transform_indices = @transform_1, window_bounds = array<i64: 128, 256>}, {pipeline_mode = #tpu.pipeline_mode<synchronous>, transform_indices = @transform_2, window_bounds = array<i64: 1, 256>}, {pipeline_mode = #tpu.pipeline_mode<synchronous>, transform_indices = @transform_3, window_bounds = array<i64: 256, 128>}, {pipeline_mode = #tpu.pipeline_mode<synchronous>, transform_indices = @transform_4, window_bounds = array<i64: 1, 128>}, {pipeline_mode = #tpu.pipeline_mode<synchronous>, transform_indices = @transform_5, window_bounds = array<i64: 128, 128>}, {pipeline_mode = #tpu.pipeline_mode<synchronous>, transform_indices = @transform_6, window_bounds = array<i64: 1, 128>}, {transform_indices = @transform_7, window_bounds = array<i64: 400, 128>}, {transform_indices = @transform_8, window_bounds = array<i64: 400, 1>}]} {
    %get3A = arith.constant 0 : index
    %get3A_0 = arith.constant 0 : index
    %get3A_1 = vector.load %arg1[%get3A, %get3A_0] : memref<400x128xf32, #tpu.memory_space<vmem>>, vector<400x128xf32>
    %get3A_2 = arith.constant 0 : index
    %get3A_3 = arith.constant 0 : index
    %get3A_4 = vector.load %arg2[%get3A_2, %get3A_3] : memref<128x256xf32, #tpu.memory_space<vmem>>, vector<128x256xf32>
    %dot_general3A = arith.constant dense<0.000000e+00> : vector<400x256xf32>
    %dot_general3A_5 = tpu.matmul %get3A_1, %get3A_4, %dot_general3A {dimension_numbers = #tpu.dot_dimension_numbers<[1], [0], [0], [1], [0, 0, 1, 1], [], []>, transpose_lhs_hint = false} : vector<400x128xf32>, vector<128x256xf32>, vector<400x256xf32> -> vector<400x256xf32>
    %get3A_6 = arith.constant 0 : index
    %get3A_7 = arith.constant 0 : index
    %get3A_8 = vector.load %arg3[%get3A_6, %get3A_7] : memref<1x256xf32, #tpu.memory_space<vmem>>, vector<1x256xf32>
    %add3A = vector.broadcast %get3A_8 : vector<1x256xf32> to vector<400x256xf32>
    %add3A_9 = arith.addf %dot_general3A_5, %add3A : vector<400x256xf32>
    %max3A = arith.constant 0.000000e+00 : f32
    %max3A_10 = vector.broadcast %max3A : f32 to vector<400x256xf32>
    %max3A_11 = arith.maximumf %add3A_9, %max3A_10 : vector<400x256xf32>
    %get3A_12 = arith.constant 0 : index
    %get3A_13 = arith.constant 0 : index
    %get3A_14 = vector.load %arg4[%get3A_12, %get3A_13] : memref<256x128xf32, #tpu.memory_space<vmem>>, vector<256x128xf32>
    %dot_general3A_15 = arith.constant dense<0.000000e+00> : vector<400x128xf32>
    %dot_general3A_16 = tpu.matmul %max3A_11, %get3A_14, %dot_general3A_15 {dimension_numbers = #tpu.dot_dimension_numbers<[1], [0], [0], [1], [0, 0, 1, 1], [], []>, transpose_lhs_hint = false} : vector<400x256xf32>, vector<256x128xf32>, vector<400x128xf32> -> vector<400x128xf32>
    %get3A_17 = arith.constant 0 : index
    %get3A_18 = arith.constant 0 : index
    %get3A_19 = vector.load %arg5[%get3A_17, %get3A_18] : memref<1x128xf32, #tpu.memory_space<vmem>>, vector<1x128xf32>
    %add3A_20 = vector.broadcast %get3A_19 : vector<1x128xf32> to vector<400x128xf32>
    %add3A_21 = arith.addf %dot_general3A_16, %add3A_20 : vector<400x128xf32>
    %max3A_22 = arith.constant 0.000000e+00 : f32
    %max3A_23 = vector.broadcast %max3A_22 : f32 to vector<400x128xf32>
    %max3A_24 = arith.maximumf %add3A_21, %max3A_23 : vector<400x128xf32>
    %get3A_25 = arith.constant 0 : index
    %get3A_26 = arith.constant 0 : index
    %get3A_27 = vector.load %arg6[%get3A_25, %get3A_26] : memref<128x128xf32, #tpu.memory_space<vmem>>, vector<128x128xf32>
    %dot_general3A_28 = arith.constant dense<0.000000e+00> : vector<400x128xf32>
    %dot_general3A_29 = tpu.matmul %max3A_24, %get3A_27, %dot_general3A_28 {dimension_numbers = #tpu.dot_dimension_numbers<[1], [0], [0], [1], [0, 0, 1, 1], [], []>, transpose_lhs_hint = false} : vector<400x128xf32>, vector<128x128xf32>, vector<400x128xf32> -> vector<400x128xf32>
    %iota3A = tpu.iota {dimensions = array<i32: 1>} : vector<1x128xi32>
    %eq3A = arith.constant 50 : i32
    %eq3A_30 = vector.broadcast %eq3A : i32 to vector<1x128xi32>
    %eq3A_31 = arith.cmpi eq, %iota3A, %eq3A_30 : vector<1x128xi32>
    %jit3A = arith.constant 1.000000e+00 : f32
    %jit3A_32 = arith.constant 0.000000e+00 : f32
    %broadcast_in_dim3A = vector.broadcast %jit3A : f32 to vector<1x128xf32>
    %broadcast_in_dim3A_33 = vector.broadcast %jit3A_32 : f32 to vector<1x128xf32>
    %select_n3A = arith.select %eq3A_31, %broadcast_in_dim3A, %broadcast_in_dim3A_33 : vector<1x128xi1>, vector<1x128xf32>
    %add3A_34 = vector.broadcast %select_n3A : vector<1x128xf32> to vector<400x128xf32>
    %add3A_35 = arith.addf %dot_general3A_29, %add3A_34 : vector<400x128xf32>
    %swap3A = arith.constant 0 : index
    %swap3A_36 = arith.constant 0 : index
    %swap3A_37 = vector.load %arg8[%swap3A, %swap3A_36] : memref<400x128xf32, #tpu.memory_space<vmem>>, vector<400x128xf32>
    tpu.vector_store %arg8[%swap3A, %swap3A_36], %add3A_35 {strides = array<i32>} : memref<400x128xf32, #tpu.memory_space<vmem>>, vector<400x128xf32>,
    %get3A_38 = arith.constant 0 : index
    %get3A_39 = arith.constant 0 : index
    %get3A_40 = vector.load %arg7[%get3A_38, %get3A_39] : memref<1x128xf32, #tpu.memory_space<vmem>>, vector<1x128xf32>
    %mul3A = vector.broadcast %get3A_40 : vector<1x128xf32> to vector<400x128xf32>
    %mul3A_41 = arith.mulf %max3A_24, %mul3A : vector<400x128xf32>
    %reduce_sum3A = arith.constant dense<0.000000e+00> : vector<400xf32>
    %reduce_sum3A_42 = vector.multi_reduction <add>, %mul3A_41, %reduce_sum3A [1] : vector<400x128xf32> to vector<400xf32>
    %broadcast_in_dim3A_43 = vector.shape_cast %reduce_sum3A_42 : vector<400xf32> to vector<400x1xf32>
    %swap3A_44 = arith.constant 0 : index
    %swap3A_45 = arith.constant 0 : index
    %swap3A_46 = vector.load %arg9[%swap3A_44, %swap3A_45] : memref<400x1xf32, #tpu.memory_space<vmem>>, vector<400x1xf32>
    tpu.vector_store %arg9[%swap3A_44, %swap3A_45], %broadcast_in_dim3A_43 {strides = array<i32>} : memref<400x1xf32, #tpu.memory_space<vmem>>, vector<400x1xf32>,
    return
  }
  func.func @transform_0(%arg0: i32) -> (i32, i32) {
    %c0_i32 = arith.constant 0 : i32
    %c0_i32_0 = arith.constant 0 : i32
    return %arg0, %c0_i32 : i32, i32
  }
  func.func @transform_1(%arg0: i32) -> (i32, i32) {
    %c0_i32 = arith.constant 0 : i32
    %c0_i32_0 = arith.constant 0 : i32
    %c0_i32_1 = arith.constant 0 : i32
    return %c0_i32, %c0_i32_0 : i32, i32
  }
  func.func @transform_2(%arg0: i32) -> (i32, i32) {
    %c0_i32 = arith.constant 0 : i32
    %c0_i32_0 = arith.constant 0 : i32
    %c0_i32_1 = arith.constant 0 : i32
    return %c0_i32, %c0_i32_0 : i32, i32
  }
  func.func @transform_3(%arg0: i32) -> (i32, i32) {
    %c0_i32 = arith.constant 0 : i32
    %c0_i32_0 = arith.constant 0 : i32
    %c0_i32_1 = arith.constant 0 : i32
    return %c0_i32, %c0_i32_0 : i32, i32
  }
  func.func @transform_4(%arg0: i32) -> (i32, i32) {
    %c0_i32 = arith.constant 0 : i32
    %c0_i32_0 = arith.constant 0 : i32
    %c0_i32_1 = arith.constant 0 : i32
    return %c0_i32, %c0_i32_0 : i32, i32
  }
  func.func @transform_5(%arg0: i32) -> (i32, i32) {
    %c0_i32 = arith.constant 0 : i32
    %c0_i32_0 = arith.constant 0 : i32
    %c0_i32_1 = arith.constant 0 : i32
    return %c0_i32, %c0_i32_0 : i32, i32
  }
  func.func @transform_6(%arg0: i32) -> (i32, i32) {
    %c0_i32 = arith.constant 0 : i32
    %c0_i32_0 = arith.constant 0 : i32
    %c0_i32_1 = arith.constant 0 : i32
    return %c0_i32, %c0_i32_0 : i32, i32
  }
  func.func @transform_7(%arg0: i32) -> (i32, i32) {
    %c0_i32 = arith.constant 0 : i32
    %c0_i32_0 = arith.constant 0 : i32
    return %arg0, %c0_i32 : i32, i32
  }
  func.func @transform_8(%arg0: i32) -> (i32, i32) {
    %c0_i32 = arith.constant 0 : i32
    %c0_i32_0 = arith.constant 0 : i32
    return %arg0, %c0_i32 : i32, i32
  }
}

module attributes {stable_mosaic.version = 14 : i64} {
  func.func @_dec_body(%arg0: i32, %arg1: memref<400x128xf32, #tpu.memory_space<vmem>>, %arg2: memref<400x128xf32, #tpu.memory_space<vmem>>, %arg3: memref<400x128xf32, #tpu.memory_space<vmem>>, %arg4: memref<400x1xf32, #tpu.memory_space<vmem>>, %arg5: memref<128x128xf32, #tpu.memory_space<vmem>>, %arg6: memref<1x128xf32, #tpu.memory_space<vmem>>, %arg7: memref<128x256xf32, #tpu.memory_space<vmem>>, %arg8: memref<1x256xf32, #tpu.memory_space<vmem>>, %arg9: memref<256x128xf32, #tpu.memory_space<vmem>>, %arg10: memref<1x128xf32, #tpu.memory_space<vmem>>, %arg11: memref<256x128xf32, #tpu.memory_space<vmem>>, %arg12: memref<1x128xf32, #tpu.memory_space<vmem>>, %arg13: memref<256x128xf32, #tpu.memory_space<vmem>>, %arg14: memref<1x128xf32, #tpu.memory_space<vmem>>, %arg15: memref<256x128xf32, #tpu.memory_space<vmem>>, %arg16: memref<1x128xf32, #tpu.memory_space<vmem>>, %arg17: memref<1x1x128xf32, #tpu.memory_space<vmem>>) attributes {dimension_semantics = [#tpu.dimension_semantics<arbitrary>], iteration_bounds = array<i64: 125>, scalar_prefetch = 0 : i64, scratch_operands = 0 : i64, tpu.core_type = #tpu.core_type<tc>, window_params = [{transform_indices = @transform_0, window_bounds = array<i64: 400, 128>}, {transform_indices = @transform_1, window_bounds = array<i64: 400, 128>}, {transform_indices = @transform_2, window_bounds = array<i64: 400, 128>}, {transform_indices = @transform_3, window_bounds = array<i64: 400, 1>}, {pipeline_mode = #tpu.pipeline_mode<synchronous>, transform_indices = @transform_4, window_bounds = array<i64: 128, 128>}, {pipeline_mode = #tpu.pipeline_mode<synchronous>, transform_indices = @transform_5, window_bounds = array<i64: 1, 128>}, {pipeline_mode = #tpu.pipeline_mode<synchronous>, transform_indices = @transform_6, window_bounds = array<i64: 128, 256>}, {pipeline_mode = #tpu.pipeline_mode<synchronous>, transform_indices = @transform_7, window_bounds = array<i64: 1, 256>}, {pipeline_mode = #tpu.pipeline_mode<synchronous>, transform_indices = @transform_8, window_bounds = array<i64: 256, 128>}, {pipeline_mode = #tpu.pipeline_mode<synchronous>, transform_indices = @transform_9, window_bounds = array<i64: 1, 128>}, {pipeline_mode = #tpu.pipeline_mode<synchronous>, transform_indices = @transform_10, window_bounds = array<i64: 256, 128>}, {pipeline_mode = #tpu.pipeline_mode<synchronous>, transform_indices = @transform_11, window_bounds = array<i64: 1, 128>}, {pipeline_mode = #tpu.pipeline_mode<synchronous>, transform_indices = @transform_12, window_bounds = array<i64: 256, 128>}, {pipeline_mode = #tpu.pipeline_mode<synchronous>, transform_indices = @transform_13, window_bounds = array<i64: 1, 128>}, {pipeline_mode = #tpu.pipeline_mode<synchronous>, transform_indices = @transform_14, window_bounds = array<i64: 256, 128>}, {pipeline_mode = #tpu.pipeline_mode<synchronous>, transform_indices = @transform_15, window_bounds = array<i64: 1, 128>}, {transform_indices = @transform_16, window_bounds = array<i64: 1, 1, 128>}]} {
    %get3A = arith.constant 0 : index
    %get3A_0 = arith.constant 0 : index
    %get3A_1 = vector.load %arg1[%get3A, %get3A_0] : memref<400x128xf32, #tpu.memory_space<vmem>>, vector<400x128xf32>
    %iota3A = tpu.iota {dimensions = array<i32: 1>} : vector<1x128xi32>
    %eq3A = arith.constant 50 : i32
    %eq3A_2 = vector.broadcast %eq3A : i32 to vector<1x128xi32>
    %eq3A_3 = arith.cmpi eq, %iota3A, %eq3A_2 : vector<1x128xi32>
    %jit3A = arith.constant 0.000000e+00 : f32
    %broadcast_in_dim3A = vector.shape_cast %eq3A_3 : vector<1x128xi1> to vector<1x128xi1>
    %broadcast_in_dim3A_4 = vector.broadcast %broadcast_in_dim3A : vector<1x128xi1> to vector<400x128xi1>
    %broadcast_in_dim3A_5 = vector.broadcast %jit3A : f32 to vector<400x128xf32>
    %select_n3A = arith.select %broadcast_in_dim3A_4, %get3A_1, %broadcast_in_dim3A_5 : vector<400x128xi1>, vector<400x128xf32>
    %reduce_sum3A = arith.constant dense<0.000000e+00> : vector<400xf32>
    %reduce_sum3A_6 = vector.multi_reduction <add>, %select_n3A, %reduce_sum3A [1] : vector<400x128xf32> to vector<400xf32>
    %broadcast_in_dim3A_7 = vector.shape_cast %reduce_sum3A_6 : vector<400xf32> to vector<400x1xf32>
    %add3A = arith.constant 1.000000e-16 : f32
    %add3A_8 = vector.broadcast %add3A : f32 to vector<400x1xf32>
    %add3A_9 = arith.addf %broadcast_in_dim3A_7, %add3A_8 : vector<400x1xf32>
    %div3A = arith.constant 1.000000e+00 : f32
    %div3A_10 = vector.broadcast %div3A : f32 to vector<400x1xf32>
    %div3A_11 = arith.divf %div3A_10, %add3A_9 : vector<400x1xf32>
    %mul3A = vector.broadcast %div3A_11 : vector<400x1xf32> to vector<400x128xf32>
    %mul3A_12 = arith.mulf %get3A_1, %mul3A : vector<400x128xf32>
    %gt3A = arith.constant 0.000000e+00 : f32
    %gt3A_13 = vector.broadcast %gt3A : f32 to vector<400x128xf32>
    %gt3A_14 = arith.cmpf ogt, %mul3A_12, %gt3A_13 : vector<400x128xf32>
    %min3A = arith.constant 0.000000e+00 : f32
    %min3A_15 = vector.broadcast %min3A : f32 to vector<400x128xf32>
    %min3A_16 = arith.minimumf %mul3A_12, %min3A_15 : vector<400x128xf32>
    %exp3A = math.exp %min3A_16 : vector<400x128xf32>
    %sub3A = arith.constant 1.000000e+00 : f32
    %sub3A_17 = vector.broadcast %sub3A : f32 to vector<400x128xf32>
    %sub3A_18 = arith.subf %exp3A, %sub3A_17 : vector<400x128xf32>
    %select_n3A_19 = arith.select %gt3A_14, %mul3A_12, %sub3A_18 : vector<400x128xi1>, vector<400x128xf32>
    %get3A_20 = arith.constant 0 : index
    %get3A_21 = arith.constant 0 : index
    %get3A_22 = vector.load %arg5[%get3A_20, %get3A_21] : memref<128x128xf32, #tpu.memory_space<vmem>>, vector<128x128xf32>
    %dot_general3A = arith.constant dense<0.000000e+00> : vector<400x128xf32>
    %dot_general3A_23 = tpu.matmul %select_n3A_19, %get3A_22, %dot_general3A {dimension_numbers = #tpu.dot_dimension_numbers<[1], [0], [0], [1], [0, 0, 1, 1], [], []>, transpose_lhs_hint = false} : vector<400x128xf32>, vector<128x128xf32>, vector<400x128xf32> -> vector<400x128xf32>
    %get3A_24 = arith.constant 0 : index
    %get3A_25 = arith.constant 0 : index
    %get3A_26 = vector.load %arg6[%get3A_24, %get3A_25] : memref<1x128xf32, #tpu.memory_space<vmem>>, vector<1x128xf32>
    %add3A_27 = vector.broadcast %get3A_26 : vector<1x128xf32> to vector<400x128xf32>
    %add3A_28 = arith.addf %dot_general3A_23, %add3A_27 : vector<400x128xf32>
    %max3A = arith.constant 0.000000e+00 : f32
    %max3A_29 = vector.broadcast %max3A : f32 to vector<400x128xf32>
    %max3A_30 = arith.maximumf %add3A_28, %max3A_29 : vector<400x128xf32>
    %get3A_31 = arith.constant 0 : index
    %get3A_32 = arith.constant 0 : index
    %get3A_33 = vector.load %arg7[%get3A_31, %get3A_32] : memref<128x256xf32, #tpu.memory_space<vmem>>, vector<128x256xf32>
    %dot_general3A_34 = arith.constant dense<0.000000e+00> : vector<400x256xf32>
    %dot_general3A_35 = tpu.matmul %max3A_30, %get3A_33, %dot_general3A_34 {dimension_numbers = #tpu.dot_dimension_numbers<[1], [0], [0], [1], [0, 0, 1, 1], [], []>, transpose_lhs_hint = false} : vector<400x128xf32>, vector<128x256xf32>, vector<400x256xf32> -> vector<400x256xf32>
    %get3A_36 = arith.constant 0 : index
    %get3A_37 = arith.constant 0 : index
    %get3A_38 = vector.load %arg8[%get3A_36, %get3A_37] : memref<1x256xf32, #tpu.memory_space<vmem>>, vector<1x256xf32>
    %add3A_39 = vector.broadcast %get3A_38 : vector<1x256xf32> to vector<400x256xf32>
    %add3A_40 = arith.addf %dot_general3A_35, %add3A_39 : vector<400x256xf32>
    %max3A_41 = arith.constant 0.000000e+00 : f32
    %max3A_42 = vector.broadcast %max3A_41 : f32 to vector<400x256xf32>
    %max3A_43 = arith.maximumf %add3A_40, %max3A_42 : vector<400x256xf32>
    %get3A_44 = arith.constant 0 : index
    %get3A_45 = arith.constant 0 : index
    %get3A_46 = vector.load %arg9[%get3A_44, %get3A_45] : memref<256x128xf32, #tpu.memory_space<vmem>>, vector<256x128xf32>
    %dot_general3A_47 = arith.constant dense<0.000000e+00> : vector<400x128xf32>
    %dot_general3A_48 = tpu.matmul %max3A_43, %get3A_46, %dot_general3A_47 {dimension_numbers = #tpu.dot_dimension_numbers<[1], [0], [0], [1], [0, 0, 1, 1], [], []>, transpose_lhs_hint = false} : vector<400x256xf32>, vector<256x128xf32>, vector<400x128xf32> -> vector<400x128xf32>
    %get3A_49 = arith.constant 0 : index
    %get3A_50 = arith.constant 0 : index
    %get3A_51 = vector.load %arg10[%get3A_49, %get3A_50] : memref<1x128xf32, #tpu.memory_space<vmem>>, vector<1x128xf32>
    %add3A_52 = vector.broadcast %get3A_51 : vector<1x128xf32> to vector<400x128xf32>
    %add3A_53 = arith.addf %dot_general3A_48, %add3A_52 : vector<400x128xf32>
    %neg3A = arith.constant 0.000000e+00 : f32
    %neg3A_54 = vector.broadcast %neg3A : f32 to vector<400x128xf32>
    %neg3A_55 = arith.subf %neg3A_54, %add3A_53 : vector<400x128xf32>
    %exp3A_56 = math.exp %neg3A_55 : vector<400x128xf32>
    %add3A_57 = arith.constant 1.000000e+00 : f32
    %add3A_58 = vector.broadcast %add3A_57 : f32 to vector<400x128xf32>
    %add3A_59 = arith.addf %add3A_58, %exp3A_56 : vector<400x128xf32>
    %div3A_60 = arith.constant 1.000000e+00 : f32
    %div3A_61 = vector.broadcast %div3A_60 : f32 to vector<400x128xf32>
    %div3A_62 = arith.divf %div3A_61, %add3A_59 : vector<400x128xf32>
    %get3A_63 = arith.constant 0 : index
    %get3A_64 = arith.constant 0 : index
    %get3A_65 = vector.load %arg11[%get3A_63, %get3A_64] : memref<256x128xf32, #tpu.memory_space<vmem>>, vector<256x128xf32>
    %dot_general3A_66 = arith.constant dense<0.000000e+00> : vector<400x128xf32>
    %dot_general3A_67 = tpu.matmul %max3A_43, %get3A_65, %dot_general3A_66 {dimension_numbers = #tpu.dot_dimension_numbers<[1], [0], [0], [1], [0, 0, 1, 1], [], []>, transpose_lhs_hint = false} : vector<400x256xf32>, vector<256x128xf32>, vector<400x128xf32> -> vector<400x128xf32>
    %get3A_68 = arith.constant 0 : index
    %get3A_69 = arith.constant 0 : index
    %get3A_70 = vector.load %arg12[%get3A_68, %get3A_69] : memref<1x128xf32, #tpu.memory_space<vmem>>, vector<1x128xf32>
    %add3A_71 = vector.broadcast %get3A_70 : vector<1x128xf32> to vector<400x128xf32>
    %add3A_72 = arith.addf %dot_general3A_67, %add3A_71 : vector<400x128xf32>
    %max3A_73 = arith.constant 0.000000e+00 : f32
    %max3A_74 = vector.broadcast %max3A_73 : f32 to vector<400x128xf32>
    %max3A_75 = arith.maximumf %add3A_72, %max3A_74 : vector<400x128xf32>
    %abs3A = math.absf %add3A_72 : vector<400x128xf32>
    %neg3A_76 = arith.constant 0.000000e+00 : f32
    %neg3A_77 = vector.broadcast %neg3A_76 : f32 to vector<400x128xf32>
    %neg3A_78 = arith.subf %neg3A_77, %abs3A : vector<400x128xf32>
    %exp3A_79 = math.exp %neg3A_78 : vector<400x128xf32>
    %log1p3A = math.log1p %exp3A_79 : vector<400x128xf32>
    %add3A_80 = arith.addf %max3A_75, %log1p3A : vector<400x128xf32>
    %jit3A_81 = arith.constant 9.99999974E-5 : f32
    %jit3A_82 = arith.constant 1.000000e+04 : f32
    %max3A_83 = vector.broadcast %jit3A_81 : f32 to vector<400x128xf32>
    %max3A_84 = arith.maximumf %max3A_83, %add3A_80 : vector<400x128xf32>
    %min3A_85 = vector.broadcast %jit3A_82 : f32 to vector<400x128xf32>
    %min3A_86 = arith.minimumf %min3A_85, %max3A_84 : vector<400x128xf32>
    %get3A_87 = arith.constant 0 : index
    %get3A_88 = arith.constant 0 : index
    %get3A_89 = vector.load %arg13[%get3A_87, %get3A_88] : memref<256x128xf32, #tpu.memory_space<vmem>>, vector<256x128xf32>
    %dot_general3A_90 = arith.constant dense<0.000000e+00> : vector<400x128xf32>
    %dot_general3A_91 = tpu.matmul %max3A_43, %get3A_89, %dot_general3A_90 {dimension_numbers = #tpu.dot_dimension_numbers<[1], [0], [0], [1], [0, 0, 1, 1], [], []>, transpose_lhs_hint = false} : vector<400x256xf32>, vector<256x128xf32>, vector<400x128xf32> -> vector<400x128xf32>
    %get3A_92 = arith.constant 0 : index
    %get3A_93 = arith.constant 0 : index
    %get3A_94 = vector.load %arg14[%get3A_92, %get3A_93] : memref<1x128xf32, #tpu.memory_space<vmem>>, vector<1x128xf32>
    %add3A_95 = vector.broadcast %get3A_94 : vector<1x128xf32> to vector<400x128xf32>
    %add3A_96 = arith.addf %dot_general3A_91, %add3A_95 : vector<400x128xf32>
    %max3A_97 = arith.constant 0.000000e+00 : f32
    %max3A_98 = vector.broadcast %max3A_97 : f32 to vector<400x128xf32>
    %max3A_99 = arith.maximumf %add3A_96, %max3A_98 : vector<400x128xf32>
    %abs3A_100 = math.absf %add3A_96 : vector<400x128xf32>
    %neg3A_101 = arith.constant 0.000000e+00 : f32
    %neg3A_102 = vector.broadcast %neg3A_101 : f32 to vector<400x128xf32>
    %neg3A_103 = arith.subf %neg3A_102, %abs3A_100 : vector<400x128xf32>
    %exp3A_104 = math.exp %neg3A_103 : vector<400x128xf32>
    %log1p3A_105 = math.log1p %exp3A_104 : vector<400x128xf32>
    %add3A_106 = arith.addf %max3A_99, %log1p3A_105 : vector<400x128xf32>
    %jit3A_107 = arith.constant 9.99999974E-6 : f32
    %jit3A_108 = arith.constant 1.000000e+06 : f32
    %max3A_109 = vector.broadcast %jit3A_107 : f32 to vector<400x128xf32>
    %max3A_110 = arith.maximumf %max3A_109, %add3A_106 : vector<400x128xf32>
    %min3A_111 = vector.broadcast %jit3A_108 : f32 to vector<400x128xf32>
    %min3A_112 = arith.minimumf %min3A_111, %max3A_110 : vector<400x128xf32>
    %get3A_113 = arith.constant 0 : index
    %get3A_114 = arith.constant 0 : index
    %get3A_115 = vector.load %arg15[%get3A_113, %get3A_114] : memref<256x128xf32, #tpu.memory_space<vmem>>, vector<256x128xf32>
    %dot_general3A_116 = arith.constant dense<0.000000e+00> : vector<400x128xf32>
    %dot_general3A_117 = tpu.matmul %max3A_43, %get3A_115, %dot_general3A_116 {dimension_numbers = #tpu.dot_dimension_numbers<[1], [0], [0], [1], [0, 0, 1, 1], [], []>, transpose_lhs_hint = false} : vector<400x256xf32>, vector<256x128xf32>, vector<400x128xf32> -> vector<400x128xf32>
    %get3A_118 = arith.constant 0 : index
    %get3A_119 = arith.constant 0 : index
    %get3A_120 = vector.load %arg16[%get3A_118, %get3A_119] : memref<1x128xf32, #tpu.memory_space<vmem>>, vector<1x128xf32>
    %add3A_121 = vector.broadcast %get3A_120 : vector<1x128xf32> to vector<400x128xf32>
    %add3A_122 = arith.addf %dot_general3A_117, %add3A_121 : vector<400x128xf32>
    %get3A_123 = arith.constant 0 : index
    %get3A_124 = arith.constant 0 : index
    %get3A_125 = vector.load %arg2[%get3A_123, %get3A_124] : memref<400x128xf32, #tpu.memory_space<vmem>>, vector<400x128xf32>
    %get3A_126 = arith.constant 0 : index
    %get3A_127 = arith.constant 0 : index
    %get3A_128 = vector.load %arg3[%get3A_126, %get3A_127] : memref<400x128xf32, #tpu.memory_space<vmem>>, vector<400x128xf32>
    %get3A_129 = arith.constant 0 : index
    %get3A_130 = arith.constant 0 : index
    %get3A_131 = vector.load %arg4[%get3A_129, %get3A_130] : memref<400x1xf32, #tpu.memory_space<vmem>>, vector<400x1xf32>
    %mul3A_132 = vector.broadcast %get3A_131 : vector<400x1xf32> to vector<400x128xf32>
    %mul3A_133 = arith.mulf %min3A_112, %mul3A_132 : vector<400x128xf32>
    %add3A_134 = arith.constant 1.000000e-10 : f32
    %add3A_135 = vector.broadcast %add3A_134 : f32 to vector<400x128xf32>
    %add3A_136 = arith.addf %min3A_86, %add3A_135 : vector<400x128xf32>
    %lt3A = arith.constant 5.000000e-01 : f32
    %lt3A_137 = vector.broadcast %lt3A : f32 to vector<400x128xf32>
    %lt3A_138 = arith.cmpf olt, %add3A_136, %lt3A_137 : vector<400x128xf32>
    %add3A_139 = arith.constant 1.000000e+00 : f32
    %add3A_140 = vector.broadcast %add3A_139 : f32 to vector<400x128xf32>
    %add3A_141 = arith.addf %add3A_136, %add3A_140 : vector<400x128xf32>
    %select_n3A_142 = arith.select %lt3A_138, %add3A_141, %add3A_136 : vector<400x128xi1>, vector<400x128xf32>
    %sub3A_143 = arith.constant 1.000000e+00 : f32
    %sub3A_144 = vector.broadcast %sub3A_143 : f32 to vector<400x128xf32>
    %sub3A_145 = arith.subf %select_n3A_142, %sub3A_144 : vector<400x128xf32>
    %broadcast_in_dim3A_146 = arith.constant 1.000000e+00 : f32
    %broadcast_in_dim3A_147 = vector.broadcast %broadcast_in_dim3A_146 : f32 to vector<400x128xf32>
    %add3A_148 = arith.constant 1.000000e+00 : f32
    %add3A_149 = vector.broadcast %add3A_148 : f32 to vector<400x128xf32>
    %add3A_150 = arith.addf %sub3A_145, %add3A_149 : vector<400x128xf32>
    %div3A_151 = arith.constant 676.520386 : f32
    %div3A_152 = vector.broadcast %div3A_151 : f32 to vector<400x128xf32>
    %div3A_153 = arith.divf %div3A_152, %add3A_150 : vector<400x128xf32>
    %add3A_154 = arith.addf %broadcast_in_dim3A_147, %div3A_153 : vector<400x128xf32>
    %add3A_155 = arith.constant 2.000000e+00 : f32
    %add3A_156 = vector.broadcast %add3A_155 : f32 to vector<400x128xf32>
    %add3A_157 = arith.addf %sub3A_145, %add3A_156 : vector<400x128xf32>
    %div3A_158 = arith.constant -1259.13916 : f32
    %div3A_159 = vector.broadcast %div3A_158 : f32 to vector<400x128xf32>
    %div3A_160 = arith.divf %div3A_159, %add3A_157 : vector<400x128xf32>
    %add3A_161 = arith.addf %add3A_154, %div3A_160 : vector<400x128xf32>
    %add3A_162 = arith.constant 3.000000e+00 : f32
    %add3A_163 = vector.broadcast %add3A_162 : f32 to vector<400x128xf32>
    %add3A_164 = arith.addf %sub3A_145, %add3A_163 : vector<400x128xf32>
    %div3A_165 = arith.constant 771.323425 : f32
    %div3A_166 = vector.broadcast %div3A_165 : f32 to vector<400x128xf32>
    %div3A_167 = arith.divf %div3A_166, %add3A_164 : vector<400x128xf32>
    %add3A_168 = arith.addf %add3A_161, %div3A_167 : vector<400x128xf32>
    %add3A_169 = arith.constant 4.000000e+00 : f32
    %add3A_170 = vector.broadcast %add3A_169 : f32 to vector<400x128xf32>
    %add3A_171 = arith.addf %sub3A_145, %add3A_170 : vector<400x128xf32>
    %div3A_172 = arith.constant -176.615036 : f32
    %div3A_173 = vector.broadcast %div3A_172 : f32 to vector<400x128xf32>
    %div3A_174 = arith.divf %div3A_173, %add3A_171 : vector<400x128xf32>
    %add3A_175 = arith.addf %add3A_168, %div3A_174 : vector<400x128xf32>
    %add3A_176 = arith.constant 5.000000e+00 : f32
    %add3A_177 = vector.broadcast %add3A_176 : f32 to vector<400x128xf32>
    %add3A_178 = arith.addf %sub3A_145, %add3A_177 : vector<400x128xf32>
    %div3A_179 = arith.constant 12.5073433 : f32
    %div3A_180 = vector.broadcast %div3A_179 : f32 to vector<400x128xf32>
    %div3A_181 = arith.divf %div3A_180, %add3A_178 : vector<400x128xf32>
    %add3A_182 = arith.addf %add3A_175, %div3A_181 : vector<400x128xf32>
    %add3A_183 = arith.constant 6.000000e+00 : f32
    %add3A_184 = vector.broadcast %add3A_183 : f32 to vector<400x128xf32>
    %add3A_185 = arith.addf %sub3A_145, %add3A_184 : vector<400x128xf32>
    %div3A_186 = arith.constant -0.138571098 : f32
    %div3A_187 = vector.broadcast %div3A_186 : f32 to vector<400x128xf32>
    %div3A_188 = arith.divf %div3A_187, %add3A_185 : vector<400x128xf32>
    %add3A_189 = arith.addf %add3A_182, %div3A_188 : vector<400x128xf32>
    %add3A_190 = arith.constant 7.000000e+00 : f32
    %add3A_191 = vector.broadcast %add3A_190 : f32 to vector<400x128xf32>
    %add3A_192 = arith.addf %sub3A_145, %add3A_191 : vector<400x128xf32>
    %div3A_193 = arith.constant 9.98436917E-6 : f32
    %div3A_194 = vector.broadcast %div3A_193 : f32 to vector<400x128xf32>
    %div3A_195 = arith.divf %div3A_194, %add3A_192 : vector<400x128xf32>
    %add3A_196 = arith.addf %add3A_189, %div3A_195 : vector<400x128xf32>
    %add3A_197 = arith.constant 8.000000e+00 : f32
    %add3A_198 = vector.broadcast %add3A_197 : f32 to vector<400x128xf32>
    %add3A_199 = arith.addf %sub3A_145, %add3A_198 : vector<400x128xf32>
    %div3A_200 = arith.constant 1.50563267E-7 : f32
    %div3A_201 = vector.broadcast %div3A_200 : f32 to vector<400x128xf32>
    %div3A_202 = arith.divf %div3A_201, %add3A_199 : vector<400x128xf32>
    %add3A_203 = arith.addf %add3A_196, %div3A_202 : vector<400x128xf32>
    %add3A_204 = arith.constant 7.000000e+00 : f32
    %add3A_205 = vector.broadcast %add3A_204 : f32 to vector<400x128xf32>
    %add3A_206 = arith.addf %sub3A_145, %add3A_205 : vector<400x128xf32>
    %add3A_207 = arith.constant 5.000000e-01 : f32
    %add3A_208 = vector.broadcast %add3A_207 : f32 to vector<400x128xf32>
    %add3A_209 = arith.addf %add3A_206, %add3A_208 : vector<400x128xf32>
    %add3A_210 = arith.constant 5.000000e-01 : f32
    %add3A_211 = vector.broadcast %add3A_210 : f32 to vector<400x128xf32>
    %add3A_212 = arith.addf %sub3A_145, %add3A_211 : vector<400x128xf32>
    %log3A = math.log %add3A_209 : vector<400x128xf32>
    %mul3A_213 = arith.mulf %add3A_212, %log3A : vector<400x128xf32>
    %add3A_214 = arith.constant 0.918938517 : f32
    %add3A_215 = vector.broadcast %add3A_214 : f32 to vector<400x128xf32>
    %add3A_216 = arith.addf %add3A_215, %mul3A_213 : vector<400x128xf32>
    %sub3A_217 = arith.subf %add3A_216, %add3A_209 : vector<400x128xf32>
    %log3A_218 = math.log %add3A_203 : vector<400x128xf32>
    %add3A_219 = arith.addf %sub3A_217, %log3A_218 : vector<400x128xf32>
    %log3A_220 = math.log %add3A_136 : vector<400x128xf32>
    %sub3A_221 = arith.subf %add3A_219, %log3A_220 : vector<400x128xf32>
    %select_n3A_222 = arith.select %lt3A_138, %sub3A_221, %add3A_219 : vector<400x128xi1>, vector<400x128xf32>
    %add3A_223 = arith.constant 1.000000e+00 : f32
    %add3A_224 = vector.broadcast %add3A_223 : f32 to vector<400x128xf32>
    %add3A_225 = arith.addf %get3A_128, %add3A_224 : vector<400x128xf32>
    %lt3A_226 = arith.constant 5.000000e-01 : f32
    %lt3A_227 = vector.broadcast %lt3A_226 : f32 to vector<400x128xf32>
    %lt3A_228 = arith.cmpf olt, %add3A_225, %lt3A_227 : vector<400x128xf32>
    %add3A_229 = arith.constant 1.000000e+00 : f32
    %add3A_230 = vector.broadcast %add3A_229 : f32 to vector<400x128xf32>
    %add3A_231 = arith.addf %add3A_225, %add3A_230 : vector<400x128xf32>
    %select_n3A_232 = arith.select %lt3A_228, %add3A_231, %add3A_225 : vector<400x128xi1>, vector<400x128xf32>
    %sub3A_233 = arith.constant 1.000000e+00 : f32
    %sub3A_234 = vector.broadcast %sub3A_233 : f32 to vector<400x128xf32>
    %sub3A_235 = arith.subf %select_n3A_232, %sub3A_234 : vector<400x128xf32>
    %broadcast_in_dim3A_236 = arith.constant 1.000000e+00 : f32
    %broadcast_in_dim3A_237 = vector.broadcast %broadcast_in_dim3A_236 : f32 to vector<400x128xf32>
    %add3A_238 = arith.constant 1.000000e+00 : f32
    %add3A_239 = vector.broadcast %add3A_238 : f32 to vector<400x128xf32>
    %add3A_240 = arith.addf %sub3A_235, %add3A_239 : vector<400x128xf32>
    %div3A_241 = arith.constant 676.520386 : f32
    %div3A_242 = vector.broadcast %div3A_241 : f32 to vector<400x128xf32>
    %div3A_243 = arith.divf %div3A_242, %add3A_240 : vector<400x128xf32>
    %add3A_244 = arith.addf %broadcast_in_dim3A_237, %div3A_243 : vector<400x128xf32>
    %add3A_245 = arith.constant 2.000000e+00 : f32
    %add3A_246 = vector.broadcast %add3A_245 : f32 to vector<400x128xf32>
    %add3A_247 = arith.addf %sub3A_235, %add3A_246 : vector<400x128xf32>
    %div3A_248 = arith.constant -1259.13916 : f32
    %div3A_249 = vector.broadcast %div3A_248 : f32 to vector<400x128xf32>
    %div3A_250 = arith.divf %div3A_249, %add3A_247 : vector<400x128xf32>
    %add3A_251 = arith.addf %add3A_244, %div3A_250 : vector<400x128xf32>
    %add3A_252 = arith.constant 3.000000e+00 : f32
    %add3A_253 = vector.broadcast %add3A_252 : f32 to vector<400x128xf32>
    %add3A_254 = arith.addf %sub3A_235, %add3A_253 : vector<400x128xf32>
    %div3A_255 = arith.constant 771.323425 : f32
    %div3A_256 = vector.broadcast %div3A_255 : f32 to vector<400x128xf32>
    %div3A_257 = arith.divf %div3A_256, %add3A_254 : vector<400x128xf32>
    %add3A_258 = arith.addf %add3A_251, %div3A_257 : vector<400x128xf32>
    %add3A_259 = arith.constant 4.000000e+00 : f32
    %add3A_260 = vector.broadcast %add3A_259 : f32 to vector<400x128xf32>
    %add3A_261 = arith.addf %sub3A_235, %add3A_260 : vector<400x128xf32>
    %div3A_262 = arith.constant -176.615036 : f32
    %div3A_263 = vector.broadcast %div3A_262 : f32 to vector<400x128xf32>
    %div3A_264 = arith.divf %div3A_263, %add3A_261 : vector<400x128xf32>
    %add3A_265 = arith.addf %add3A_258, %div3A_264 : vector<400x128xf32>
    %add3A_266 = arith.constant 5.000000e+00 : f32
    %add3A_267 = vector.broadcast %add3A_266 : f32 to vector<400x128xf32>
    %add3A_268 = arith.addf %sub3A_235, %add3A_267 : vector<400x128xf32>
    %div3A_269 = arith.constant 12.5073433 : f32
    %div3A_270 = vector.broadcast %div3A_269 : f32 to vector<400x128xf32>
    %div3A_271 = arith.divf %div3A_270, %add3A_268 : vector<400x128xf32>
    %add3A_272 = arith.addf %add3A_265, %div3A_271 : vector<400x128xf32>
    %add3A_273 = arith.constant 6.000000e+00 : f32
    %add3A_274 = vector.broadcast %add3A_273 : f32 to vector<400x128xf32>
    %add3A_275 = arith.addf %sub3A_235, %add3A_274 : vector<400x128xf32>
    %div3A_276 = arith.constant -0.138571098 : f32
    %div3A_277 = vector.broadcast %div3A_276 : f32 to vector<400x128xf32>
    %div3A_278 = arith.divf %div3A_277, %add3A_275 : vector<400x128xf32>
    %add3A_279 = arith.addf %add3A_272, %div3A_278 : vector<400x128xf32>
    %add3A_280 = arith.constant 7.000000e+00 : f32
    %add3A_281 = vector.broadcast %add3A_280 : f32 to vector<400x128xf32>
    %add3A_282 = arith.addf %sub3A_235, %add3A_281 : vector<400x128xf32>
    %div3A_283 = arith.constant 9.98436917E-6 : f32
    %div3A_284 = vector.broadcast %div3A_283 : f32 to vector<400x128xf32>
    %div3A_285 = arith.divf %div3A_284, %add3A_282 : vector<400x128xf32>
    %add3A_286 = arith.addf %add3A_279, %div3A_285 : vector<400x128xf32>
    %add3A_287 = arith.constant 8.000000e+00 : f32
    %add3A_288 = vector.broadcast %add3A_287 : f32 to vector<400x128xf32>
    %add3A_289 = arith.addf %sub3A_235, %add3A_288 : vector<400x128xf32>
    %div3A_290 = arith.constant 1.50563267E-7 : f32
    %div3A_291 = vector.broadcast %div3A_290 : f32 to vector<400x128xf32>
    %div3A_292 = arith.divf %div3A_291, %add3A_289 : vector<400x128xf32>
    %add3A_293 = arith.addf %add3A_286, %div3A_292 : vector<400x128xf32>
    %add3A_294 = arith.constant 7.000000e+00 : f32
    %add3A_295 = vector.broadcast %add3A_294 : f32 to vector<400x128xf32>
    %add3A_296 = arith.addf %sub3A_235, %add3A_295 : vector<400x128xf32>
    %add3A_297 = arith.constant 5.000000e-01 : f32
    %add3A_298 = vector.broadcast %add3A_297 : f32 to vector<400x128xf32>
    %add3A_299 = arith.addf %add3A_296, %add3A_298 : vector<400x128xf32>
    %add3A_300 = arith.constant 5.000000e-01 : f32
    %add3A_301 = vector.broadcast %add3A_300 : f32 to vector<400x128xf32>
    %add3A_302 = arith.addf %sub3A_235, %add3A_301 : vector<400x128xf32>
    %log3A_303 = math.log %add3A_299 : vector<400x128xf32>
    %mul3A_304 = arith.mulf %add3A_302, %log3A_303 : vector<400x128xf32>
    %add3A_305 = arith.constant 0.918938517 : f32
    %add3A_306 = vector.broadcast %add3A_305 : f32 to vector<400x128xf32>
    %add3A_307 = arith.addf %add3A_306, %mul3A_304 : vector<400x128xf32>
    %sub3A_308 = arith.subf %add3A_307, %add3A_299 : vector<400x128xf32>
    %log3A_309 = math.log %add3A_293 : vector<400x128xf32>
    %add3A_310 = arith.addf %sub3A_308, %log3A_309 : vector<400x128xf32>
    %log3A_311 = math.log %add3A_225 : vector<400x128xf32>
    %sub3A_312 = arith.subf %add3A_310, %log3A_311 : vector<400x128xf32>
    %select_n3A_313 = arith.select %lt3A_228, %sub3A_312, %add3A_310 : vector<400x128xi1>, vector<400x128xf32>
    %add3A_314 = arith.addf %select_n3A_222, %select_n3A_313 : vector<400x128xf32>
    %add3A_315 = arith.addf %get3A_128, %min3A_86 : vector<400x128xf32>
    %add3A_316 = arith.constant 1.000000e-10 : f32
    %add3A_317 = vector.broadcast %add3A_316 : f32 to vector<400x128xf32>
    %add3A_318 = arith.addf %add3A_315, %add3A_317 : vector<400x128xf32>
    %lt3A_319 = arith.constant 5.000000e-01 : f32
    %lt3A_320 = vector.broadcast %lt3A_319 : f32 to vector<400x128xf32>
    %lt3A_321 = arith.cmpf olt, %add3A_318, %lt3A_320 : vector<400x128xf32>
    %add3A_322 = arith.constant 1.000000e+00 : f32
    %add3A_323 = vector.broadcast %add3A_322 : f32 to vector<400x128xf32>
    %add3A_324 = arith.addf %add3A_318, %add3A_323 : vector<400x128xf32>
    %select_n3A_325 = arith.select %lt3A_321, %add3A_324, %add3A_318 : vector<400x128xi1>, vector<400x128xf32>
    %sub3A_326 = arith.constant 1.000000e+00 : f32
    %sub3A_327 = vector.broadcast %sub3A_326 : f32 to vector<400x128xf32>
    %sub3A_328 = arith.subf %select_n3A_325, %sub3A_327 : vector<400x128xf32>
    %broadcast_in_dim3A_329 = arith.constant 1.000000e+00 : f32
    %broadcast_in_dim3A_330 = vector.broadcast %broadcast_in_dim3A_329 : f32 to vector<400x128xf32>
    %add3A_331 = arith.constant 1.000000e+00 : f32
    %add3A_332 = vector.broadcast %add3A_331 : f32 to vector<400x128xf32>
    %add3A_333 = arith.addf %sub3A_328, %add3A_332 : vector<400x128xf32>
    %div3A_334 = arith.constant 676.520386 : f32
    %div3A_335 = vector.broadcast %div3A_334 : f32 to vector<400x128xf32>
    %div3A_336 = arith.divf %div3A_335, %add3A_333 : vector<400x128xf32>
    %add3A_337 = arith.addf %broadcast_in_dim3A_330, %div3A_336 : vector<400x128xf32>
    %add3A_338 = arith.constant 2.000000e+00 : f32
    %add3A_339 = vector.broadcast %add3A_338 : f32 to vector<400x128xf32>
    %add3A_340 = arith.addf %sub3A_328, %add3A_339 : vector<400x128xf32>
    %div3A_341 = arith.constant -1259.13916 : f32
    %div3A_342 = vector.broadcast %div3A_341 : f32 to vector<400x128xf32>
    %div3A_343 = arith.divf %div3A_342, %add3A_340 : vector<400x128xf32>
    %add3A_344 = arith.addf %add3A_337, %div3A_343 : vector<400x128xf32>
    %add3A_345 = arith.constant 3.000000e+00 : f32
    %add3A_346 = vector.broadcast %add3A_345 : f32 to vector<400x128xf32>
    %add3A_347 = arith.addf %sub3A_328, %add3A_346 : vector<400x128xf32>
    %div3A_348 = arith.constant 771.323425 : f32
    %div3A_349 = vector.broadcast %div3A_348 : f32 to vector<400x128xf32>
    %div3A_350 = arith.divf %div3A_349, %add3A_347 : vector<400x128xf32>
    %add3A_351 = arith.addf %add3A_344, %div3A_350 : vector<400x128xf32>
    %add3A_352 = arith.constant 4.000000e+00 : f32
    %add3A_353 = vector.broadcast %add3A_352 : f32 to vector<400x128xf32>
    %add3A_354 = arith.addf %sub3A_328, %add3A_353 : vector<400x128xf32>
    %div3A_355 = arith.constant -176.615036 : f32
    %div3A_356 = vector.broadcast %div3A_355 : f32 to vector<400x128xf32>
    %div3A_357 = arith.divf %div3A_356, %add3A_354 : vector<400x128xf32>
    %add3A_358 = arith.addf %add3A_351, %div3A_357 : vector<400x128xf32>
    %add3A_359 = arith.constant 5.000000e+00 : f32
    %add3A_360 = vector.broadcast %add3A_359 : f32 to vector<400x128xf32>
    %add3A_361 = arith.addf %sub3A_328, %add3A_360 : vector<400x128xf32>
    %div3A_362 = arith.constant 12.5073433 : f32
    %div3A_363 = vector.broadcast %div3A_362 : f32 to vector<400x128xf32>
    %div3A_364 = arith.divf %div3A_363, %add3A_361 : vector<400x128xf32>
    %add3A_365 = arith.addf %add3A_358, %div3A_364 : vector<400x128xf32>
    %add3A_366 = arith.constant 6.000000e+00 : f32
    %add3A_367 = vector.broadcast %add3A_366 : f32 to vector<400x128xf32>
    %add3A_368 = arith.addf %sub3A_328, %add3A_367 : vector<400x128xf32>
    %div3A_369 = arith.constant -0.138571098 : f32
    %div3A_370 = vector.broadcast %div3A_369 : f32 to vector<400x128xf32>
    %div3A_371 = arith.divf %div3A_370, %add3A_368 : vector<400x128xf32>
    %add3A_372 = arith.addf %add3A_365, %div3A_371 : vector<400x128xf32>
    %add3A_373 = arith.constant 7.000000e+00 : f32
    %add3A_374 = vector.broadcast %add3A_373 : f32 to vector<400x128xf32>
    %add3A_375 = arith.addf %sub3A_328, %add3A_374 : vector<400x128xf32>
    %div3A_376 = arith.constant 9.98436917E-6 : f32
    %div3A_377 = vector.broadcast %div3A_376 : f32 to vector<400x128xf32>
    %div3A_378 = arith.divf %div3A_377, %add3A_375 : vector<400x128xf32>
    %add3A_379 = arith.addf %add3A_372, %div3A_378 : vector<400x128xf32>
    %add3A_380 = arith.constant 8.000000e+00 : f32
    %add3A_381 = vector.broadcast %add3A_380 : f32 to vector<400x128xf32>
    %add3A_382 = arith.addf %sub3A_328, %add3A_381 : vector<400x128xf32>
    %div3A_383 = arith.constant 1.50563267E-7 : f32
    %div3A_384 = vector.broadcast %div3A_383 : f32 to vector<400x128xf32>
    %div3A_385 = arith.divf %div3A_384, %add3A_382 : vector<400x128xf32>
    %add3A_386 = arith.addf %add3A_379, %div3A_385 : vector<400x128xf32>
    %add3A_387 = arith.constant 7.000000e+00 : f32
    %add3A_388 = vector.broadcast %add3A_387 : f32 to vector<400x128xf32>
    %add3A_389 = arith.addf %sub3A_328, %add3A_388 : vector<400x128xf32>
    %add3A_390 = arith.constant 5.000000e-01 : f32
    %add3A_391 = vector.broadcast %add3A_390 : f32 to vector<400x128xf32>
    %add3A_392 = arith.addf %add3A_389, %add3A_391 : vector<400x128xf32>
    %add3A_393 = arith.constant 5.000000e-01 : f32
    %add3A_394 = vector.broadcast %add3A_393 : f32 to vector<400x128xf32>
    %add3A_395 = arith.addf %sub3A_328, %add3A_394 : vector<400x128xf32>
    %log3A_396 = math.log %add3A_392 : vector<400x128xf32>
    %mul3A_397 = arith.mulf %add3A_395, %log3A_396 : vector<400x128xf32>
    %add3A_398 = arith.constant 0.918938517 : f32
    %add3A_399 = vector.broadcast %add3A_398 : f32 to vector<400x128xf32>
    %add3A_400 = arith.addf %add3A_399, %mul3A_397 : vector<400x128xf32>
    %sub3A_401 = arith.subf %add3A_400, %add3A_392 : vector<400x128xf32>
    %log3A_402 = math.log %add3A_386 : vector<400x128xf32>
    %add3A_403 = arith.addf %sub3A_401, %log3A_402 : vector<400x128xf32>
    %log3A_404 = math.log %add3A_318 : vector<400x128xf32>
    %sub3A_405 = arith.subf %add3A_403, %log3A_404 : vector<400x128xf32>
    %select_n3A_406 = arith.select %lt3A_321, %sub3A_405, %add3A_403 : vector<400x128xi1>, vector<400x128xf32>
    %sub3A_407 = arith.subf %add3A_314, %select_n3A_406 : vector<400x128xf32>
    %add3A_408 = arith.addf %min3A_86, %get3A_128 : vector<400x128xf32>
    %add3A_409 = arith.constant 1.000000e-10 : f32
    %add3A_410 = vector.broadcast %add3A_409 : f32 to vector<400x128xf32>
    %add3A_411 = arith.addf %min3A_86, %add3A_410 : vector<400x128xf32>
    %div3A_412 = arith.divf %mul3A_133, %add3A_411 : vector<400x128xf32>
    %log1p3A_413 = math.log1p %div3A_412 : vector<400x128xf32>
    %mul3A_414 = arith.mulf %add3A_408, %log1p3A_413 : vector<400x128xf32>
    %add3A_415 = arith.constant 1.000000e-10 : f32
    %add3A_416 = vector.broadcast %add3A_415 : f32 to vector<400x128xf32>
    %add3A_417 = arith.addf %min3A_86, %add3A_416 : vector<400x128xf32>
    %log3A_418 = math.log %add3A_417 : vector<400x128xf32>
    %add3A_419 = arith.constant 1.000000e-10 : f32
    %add3A_420 = vector.broadcast %add3A_419 : f32 to vector<400x128xf32>
    %add3A_421 = arith.addf %mul3A_133, %add3A_420 : vector<400x128xf32>
    %log3A_422 = math.log %add3A_421 : vector<400x128xf32>
    %sub3A_423 = arith.subf %log3A_418, %log3A_422 : vector<400x128xf32>
    %mul3A_424 = arith.mulf %get3A_128, %sub3A_423 : vector<400x128xf32>
    %add3A_425 = arith.addf %mul3A_414, %mul3A_424 : vector<400x128xf32>
    %add3A_426 = arith.addf %sub3A_407, %add3A_425 : vector<400x128xf32>
    %sub3A_427 = arith.constant 1.000000e+00 : f32
    %sub3A_428 = vector.broadcast %sub3A_427 : f32 to vector<400x128xf32>
    %sub3A_429 = arith.subf %sub3A_428, %div3A_62 : vector<400x128xf32>
    %add3A_430 = arith.constant 1.000000e-10 : f32
    %add3A_431 = vector.broadcast %add3A_430 : f32 to vector<400x128xf32>
    %add3A_432 = arith.addf %sub3A_429, %add3A_431 : vector<400x128xf32>
    %log3A_433 = math.log %add3A_432 : vector<400x128xf32>
    %sub3A_434 = arith.subf %add3A_426, %log3A_433 : vector<400x128xf32>
    %add3A_435 = arith.addf %min3A_86, %mul3A_133 : vector<400x128xf32>
    %add3A_436 = arith.constant 1.000000e-10 : f32
    %add3A_437 = vector.broadcast %add3A_436 : f32 to vector<400x128xf32>
    %add3A_438 = arith.addf %add3A_435, %add3A_437 : vector<400x128xf32>
    %div3A_439 = arith.divf %min3A_86, %add3A_438 : vector<400x128xf32>
    %log3A_440 = math.log %div3A_439 : vector<400x128xf32>
    %mul3A_441 = arith.mulf %min3A_86, %log3A_440 : vector<400x128xf32>
    %exp3A_442 = math.exp %mul3A_441 : vector<400x128xf32>
    %sub3A_443 = arith.constant 1.000000e+00 : f32
    %sub3A_444 = vector.broadcast %sub3A_443 : f32 to vector<400x128xf32>
    %sub3A_445 = arith.subf %sub3A_444, %div3A_62 : vector<400x128xf32>
    %mul3A_446 = arith.mulf %sub3A_445, %exp3A_442 : vector<400x128xf32>
    %add3A_447 = arith.addf %div3A_62, %mul3A_446 : vector<400x128xf32>
    %add3A_448 = arith.constant 1.000000e-10 : f32
    %add3A_449 = vector.broadcast %add3A_448 : f32 to vector<400x128xf32>
    %add3A_450 = arith.addf %add3A_447, %add3A_449 : vector<400x128xf32>
    %log3A_451 = math.log %add3A_450 : vector<400x128xf32>
    %neg3A_452 = arith.constant 0.000000e+00 : f32
    %neg3A_453 = vector.broadcast %neg3A_452 : f32 to vector<400x128xf32>
    %neg3A_454 = arith.subf %neg3A_453, %log3A_451 : vector<400x128xf32>
    %lt3A_455 = arith.constant 9.99999993E-9 : f32
    %lt3A_456 = vector.broadcast %lt3A_455 : f32 to vector<400x128xf32>
    %lt3A_457 = arith.cmpf olt, %get3A_128, %lt3A_456 : vector<400x128xf32>
    %select_n3A_458 = arith.select %lt3A_457, %neg3A_454, %sub3A_434 : vector<400x128xi1>, vector<400x128xf32>
    %mul3A_459 = arith.constant 5.000000e-01 : f32
    %mul3A_460 = vector.broadcast %mul3A_459 : f32 to vector<400x128xf32>
    %mul3A_461 = arith.mulf %mul3A_460, %div3A_62 : vector<400x128xf32>
    %mul3A_462 = arith.mulf %mul3A_461, %div3A_62 : vector<400x128xf32>
    %add3A_463 = arith.addf %select_n3A_458, %mul3A_462 : vector<400x128xf32>
    %reduce_sum3A_464 = vector.shape_cast %add3A_463 : vector<400x128xf32> to vector<1x400x128xf32>
    %reduce_sum3A_465 = arith.constant dense<0.000000e+00> : vector<1xf32>
    %reduce_sum3A_466 = vector.multi_reduction <add>, %reduce_sum3A_464, %reduce_sum3A_465 [1, 2] : vector<1x400x128xf32> to vector<1xf32>
    %reduce_sum3A_467 = vector.shape_cast %reduce_sum3A_466 : vector<1xf32> to vector<1x1x1xf32>
    %reduce_sum3A_468 = vector.extract %reduce_sum3A_467[0, 0, 0] : f32 from vector<1x1x1xf32>
    %sub3A_469 = arith.subf %add3A_122, %get3A_125 : vector<400x128xf32>
    %integer_pow3A = arith.mulf %sub3A_469, %sub3A_469 : vector<400x128xf32>
    %reduce_sum3A_470 = vector.shape_cast %integer_pow3A : vector<400x128xf32> to vector<1x400x128xf32>
    %reduce_sum3A_471 = arith.constant dense<0.000000e+00> : vector<1xf32>
    %reduce_sum3A_472 = vector.multi_reduction <add>, %reduce_sum3A_470, %reduce_sum3A_471 [1, 2] : vector<1x400x128xf32> to vector<1xf32>
    %reduce_sum3A_473 = vector.shape_cast %reduce_sum3A_472 : vector<1xf32> to vector<1x1x1xf32>
    %reduce_sum3A_474 = vector.extract %reduce_sum3A_473[0, 0, 0] : f32 from vector<1x1x1xf32>
    %iota3A_475 = tpu.iota {dimensions = array<i32: 2>} : vector<1x1x128xi32>
    %eq3A_476 = arith.constant 0 : i32
    %eq3A_477 = vector.broadcast %eq3A_476 : i32 to vector<1x1x128xi32>
    %eq3A_478 = arith.cmpi eq, %iota3A_475, %eq3A_477 : vector<1x1x128xi32>
    %jit3A_479 = arith.constant 0.000000e+00 : f32
    %broadcast_in_dim3A_480 = vector.broadcast %reduce_sum3A_468 : f32 to vector<1x1x128xf32>
    %broadcast_in_dim3A_481 = vector.broadcast %jit3A_479 : f32 to vector<1x1x128xf32>
    %select_n3A_482 = arith.select %eq3A_478, %broadcast_in_dim3A_480, %broadcast_in_dim3A_481 : vector<1x1x128xi1>, vector<1x1x128xf32>
    %eq3A_483 = arith.constant 1 : i32
    %eq3A_484 = vector.broadcast %eq3A_483 : i32 to vector<1x1x128xi32>
    %eq3A_485 = arith.cmpi eq, %iota3A_475, %eq3A_484 : vector<1x1x128xi32>
    %jit3A_486 = arith.constant 0.000000e+00 : f32
    %broadcast_in_dim3A_487 = vector.broadcast %reduce_sum3A_474 : f32 to vector<1x1x128xf32>
    %broadcast_in_dim3A_488 = vector.broadcast %jit3A_486 : f32 to vector<1x1x128xf32>
    %select_n3A_489 = arith.select %eq3A_485, %broadcast_in_dim3A_487, %broadcast_in_dim3A_488 : vector<1x1x128xi1>, vector<1x1x128xf32>
    %add3A_490 = arith.addf %select_n3A_482, %select_n3A_489 : vector<1x1x128xf32>
    %swap3A = arith.constant 0 : index
    %swap3A_491 = arith.constant 0 : index
    %swap3A_492 = arith.constant 0 : index
    %swap3A_493 = vector.load %arg17[%swap3A, %swap3A_491, %swap3A_492] : memref<1x1x128xf32, #tpu.memory_space<vmem>>, vector<1x1x128xf32>
    tpu.vector_store %arg17[%swap3A, %swap3A_491, %swap3A_492], %add3A_490 {strides = array<i32>} : memref<1x1x128xf32, #tpu.memory_space<vmem>>, vector<1x1x128xf32>,
    return
  }
  func.func @transform_0(%arg0: i32) -> (i32, i32) {
    %c0_i32 = arith.constant 0 : i32
    %c0_i32_0 = arith.constant 0 : i32
    return %arg0, %c0_i32 : i32, i32
  }
  func.func @transform_1(%arg0: i32) -> (i32, i32) {
    %c0_i32 = arith.constant 0 : i32
    %c0_i32_0 = arith.constant 0 : i32
    return %arg0, %c0_i32 : i32, i32
  }
  func.func @transform_2(%arg0: i32) -> (i32, i32) {
    %c0_i32 = arith.constant 0 : i32
    %c0_i32_0 = arith.constant 0 : i32
    return %arg0, %c0_i32 : i32, i32
  }
  func.func @transform_3(%arg0: i32) -> (i32, i32) {
    %c0_i32 = arith.constant 0 : i32
    %c0_i32_0 = arith.constant 0 : i32
    return %arg0, %c0_i32 : i32, i32
  }
  func.func @transform_4(%arg0: i32) -> (i32, i32) {
    %c0_i32 = arith.constant 0 : i32
    %c0_i32_0 = arith.constant 0 : i32
    %c0_i32_1 = arith.constant 0 : i32
    return %c0_i32, %c0_i32_0 : i32, i32
  }
  func.func @transform_5(%arg0: i32) -> (i32, i32) {
    %c0_i32 = arith.constant 0 : i32
    %c0_i32_0 = arith.constant 0 : i32
    %c0_i32_1 = arith.constant 0 : i32
    return %c0_i32, %c0_i32_0 : i32, i32
  }
  func.func @transform_6(%arg0: i32) -> (i32, i32) {
    %c0_i32 = arith.constant 0 : i32
    %c0_i32_0 = arith.constant 0 : i32
    %c0_i32_1 = arith.constant 0 : i32
    return %c0_i32, %c0_i32_0 : i32, i32
  }
  func.func @transform_7(%arg0: i32) -> (i32, i32) {
    %c0_i32 = arith.constant 0 : i32
    %c0_i32_0 = arith.constant 0 : i32
    %c0_i32_1 = arith.constant 0 : i32
    return %c0_i32, %c0_i32_0 : i32, i32
  }
  func.func @transform_8(%arg0: i32) -> (i32, i32) {
    %c0_i32 = arith.constant 0 : i32
    %c0_i32_0 = arith.constant 0 : i32
    %c0_i32_1 = arith.constant 0 : i32
    return %c0_i32, %c0_i32_0 : i32, i32
  }
  func.func @transform_9(%arg0: i32) -> (i32, i32) {
    %c0_i32 = arith.constant 0 : i32
    %c0_i32_0 = arith.constant 0 : i32
    %c0_i32_1 = arith.constant 0 : i32
    return %c0_i32, %c0_i32_0 : i32, i32
  }
  func.func @transform_10(%arg0: i32) -> (i32, i32) {
    %c0_i32 = arith.constant 0 : i32
    %c0_i32_0 = arith.constant 0 : i32
    %c0_i32_1 = arith.constant 0 : i32
    return %c0_i32, %c0_i32_0 : i32, i32
  }
  func.func @transform_11(%arg0: i32) -> (i32, i32) {
    %c0_i32 = arith.constant 0 : i32
    %c0_i32_0 = arith.constant 0 : i32
    %c0_i32_1 = arith.constant 0 : i32
    return %c0_i32, %c0_i32_0 : i32, i32
  }
  func.func @transform_12(%arg0: i32) -> (i32, i32) {
    %c0_i32 = arith.constant 0 : i32
    %c0_i32_0 = arith.constant 0 : i32
    %c0_i32_1 = arith.constant 0 : i32
    return %c0_i32, %c0_i32_0 : i32, i32
  }
  func.func @transform_13(%arg0: i32) -> (i32, i32) {
    %c0_i32 = arith.constant 0 : i32
    %c0_i32_0 = arith.constant 0 : i32
    %c0_i32_1 = arith.constant 0 : i32
    return %c0_i32, %c0_i32_0 : i32, i32
  }
  func.func @transform_14(%arg0: i32) -> (i32, i32) {
    %c0_i32 = arith.constant 0 : i32
    %c0_i32_0 = arith.constant 0 : i32
    %c0_i32_1 = arith.constant 0 : i32
    return %c0_i32, %c0_i32_0 : i32, i32
  }
  func.func @transform_15(%arg0: i32) -> (i32, i32) {
    %c0_i32 = arith.constant 0 : i32
    %c0_i32_0 = arith.constant 0 : i32
    %c0_i32_1 = arith.constant 0 : i32
    return %c0_i32, %c0_i32_0 : i32, i32
  }
  func.func @transform_16(%arg0: i32) -> (i32, i32, i32) {
    %c0_i32 = arith.constant 0 : i32
    %c0_i32_0 = arith.constant 0 : i32
    %c0_i32_1 = arith.constant 0 : i32
    return %arg0, %c0_i32, %c0_i32_0 : i32, i32, i32
  }
}

</mosaic_0001>

<sc_bundles>
// kernel: kernel.5.cloned.1.call-start
scs
__scs_entry_jumppad:
0x0: {  	(pc) =	sbr.rel $0x88, $3  }
0x1: {  	(tag) =	ssettag $0x0;
	lr =	simm.s32 $0x1  }
0x2: {  	[smem:$0x3F8A] =	sst lr;
	_ =	strace $0xD0000000  }
0x3: {  	_ = 	snop  }
0x4: {  	_ = 	snop  }
0x5: {  	_ = 	snop  }
0x6: {  	_ = 	snop  }
0x7: {  	_ = 	snop  }
__scs_overlays_trampoline_lowered:
0x8: {  	[smem:$0x3F99] =	sst s0  }
0x9: {  	[smem:$0x3F9A] =	sst s1  }
0xa: {  	[smem:$0x3F9B] =	sst s2  }
0xb: {  	[smem:$0x3F9C] =	sst s3  }
0xc: {  	[smem:$0x3F9D] =	sst s4  }
0xd: {  	[smem:$0x3F9E] =	sst s5  }
0xe: {  	[smem:$0x3F9F] =	sst s6  }
0xf: {  	[smem:$0x3FA0] =	sst s7  }
0x10: {  	[smem:$0x3FA1] =	sst s8  }
0x11: {  	[smem:$0x3FA2] =	sst s9;
	s0 =	simm.s32 @!p0 $0x0  }
0x12: {  	s1 =	sld [smem:$0x3F88];
	s0 =	simm.s32 @p0 $0x1  }
0x13: {  	[smem:$0x3FA3] =	sst s0;
	s0 =	simm.s32 @!p1 $0x0  }
0x14: {  	s2 =	sld [smem:$0x3F87];
	s0 =	simm.s32 @p1 $0x1  }
0x15: {  	[smem:$0x3FA4] =	sst s0;
	s0 =	simm.s32 @!p2 $0x0  }
0x16: {  	s3 =	sld [smem:$0x3FDB];
	s0 =	simm.s32 @p2 $0x1  }
0x17: {  	s4 =	simm.s32 $0x1BF5;
	[smem:$0x3FA6] =	sst s0  }
0x18: {  	s0 =	sld [smem:$0x3F89];
	_ =	swait.ge [sflag:s4], $0x0  }
0x19: {  	s7 =	sld [smem:$0x3F8A]  }
0x1a: {  	s8 =	sadd.s32 $0xFFFFE003, lr  }
0x1b: {  	s9 =	sadd.s32 $0xFFFFFEF7, lr;
	s5 =	simm.s32 $0xFFFFFFFF;
	p2 =	slt.u32 s8, $0xFFFFF086  }
0x1c: {  	p1 =	slt.u32 s9, $0xF7A;
	s5 =	simm.s32 @!p2 $0x0  }
0x1d: {  	s5 =	simm.s32 @p1 $0x1;
	p0 =	seq.s32 s7, s2  }
0x1e: {  	s7 =	smul.u32 @!p0 $0xF7A, s2;
	p2 =	seq.s32 @!p0 s5, $0x0  }
0x1f: {  	s9 =	smul.u32 $0xF7A, s1;
	s8 =	simm.s32 @!p0 $0x1BF5;
	p2 =	por !p2, p0  }
0x20: {  	[sflag:s8] =	ssyncset.s32 @!p0 $0xFFFFF086;
	s6 =	sadd.s32 @!p0 s3, s7;
	s7 =	simm.s32 @!p0 $0x108  }
0x21: {  	s3 =	sadd.s32 s3, s9;
	s6 =	sadd.s32 @!p0 $0x88, s6;
	s7 =	simm.s32 @p2 $0x1082  }
0x22: {  	[simem:s7], [sflag:s8] =	dma.local @!p0 [hbm:s6], $0xF7A  }
0x23: {  	s9 =	sor.u32 $0xD0000000, s2;
	s6 =	simm.s32 $0x108;
	_ =	swait.ge @!p0 [sflag:s8], $0x0  }
0x24: {  	s3 =	sadd.s32 $0x88, s3;
	s6 =	simm.s32 @!p1 $0x1082;
	[sflag:s4] =	ssyncset.s32 $0xFFFFF086  }
0x25: {  	[simem:s6], [sflag:s4] =	dma.local [hbm:s3], $0xF7A  }
0x26: {  	[smem:$0x3F8A] =	sst s1;
	(tag) =	ssettag s2;
	_ =	strace s9  }
0x27: {  	s1 =	sld [smem:$0x3F9A]  }
0x28: {  	s2 =	sld [smem:$0x3F9B]  }
0x29: {  	s4 =	sld [smem:$0x3F9D]  }
0x2a: {  	p0 =	seq.s32 s5, $0x0;
	s5 =	sld [smem:$0x3F9E]  }
0x2b: {  	s6 =	sld [smem:$0x3F9F]  }
0x2c: {  	s7 =	sld [smem:$0x3FA0]  }
0x2d: {  	s3 =	simm.s32 $0x108;
	s8 =	sld [smem:$0x3FA1]  }
0x2e: {  	s3 =	simm.s32 @!p0 $0x1082;
	s9 =	sld [smem:$0x3FA2]  }
0x2f: {  	lr =	sadd.s32 s0, s3;
	s0 =	sld [smem:$0x3F99]  }
0x30: {  	s3 =	sld [smem:$0x3F9C]  }
0x31: {  	[smem:$0x3FA5] =	sst s10  }
0x32: {  	s10 =	sld [smem:$0x3FA3];
	_ =	sdelay $0x3  }
0x33: {  	p0 =	seq.s32 s10, $0x1;
	s10 =	sld [smem:$0x3FA5];
	_ =	sdelay $0x3  }
0x34: {  	[smem:$0x3FA5] =	sst s10  }
0x35: {  	s10 =	sld [smem:$0x3FA4];
	_ =	sdelay $0x3  }
0x36: {  	p1 =	seq.s32 s10, $0x1;
	s10 =	sld [smem:$0x3FA5];
	_ =	sdelay $0x3  }
0x37: {  	[smem:$0x3FA5] =	sst s10  }
0x38: {  	s10 =	sld [smem:$0x3FA6]  }
0x39: {  	_ = 	snop;
	(pc) =	sbr.ind lr, $3  }
0x3a: {  	_ = 	snop  }
0x3b: {  	_ = 	snop  }
0x3c: {  	p2 =	seq.s32 s10, $0x1;
	s10 =	sld [smem:$0x3FA5]  }
0x3d: {  	_ =	shalt  }
0x3e: {  	_ =	shalt  }
0x3f: {  	_ =	shalt  }
0x40: {  	_ =	shalt  }
0x41: {  	_ =	shalt  }
0x42: {  	_ =	shalt  }
0x43: {  	_ =	shalt  }
0x44: {  	_ =	shalt  }
0x45: {  	_ =	shalt  }
0x46: {  	_ =	shalt  }
0x47: {  	_ =	shalt  }
0x48: {  	_ =	shalt  }
0x49: {  	_ =	shalt  }
0x4a: {  	_ =	shalt  }
0x4b: {  	_ =	shalt  }
0x4c: {  	_ =	shalt  }
0x4d: {  	_ =	shalt  }
0x4e: {  	_ =	shalt  }
0x4f: {  	_ =	shalt  }
0x50: {  	_ =	shalt  }
0x51: {  	_ =	shalt  }
0x52: {  	_ =	shalt  }
0x53: {  	_ =	shalt  }
0x54: {  	_ =	shalt  }
0x55: {  	_ =	shalt  }
0x56: {  	_ =	shalt  }
0x57: {  	_ =	shalt  }
0x58: {  	_ =	shalt  }
0x59: {  	_ =	shalt  }
0x5a: {  	_ =	shalt  }
0x5b: {  	_ =	shalt  }
0x5c: {  	_ =	shalt  }
0x5d: {  	_ =	shalt  }
0x5e: {  	_ =	shalt  }
0x5f: {  	_ =	shalt  }
0x60: {  	_ =	shalt  }
0x61: {  	_ =	shalt  }
0x62: {  	_ =	shalt  }
0x63: {  	_ =	shalt  }
0x64: {  	_ =	shalt  }
0x65: {  	_ =	shalt  }
0x66: {  	_ =	shalt  }
0x67: {  	_ =	shalt  }
0x68: {  	_ =	shalt  }
0x69: {  	_ =	shalt  }
0x6a: {  	_ =	shalt  }
0x6b: {  	_ =	shalt  }
0x6c: {  	_ =	shalt  }
0x6d: {  	_ =	shalt  }
0x6e: {  	_ =	shalt  }
0x6f: {  	_ =	shalt  }
0x70: {  	_ =	shalt  }
0x71: {  	_ =	shalt  }
0x72: {  	_ =	shalt  }
0x73: {  	_ =	shalt  }
0x74: {  	_ =	shalt  }
0x75: {  	_ =	shalt  }
0x76: {  	_ =	shalt  }
0x77: {  	_ =	shalt  }
0x78: {  	_ =	shalt  }
0x79: {  	_ =	shalt  }
0x7a: {  	_ =	shalt  }
0x7b: {  	_ =	shalt  }
0x7c: {  	_ =	shalt  }
0x7d: {  	_ =	shalt  }
0x7e: {  	_ =	shalt  }
0x7f: {  	_ =	shalt  }
0x80: {  	_ =	shalt  }
0x81: {  	_ =	shalt  }
0x82: {  	_ =	shalt  }
0x83: {  	_ =	shalt  }
0x84: {  	_ =	shalt  }
0x85: {  	_ =	shalt  }
0x86: {  	_ =	shalt  }
0x87: {  	_ =	shalt  }
.Lfunc_end0:
.L_simem_size_0:
called_computation_lowered:
.L_overlay_start_0:
0x88: {  	s2 =	sld [smem:$0x3FD9]  }
0x89: {  	s3 =	sld [smem:$0x3FFE];
	_ =	sdelay $0x1  }
0x8a: {  	s1 =	srdreg.scid  }
0x8b: {  	s0 =	sand.u32 $0x1, s1  }
0x8c: {  	s16 =	sshll.u32 s0, $0xA;
	s2 =	sadd.s32 s3, s2  }
0x8d: {  	s2 =	sadd.s32 s2, s16  }
0x8e: {  	[smem:$0x3FB1] =	sst s2  }
0x8f: {  	_ = 	snop  }
0x90: {  	(tm) =	ssettm $0x1  }
0x91: {  	s17 =	sld [smem:$0x3FFB];
	_ =	sdelay $0x3  }
0x92: {  	_ =	strace s17  }
0x93: {  	s2 =	sld [smem:$0x3FFC];
	_ =	sdelay $0x3  }
0x94: {  	_ =	strace s2  }
0x95: {  	s2 =	sld [smem:$0x3FFD];
	_ =	sdelay $0x3  }
0x96: {  	_ =	strace s2  }
0x97: {  	_ =	strace $0x8FFFFFFF  }
0x98: {  	s18 =	sld [smem:$0x3FDB];
	_ =	sdelay $0x1  }
0x99: {  	s19 =	simm.s32 $_scs_section_size  }
0x9a: {  	s4 =	simm.s32 $_size__tile_overlayer_lowered;
	s5 =	simm.s32 $_tile_overlayer_lowered  }
0x9b: {  	s22 =	simm.s32 $0x1BFF;
	s21 =	sshll.u32 s5, $0x1;
	s2 =	sadd.s32 s19, s18  }
0x9c: {  	s6 =	simm.s32 $0x0;
	s20 =	sshll.u32 s4, $0x1;
	s4 =	sadd.s32 s21, s2  }
0x9d: {  	[timem:s6], [sflag:s22] =	dma.local [hbm:s4], s20  }
0x9e: {  	_ =	swait.ge [sflag:s22], s20  }
0x9f: {  	s3 =	ssub.s32 $0x0, s20;
	[sflag:s22] =	ssyncset.done $0x0  }
0xa0: {  	[sflag:s22] =	ssyncadd.s32 s3;
	_ =	sdelay $0x1  }
0xa1: {  	s23 =	simm.s32 $0x1B8B  }
0xa2: {  	_ =	swait.ge [sflag:s23], $0x1  }
0xa3: {  	[sflag:s23] =	ssyncset.done $0x0  }
0xa4: {  	s25 =	simm.s32 $0x1B8E;
	s24 =	sld [smem:$0x3FFE];
	[sflag:s23] =	ssyncadd.s32 $0xFFFFFFFF  }
0xa5: {  	s26 =	simm.s32 $execute0_lowered;
	[smem:$0x3FD2] =	sst s25  }
0xa6: {  	s4 =	sshll.u32 s26, $0x1;
	_ =	strace $0x80000046;
	[dreg:$0x1] =	wrdreg $0xFFFFFFFF  }
0xa7: {  	s28 =	simm.s32 $_size_execute0_lowered;
	s2 =	sadd.s32 s2, s4;
	[dreg:$0x0] =	wrdreg $0x0  }
0xa8: {  	s4 =	sshll.u32 s28, $0x1;
	[dreg:$0x2] =	wrdreg s2  }
0xa9: {  	[dreg:$0x3] =	wrdreg s4  }
0xaa: {  	[dreg:$0x4] =	wrdreg $0xC0  }
0xab: {  	_ =	task [dreg:s6], $0x5FFFF  }
0xac: {  	[dreg:$0x1] =	wrdreg $0xFFFFFFFF  }
0xad: {  	[dreg:$0x0] =	wrdreg $0x60  }
0xae: {  	[dreg:$0x2] =	wrdreg s24  }
0xaf: {  	[dreg:$0x3] =	wrdreg $0xF1800  }
0xb0: {  	[dreg:$0x4] =	wrdreg $0x9  }
0xb1: {  	_ =	task.clear_ibuf [dreg:s6], $0x5FFFF;
	_ =	strace $0x90000046  }
0xb2: {  	s29 =	simm.s32 $0x9;
	_ =	strace $0x80000048  }
0xb3: {  	_ =	swait.ge [sflag:s29], $0x1  }
0xb4: {  	[sflag:s29] =	ssyncadd.s32 $0xFFFFFFFF  }
0xb5: {  	_ =	strace $0x90000048  }
0xb6: {  	_ =	sfence  }
0xb7: {  	s30 =	sld [smem:$0x0];
	_ =	sdelay $0x2  }
0xb8: {  	s31 =	sshll.u32 s1, $0xD;
	s1 =	sshrl.u32 s1, $0x2  }
0xb9: {  	s3 =	sand.u32 $0x4000, s31;
	s1 =	sadd.s32 s1, s30  }
0xba: {  	s0 =	sor.u32 s3, s0;
	s1 =	sshll.u32 s1, $0x11  }
0xbb: {  	s0 =	sor.u32 s1, s0  }
0xbc: {  	s0 =	sadd.s32 $0x8F2B, s0  }
0xbd: {  	[sflag:s0] =	ssyncadd.remote.s32 $0x1  }
0xbe: {  	_ =	sfence.sel $0xFFFF  }
0xbf: {  	[dreg:$0x0] =	wrdreg $0xFFFFFFFF;
	(pc) =	sbr.abs _section_cstart, $3  }
0xc0: {  	[dreg:$0x1] =	wrdreg $0xFFFFFFFF  }
0xc1: {  	_ =	task.clear_ibuf [dreg:s6], $0x2FFFF;
	_ =	strace $0x9FFFFFFF  }
0xc2: {  	(tm) =	ssettm $0x7FFFFFFF  }
0xc3: {  	_ =	shalt  }
tec
execute0_lowered:
.L_overlay_start_1:
0x0: {  	(tag) =	ssettag $0x1  }
0x1: {  	s0 =	rddreg [dreg:$0x0]  }
0x2: {  	s1 =	rddreg [dreg:$0x1]  }
0x3: {  	s2 =	simm.s32 $0x0;
	s4 =	srdreg.scid;
	s12 =	stileid.u32  }
0x4: {  	s18 =	simm.s32 $0x2980;
	s19 =	simm.s32 $0x2;
	s10 =	smul.u32 $0xC350, s12  }
0x5: {  	[smem:$0x7FF] =	sst s2;
	s3 =	sadd.s32 $0x1B200, s0;
	s22 =	smul.u32 $0x19000, s12  }
0x6: {  	s5 =	sadd.s32 $0x2A00, s0;
	s4 =	sand.u32 $0x1, s4;
	s28 =	smul.u32 $0xC8, s12  }
0x7: {  	s6 =	sadd.s32 $0x1000, s0;
	s8 =	sor.u32 $0x10, s12;
	s20 =	smul.u32 $0x3, s4  }
0x8: {  	s9 =	sadd.s32 $0x187C00, s0;
	s11 =	sor.u32 $0x20, s12;
	s23 =	smul.u32 $0x19000, s8  }
0x9: {  	s7 =	sadd.s32 $0xC4600, s0;
	_ =	strace $0x80000047;
	s25 =	smul.u32 $0x19000, s11  }
0xa: {  	[dreg:$0x3] =	wrdreg s6;
	s21 =	ssub.s32 $0x2, s4;
	s30 =	smul.u32 $0xC8, s8  }
0xb: {  	s31 =	smul.u32 $0xC8, s11;
	p0 =	sgt.u32 s11, $0x29;
	s4 =	sshrl.u32 s21, $0x1  }
0xc: {  	s24 =	sshrl.u32 s22, $0x2;
	[dreg:$0x6] =	wrdreg s28;
	s22 =	simm.s32 $0x2500  }
0xd: {  	[dreg:$0x4] =	wrdreg s20;
	s0 =	ssub.s32 s21, s4;
	s13 =	sadd.s32 s24, s1  }
0xe: {  	s26 =	sshrl.u32 s23, $0x2;
	s29 =	sshrl.u32 s25, $0x2;
	[dreg:$0x7] =	wrdreg s30  }
0xf: {  	[dreg:$0x9] =	wrdreg s31;
	s20 =	simm.s32 $0x2100;
	s21 =	simm.s32 $0x2300  }
0x10: {  	s23 =	simm.s32 $0x50;
	s24 =	simm.s32 $0x1;
	s0 =	smax.u32 s0, $0x1  }
0x11: {  	v0 =	vimm.f32 $0.0e+00;
	v3 =	vlaneseq.u32;
	s25 =	simm.s32 $0x2900;
	s8 =	sadd.s32 s29, s1;
	[dreg:$0x5] =	wrdreg s0  }
0x12: {  	v1 =	vimm.s32 $0x0;
	v2 =	vimm.s32 $0x20D0;
	v3 =	vmul.u32 $0x80, v3;
	s4 =	simm.s32 $0x0;
	s12 =	sadd.s32 s26, s1;
	[dreg:$0x8] =	wrdreg s8  }
.LBB2_1:
0x13: {  	[dreg:$0xa] =	wrdreg s4;
	s0 =	simm.s32 $0x0;
	s4 =	simm.s32 $0x200  }
.LBB2_2:
0x14: {  	p1 =	sne.s32 s4, $0x18E00;
	[tilespmem:s0+$0x29F0] =	vst v0  }
0x15: {  	[tilespmem:s0+$0x2980] =	vst v0  }
0x16: {  	[tilespmem:s0+$0x2990] =	vst v0  }
.Ltmp0:
0x17: {  	[tilespmem:s0+$0x29A0] =	vst v0;
	(pc) =	sbr.rel @p1 .LBB2_2-.Ltmp0, $4  }
0x18: {  	[tilespmem:s0+$0x29B0] =	vst v0  }
0x19: {  	[tilespmem:s0+$0x29C0] =	vst v0  }
0x1a: {  	[tilespmem:s0+$0x29D0] =	vst v0  }
0x1b: {  	[tilespmem:s0+$0x29E0] =	vst v0;
	s0 =	sshra.s32 s4, $0x2;
	s4 =	sadd.s32 $0x200, s4  }
0x1c: {  	[tilespmem:s0+$0x29F0] =	vst v0  }
0x1d: {  	[tilespmem:s0+$0x2980] =	vst v0  }
0x1e: {  	[tilespmem:s0+$0x2990] =	vst v0  }
0x1f: {  	[tilespmem:s0+$0x29A0] =	vst v0  }
0x20: {  	[tilespmem:s0+$0x29B0] =	vst v0  }
0x21: {  	[tilespmem:s0+$0x29C0] =	vst v0  }
0x22: {  	[tilespmem:s0+$0x29D0] =	vst v0  }
0x23: {  	[tilespmem:s0+$0x29E0] =	vst v0;
	s29 =	simm.s32 $0x0  }
.LBB2_4:
0x24: {  	[spmem:s13] =	stream.linear.scatter [tilespmem:s18], [sflag:$0x2], $0x6400, $0x38;
	[tilespmem:$0x1F840] =	vst v63  }
0x25: {  	_ =	swait.ge [sflag:s19], $0x6400  }
0x26: {  	[sflag:s19] =	ssyncset.done $0x0  }
0x27: {  	[sflag:s19] =	ssyncadd.s32 $0xFFFF9C00  }
0x28: {  	[spmem:s12] =	stream.linear.scatter [tilespmem:s18], [sflag:$0x2], $0x6400, $0x38;
	[tilespmem:$0x1F840] =	vst v63  }
0x29: {  	_ =	swait.ge [sflag:s19], $0x6400  }
0x2a: {  	[sflag:s19] =	ssyncset.done $0x0  }
0x2b: {  	s0 =	simm.s32 @!p0 $0x2980;
	s15 =	rddreg [dreg:$0x4];
	[sflag:s19] =	ssyncadd.s32 $0xFFFF9C00  }
0x2c: {  	[spmem:s8] =	stream.linear.scatter @!p0 [tilespmem:s0], [sflag:$0x2], $0x6400, $0x38;
	[tilespmem:$0x1F840] =	vst v63  }
0x2d: {  	s0 =	sadd.s32 s15, s29  }
0x2e: {  	s4 =	simm.s32 @!p0 $0x2;
	s30 =	smul.u32 $0x20D0, s0  }
0x2f: {  	_ =	swait.ge @!p0 [sflag:s4], $0x6400  }
0x30: {  	[sflag:s4] =	ssyncset.done @!p0 $0x0;
	s17 =	rddreg [dreg:$0x3];
	s0 =	sshrl.u32 s30, $0x3  }
0x31: {  	s26 =	simm.s32 $0x0;
	[sflag:s4] =	ssyncadd.s32 @!p0 $0xFFFF9C00;
	s0 =	sadd.s32 s17, s0  }
0x32: {  	[tilespmem:s26], [sflag:$0x2] =	stream.linear.gather [hbm4b:s0+s26], $0x20D0, $0x38;
	[tilespmem:$0x1F840] =	vst v63  }
.Ltmp1:
0x33: {  	_ =	swait.ge [sflag:s19], $0x20D0;
	(pc) =	sbr.rel .LBB2_5-.Ltmp1, $4  }
0x34: {  	[sflag:s19] =	ssyncset.done $0x0  }
0x35: {  	s28 =	smin.u32 s30, $0xA280;
	[sflag:s19] =	ssyncadd.s32 $0xFFFFDF30  }
0x36: {  	s31 =	sadd.s32 $0x20D0, s28;
	[bflag:$0x0] =	sbarrier.arrive $0xFFFF  }
0x37: {  	s14 =	smov.u32 s13;
	s16 =	smov.u32 s12;
	v4 =	vmov s30;
	v5 =	vmov s31;
	s0 =	simm.s32 $0x0  }
.LBB2_11:
0x38: {  	s0 =	sadd.s32 $0x1, s0  }
0x39: {  	p1 =	sne.s32 s0, $0x7D  }
.Ltmp2:
0x3a: {  	_ = 	snop;
	(pc) =	sbr.rel @!p1 .LBB2_12-.Ltmp2, $1  }
0x3b: {  	_ =	sdelay $0x3  }
.LBB2_5:
0x3c: {  	s4 =	smul.u32 $0x190, s0;
	_ =	sdelay $0x1  }
0x3d: {  	s4 =	sadd.s32 s10, s4  }
0x3e: {  	s4 =	sshrl.u32 s4, $0x3  }
0x3f: {  	s17 =	simm.s32 $0x0;
	s6 =	sadd.s32 s3, s4  }
0x40: {  	[tilespmem:s20], [sflag:$0x2] =	stream.linear.gather [hbm4b:s6+s17], $0x190, $0x38;
	[tilespmem:$0x1F840] =	vst v63  }
0x41: {  	_ =	swait.ge [sflag:s19], $0x190  }
0x42: {  	[sflag:s19] =	ssyncset.done $0x0  }
0x43: {  	s4 =	sadd.s32 s5, s4;
	[sflag:s19] =	ssyncadd.s32 $0xFFFFFE70  }
0x44: {  	[tilespmem:s21], [sflag:$0x2] =	stream.linear.gather [hbm4b:s4+s17], $0x190, $0x38;
	[tilespmem:$0x1F840] =	vst v63  }
0x45: {  	_ =	swait.ge [sflag:s19], $0x190  }
0x46: {  	[sflag:s19] =	ssyncset.done $0x0  }
0x47: {  	[sflag:s19] =	ssyncadd.s32 $0xFFFFFE70  }
0x48: {  	v6 =	vld [tilespmem:$0x2300];
	_ =	sdelay $0x4  }
0x49: {  	vm0 =	vge.s32 v6, v4;
	vm1 =	vlt.s32 v6, v5  }
0x4a: {  	vm0 =	vmand vm0, vm1  }
0x4b: {  	v7 =	vmpcnt.ones.xlane vm0;
	_ =	sdelay $0x1  }
0x4c: {  	(v2sf) =	vpush v7, $0x0;
	_ =	sdelay $0x1  }
0x4d: {  	v7 =	vld [tilespmem:$0x2100];
	_ =	sdelay $0x4  }
0x4e: {  	s11 =	simm.s32 $0x2700;
	v6 =	vsub.s32 v6, v4;
	[tilespmem:s22+$0x0] =	vst.msk vm0, v7  }
0x4f: {  	[tilespmem:s11+$0x0] =	vst.msk vm0, v6  }
0x50: {  	v6 =	vld [tilespmem:$0x2310];
	_ =	sdelay $0x1  }
0x51: {  	v7 =	vld [tilespmem:$0x2110];
	_ =	sdelay $0x2  }
0x52: {  	vm4 =	vge.s32 v6, v4;
	vm5 =	vlt.s32 v6, v5  }
0x53: {  	vm0 =	vmand vm4, vm5;
	s6 =	spop (v2sf)  }
0x54: {  	v6 =	vsub.s32 v6, v4;
	[tilespmem:s6+$0x2500] =	vst.msk vm0, v7;
	v7 =	vmpcnt.ones.xlane vm0  }
0x55: {  	[tilespmem:s6+$0x2700] =	vst.msk vm0, v6  }
0x56: {  	(v2sf) =	vpush v7, $0x0;
	v6 =	vld [tilespmem:$0x2320];
	_ =	sdelay $0x4  }
0x57: {  	vm6 =	vge.s32 v6, v4;
	vm7 =	vlt.s32 v6, v5  }
0x58: {  	vm0 =	vmand vm6, vm7  }
0x59: {  	v7 =	vmpcnt.ones.xlane vm0;
	_ =	sdelay $0x1  }
0x5a: {  	(v2sf) =	vpush v7, $0x0;
	_ =	sdelay $0x2  }
0x5b: {  	v7 =	vld [tilespmem:$0x2120];
	_ =	sdelay $0x2  }
0x5c: {  	s8 =	spop (v2sf)  }
0x5d: {  	s4 =	sadd.s32 s6, s8  }
0x5e: {  	v6 =	vsub.s32 v6, v4;
	[tilespmem:s4+$0x2500] =	vst.msk vm0, v7  }
0x5f: {  	[tilespmem:s4+$0x2700] =	vst.msk vm0, v6  }
0x60: {  	v6 =	vld [tilespmem:$0x2330];
	_ =	sdelay $0x1  }
0x61: {  	v7 =	vld [tilespmem:$0x2130];
	_ =	sdelay $0x2  }
0x62: {  	s12 =	spop (v2sf);
	vm8 =	vge.s32 v6, v4;
	vm9 =	vlt.s32 v6, v5  }
0x63: {  	s4 =	sadd.s32 s4, s12;
	vm0 =	vmand vm8, vm9  }
0x64: {  	v6 =	vsub.s32 v6, v4;
	[tilespmem:s4+$0x2500] =	vst.msk vm0, v7;
	v7 =	vmpcnt.ones.xlane vm0  }
0x65: {  	[tilespmem:s4+$0x2700] =	vst.msk vm0, v6  }
0x66: {  	(v2sf) =	vpush v7, $0x0;
	v6 =	vld [tilespmem:$0x2340];
	_ =	sdelay $0x4  }
0x67: {  	vm10 =	vge.s32 v6, v4;
	vm11 =	vlt.s32 v6, v5  }
0x68: {  	vm0 =	vmand vm10, vm11  }
0x69: {  	v7 =	vmpcnt.ones.xlane vm0;
	_ =	sdelay $0x1  }
0x6a: {  	(v2sf) =	vpush v7, $0x0;
	_ =	sdelay $0x2  }
0x6b: {  	v7 =	vld [tilespmem:$0x2140];
	_ =	sdelay $0x2  }
0x6c: {  	s13 =	spop (v2sf)  }
0x6d: {  	s4 =	sadd.s32 s4, s13  }
0x6e: {  	v6 =	vsub.s32 v6, v4;
	[tilespmem:s4+$0x2500] =	vst.msk vm0, v7  }
0x6f: {  	[tilespmem:s4+$0x2700] =	vst.msk vm0, v6  }
0x70: {  	v6 =	vld [tilespmem:$0x2350];
	_ =	sdelay $0x1  }
0x71: {  	v7 =	vld [tilespmem:$0x2150];
	_ =	sdelay $0x2  }
0x72: {  	s15 =	spop (v2sf);
	vm12 =	vge.s32 v6, v4;
	vm13 =	vlt.s32 v6, v5  }
0x73: {  	s4 =	sadd.s32 s4, s15;
	vm0 =	vmand vm12, vm13  }
0x74: {  	v6 =	vsub.s32 v6, v4;
	[tilespmem:s4+$0x2500] =	vst.msk vm0, v7;
	v7 =	vmpcnt.ones.xlane vm0  }
0x75: {  	[tilespmem:s4+$0x2700] =	vst.msk vm0, v6  }
0x76: {  	(v2sf) =	vpush v7, $0x0;
	v6 =	vld [tilespmem:$0x2360];
	_ =	sdelay $0x4  }
0x77: {  	vm14 =	vge.s32 v6, v4;
	vm15 =	vlt.s32 v6, v5  }
0x78: {  	vm0 =	vmand vm14, vm15  }
0x79: {  	v7 =	vmpcnt.ones.xlane vm0;
	_ =	sdelay $0x1  }
0x7a: {  	(v2sf) =	vpush v7, $0x0;
	_ =	sdelay $0x2  }
0x7b: {  	v7 =	vld [tilespmem:$0x2160];
	_ =	sdelay $0x2  }
0x7c: {  	s26 =	spop (v2sf)  }
0x7d: {  	s4 =	sadd.s32 s4, s26  }
0x7e: {  	v6 =	vsub.s32 v6, v4;
	[tilespmem:s4+$0x2500] =	vst.msk vm0, v7  }
0x7f: {  	[tilespmem:s4+$0x2700] =	vst.msk vm0, v6  }
0x80: {  	v6 =	vld [tilespmem:$0x2370];
	_ =	sdelay $0x1  }
0x81: {  	v7 =	vld [tilespmem:$0x2170];
	_ =	sdelay $0x2  }
0x82: {  	s28 =	spop (v2sf);
	vm4 =	vge.s32 v6, v4;
	vm5 =	vlt.s32 v6, v5  }
0x83: {  	s4 =	sadd.s32 s4, s28;
	vm0 =	vmand vm4, vm5  }
0x84: {  	v6 =	vsub.s32 v6, v4;
	[tilespmem:s4+$0x2500] =	vst.msk vm0, v7;
	v7 =	vmpcnt.ones.xlane vm0  }
0x85: {  	[tilespmem:s4+$0x2700] =	vst.msk vm0, v6  }
0x86: {  	(v2sf) =	vpush v7, $0x0;
	v6 =	vld [tilespmem:$0x2380];
	_ =	sdelay $0x4  }
0x87: {  	vm6 =	vge.s32 v6, v4;
	vm7 =	vlt.s32 v6, v5  }
0x88: {  	vm0 =	vmand vm6, vm7  }
0x89: {  	v7 =	vmpcnt.ones.xlane vm0;
	_ =	sdelay $0x1  }
0x8a: {  	(v2sf) =	vpush v7, $0x0;
	_ =	sdelay $0x2  }
0x8b: {  	v7 =	vld [tilespmem:$0x2180];
	_ =	sdelay $0x2  }
0x8c: {  	s8 =	spop (v2sf)  }
0x8d: {  	s4 =	sadd.s32 s4, s8  }
0x8e: {  	v6 =	vsub.s32 v6, v4;
	[tilespmem:s4+$0x2500] =	vst.msk vm0, v7  }
0x8f: {  	[tilespmem:s4+$0x2700] =	vst.msk vm0, v6  }
0x90: {  	v6 =	vld [tilespmem:$0x2390];
	_ =	sdelay $0x1  }
0x91: {  	v7 =	vld [tilespmem:$0x2190];
	_ =	sdelay $0x2  }
0x92: {  	s12 =	spop (v2sf);
	vm8 =	vge.s32 v6, v4;
	vm9 =	vlt.s32 v6, v5  }
0x93: {  	s4 =	sadd.s32 s4, s12;
	vm0 =	vmand vm8, vm9  }
0x94: {  	v6 =	vsub.s32 v6, v4;
	[tilespmem:s4+$0x2500] =	vst.msk vm0, v7;
	v7 =	vmpcnt.ones.xlane vm0  }
0x95: {  	[tilespmem:s4+$0x2700] =	vst.msk vm0, v6  }
0x96: {  	(v2sf) =	vpush v7, $0x0;
	v6 =	vld [tilespmem:$0x23A0];
	_ =	sdelay $0x4  }
0x97: {  	vm10 =	vge.s32 v6, v4;
	vm11 =	vlt.s32 v6, v5  }
0x98: {  	vm0 =	vmand vm10, vm11  }
0x99: {  	v7 =	vmpcnt.ones.xlane vm0;
	_ =	sdelay $0x1  }
0x9a: {  	(v2sf) =	vpush v7, $0x0;
	_ =	sdelay $0x2  }
0x9b: {  	v7 =	vld [tilespmem:$0x21A0];
	_ =	sdelay $0x2  }
0x9c: {  	s13 =	spop (v2sf)  }
0x9d: {  	s4 =	sadd.s32 s4, s13  }
0x9e: {  	v6 =	vsub.s32 v6, v4;
	[tilespmem:s4+$0x2500] =	vst.msk vm0, v7  }
0x9f: {  	[tilespmem:s4+$0x2700] =	vst.msk vm0, v6  }
0xa0: {  	v6 =	vld [tilespmem:$0x23B0];
	_ =	sdelay $0x1  }
0xa1: {  	v7 =	vld [tilespmem:$0x21B0];
	_ =	sdelay $0x2  }
0xa2: {  	s15 =	spop (v2sf);
	vm12 =	vge.s32 v6, v4;
	vm13 =	vlt.s32 v6, v5  }
0xa3: {  	s4 =	sadd.s32 s4, s15;
	vm0 =	vmand vm12, vm13  }
0xa4: {  	v6 =	vsub.s32 v6, v4;
	[tilespmem:s4+$0x2500] =	vst.msk vm0, v7;
	v7 =	vmpcnt.ones.xlane vm0  }
0xa5: {  	[tilespmem:s4+$0x2700] =	vst.msk vm0, v6  }
0xa6: {  	(v2sf) =	vpush v7, $0x0;
	v6 =	vld [tilespmem:$0x23C0];
	_ =	sdelay $0x4  }
0xa7: {  	vm14 =	vge.s32 v6, v4;
	vm15 =	vlt.s32 v6, v5  }
0xa8: {  	vm0 =	vmand vm14, vm15  }
0xa9: {  	v7 =	vmpcnt.ones.xlane vm0;
	_ =	sdelay $0x1  }
0xaa: {  	(v2sf) =	vpush v7, $0x0;
	_ =	sdelay $0x2  }
0xab: {  	v7 =	vld [tilespmem:$0x21C0];
	_ =	sdelay $0x2  }
0xac: {  	s26 =	spop (v2sf)  }
0xad: {  	s4 =	sadd.s32 s4, s26  }
0xae: {  	v6 =	vsub.s32 v6, v4;
	[tilespmem:s4+$0x2500] =	vst.msk vm0, v7  }
0xaf: {  	[tilespmem:s4+$0x2700] =	vst.msk vm0, v6  }
0xb0: {  	v6 =	vld [tilespmem:$0x23D0];
	_ =	sdelay $0x1  }
0xb1: {  	v7 =	vld [tilespmem:$0x21D0];
	_ =	sdelay $0x2  }
0xb2: {  	s28 =	spop (v2sf);
	vm4 =	vge.s32 v6, v4;
	vm5 =	vlt.s32 v6, v5  }
0xb3: {  	s4 =	sadd.s32 s4, s28;
	vm0 =	vmand vm4, vm5  }
0xb4: {  	v6 =	vsub.s32 v6, v4;
	[tilespmem:s4+$0x2500] =	vst.msk vm0, v7;
	v7 =	vmpcnt.ones.xlane vm0  }
0xb5: {  	[tilespmem:s4+$0x2700] =	vst.msk vm0, v6  }
0xb6: {  	(v2sf) =	vpush v7, $0x0;
	v6 =	vld [tilespmem:$0x23E0];
	_ =	sdelay $0x4  }
0xb7: {  	vm6 =	vge.s32 v6, v4;
	vm7 =	vlt.s32 v6, v5  }
0xb8: {  	vm0 =	vmand vm6, vm7  }
0xb9: {  	v7 =	vmpcnt.ones.xlane vm0;
	_ =	sdelay $0x1  }
0xba: {  	(v2sf) =	vpush v7, $0x0;
	_ =	sdelay $0x2  }
0xbb: {  	v7 =	vld [tilespmem:$0x21E0];
	_ =	sdelay $0x2  }
0xbc: {  	s8 =	spop (v2sf)  }
0xbd: {  	s4 =	sadd.s32 s4, s8  }
0xbe: {  	v6 =	vsub.s32 v6, v4;
	[tilespmem:s4+$0x2500] =	vst.msk vm0, v7  }
0xbf: {  	[tilespmem:s4+$0x2700] =	vst.msk vm0, v6  }
0xc0: {  	v6 =	vld [tilespmem:$0x23F0];
	_ =	sdelay $0x1  }
0xc1: {  	v7 =	vld [tilespmem:$0x21F0];
	_ =	sdelay $0x2  }
0xc2: {  	s12 =	spop (v2sf);
	vm8 =	vge.s32 v6, v4;
	vm9 =	vlt.s32 v6, v5  }
0xc3: {  	s4 =	sadd.s32 s4, s12;
	vm0 =	vmand vm8, vm9  }
0xc4: {  	v6 =	vsub.s32 v6, v4;
	[tilespmem:s4+$0x2500] =	vst.msk vm0, v7;
	v7 =	vmpcnt.ones.xlane vm0  }
0xc5: {  	[tilespmem:s4+$0x2700] =	vst.msk vm0, v6  }
0xc6: {  	(v2sf) =	vpush v7, $0x0;
	v6 =	vld [tilespmem:$0x2400];
	_ =	sdelay $0x4  }
0xc7: {  	vm10 =	vge.s32 v6, v4;
	vm11 =	vlt.s32 v6, v5  }
0xc8: {  	vm0 =	vmand vm10, vm11  }
0xc9: {  	v7 =	vmpcnt.ones.xlane vm0;
	_ =	sdelay $0x1  }
0xca: {  	(v2sf) =	vpush v7, $0x0;
	_ =	sdelay $0x2  }
0xcb: {  	v7 =	vld [tilespmem:$0x2200];
	_ =	sdelay $0x2  }
0xcc: {  	s13 =	spop (v2sf)  }
0xcd: {  	s4 =	sadd.s32 s4, s13  }
0xce: {  	v6 =	vsub.s32 v6, v4;
	[tilespmem:s4+$0x2500] =	vst.msk vm0, v7  }
0xcf: {  	[tilespmem:s4+$0x2700] =	vst.msk vm0, v6  }
0xd0: {  	v6 =	vld [tilespmem:$0x2410];
	_ =	sdelay $0x1  }
0xd1: {  	v7 =	vld [tilespmem:$0x2210];
	_ =	sdelay $0x2  }
0xd2: {  	s15 =	spop (v2sf);
	vm12 =	vge.s32 v6, v4;
	vm13 =	vlt.s32 v6, v5  }
0xd3: {  	s4 =	sadd.s32 s4, s15;
	vm0 =	vmand vm12, vm13  }
0xd4: {  	v6 =	vsub.s32 v6, v4;
	[tilespmem:s4+$0x2500] =	vst.msk vm0, v7;
	v7 =	vmpcnt.ones.xlane vm0  }
0xd5: {  	[tilespmem:s4+$0x2700] =	vst.msk vm0, v6  }
0xd6: {  	(v2sf) =	vpush v7, $0x0;
	v6 =	vld [tilespmem:$0x2420];
	_ =	sdelay $0x4  }
0xd7: {  	vm14 =	vge.s32 v6, v4;
	vm15 =	vlt.s32 v6, v5  }
0xd8: {  	vm0 =	vmand vm14, vm15  }
0xd9: {  	v7 =	vmpcnt.ones.xlane vm0;
	_ =	sdelay $0x1  }
0xda: {  	(v2sf) =	vpush v7, $0x0;
	_ =	sdelay $0x2  }
0xdb: {  	v7 =	vld [tilespmem:$0x2220];
	_ =	sdelay $0x2  }
0xdc: {  	s26 =	spop (v2sf)  }
0xdd: {  	s4 =	sadd.s32 s4, s26  }
0xde: {  	v6 =	vsub.s32 v6, v4;
	[tilespmem:s4+$0x2500] =	vst.msk vm0, v7  }
0xdf: {  	[tilespmem:s4+$0x2700] =	vst.msk vm0, v6  }
0xe0: {  	v6 =	vld [tilespmem:$0x2430];
	_ =	sdelay $0x1  }
0xe1: {  	v7 =	vld [tilespmem:$0x2230];
	_ =	sdelay $0x2  }
0xe2: {  	s28 =	spop (v2sf);
	vm4 =	vge.s32 v6, v4;
	vm5 =	vlt.s32 v6, v5  }
0xe3: {  	s4 =	sadd.s32 s4, s28;
	vm0 =	vmand vm4, vm5  }
0xe4: {  	v6 =	vsub.s32 v6, v4;
	[tilespmem:s4+$0x2500] =	vst.msk vm0, v7;
	v7 =	vmpcnt.ones.xlane vm0  }
0xe5: {  	[tilespmem:s4+$0x2700] =	vst.msk vm0, v6  }
0xe6: {  	(v2sf) =	vpush v7, $0x0;
	v6 =	vld [tilespmem:$0x2440];
	_ =	sdelay $0x4  }
0xe7: {  	vm6 =	vge.s32 v6, v4;
	vm7 =	vlt.s32 v6, v5  }
0xe8: {  	vm0 =	vmand vm6, vm7  }
0xe9: {  	v7 =	vmpcnt.ones.xlane vm0;
	_ =	sdelay $0x1  }
0xea: {  	(v2sf) =	vpush v7, $0x0;
	_ =	sdelay $0x2  }
0xeb: {  	v7 =	vld [tilespmem:$0x2240];
	_ =	sdelay $0x2  }
0xec: {  	s8 =	spop (v2sf)  }
0xed: {  	s4 =	sadd.s32 s4, s8  }
0xee: {  	v6 =	vsub.s32 v6, v4;
	[tilespmem:s4+$0x2500] =	vst.msk vm0, v7  }
0xef: {  	[tilespmem:s4+$0x2700] =	vst.msk vm0, v6  }
0xf0: {  	v6 =	vld [tilespmem:$0x2450];
	_ =	sdelay $0x1  }
0xf1: {  	v7 =	vld [tilespmem:$0x2250];
	_ =	sdelay $0x2  }
0xf2: {  	s12 =	spop (v2sf);
	vm8 =	vge.s32 v6, v4;
	vm9 =	vlt.s32 v6, v5  }
0xf3: {  	s4 =	sadd.s32 s4, s12;
	vm0 =	vmand vm8, vm9  }
0xf4: {  	v6 =	vsub.s32 v6, v4;
	[tilespmem:s4+$0x2500] =	vst.msk vm0, v7;
	v7 =	vmpcnt.ones.xlane vm0  }
0xf5: {  	[tilespmem:s4+$0x2700] =	vst.msk vm0, v6  }
0xf6: {  	(v2sf) =	vpush v7, $0x0;
	v6 =	vld [tilespmem:$0x2460];
	_ =	sdelay $0x4  }
0xf7: {  	vm10 =	vge.s32 v6, v4;
	vm11 =	vlt.s32 v6, v5  }
0xf8: {  	vm0 =	vmand vm10, vm11  }
0xf9: {  	v7 =	vmpcnt.ones.xlane vm0;
	_ =	sdelay $0x1  }
0xfa: {  	(v2sf) =	vpush v7, $0x0;
	_ =	sdelay $0x2  }
0xfb: {  	v7 =	vld [tilespmem:$0x2260];
	_ =	sdelay $0x2  }
0xfc: {  	s13 =	spop (v2sf)  }
0xfd: {  	s4 =	sadd.s32 s4, s13  }
0xfe: {  	v6 =	vsub.s32 v6, v4;
	[tilespmem:s4+$0x2500] =	vst.msk vm0, v7  }
0xff: {  	[tilespmem:s4+$0x2700] =	vst.msk vm0, v6  }
0x100: {  	v6 =	vld [tilespmem:$0x2470];
	_ =	sdelay $0x1  }
0x101: {  	v7 =	vld [tilespmem:$0x2270];
	_ =	sdelay $0x2  }
0x102: {  	s15 =	spop (v2sf);
	vm12 =	vge.s32 v6, v4;
	vm13 =	vlt.s32 v6, v5  }
0x103: {  	s4 =	sadd.s32 s4, s15;
	vm0 =	vmand vm12, vm13  }
0x104: {  	v6 =	vsub.s32 v6, v4;
	[tilespmem:s4+$0x2500] =	vst.msk vm0, v7  }
0x105: {  	[tilespmem:s4+$0x2700] =	vst.msk vm0, v6  }
0x106: {  	v6 =	vld [tilespmem:$0x2480];
	_ =	sdelay $0x4  }
0x107: {  	v7 =	vmpcnt.ones.xlane vm0;
	vm14 =	vge.s32 v6, v4;
	vm15 =	vlt.s32 v6, v5  }
0x108: {  	vm0 =	vmand vm14, vm15  }
0x109: {  	(v2sf) =	vpush v7, $0x0;
	v7 =	vmpcnt.ones.xlane vm0;
	_ =	sdelay $0x1  }
0x10a: {  	(v2sf) =	vpush v7, $0x0;
	_ =	sdelay $0x9  }
0x10b: {  	v7 =	vld [tilespmem:$0x2280];
	_ =	sdelay $0x2  }
0x10c: {  	s26 =	spop (v2sf)  }
0x10d: {  	s4 =	sadd.s32 s4, s26  }
0x10e: {  	v6 =	vsub.s32 v6, v4;
	[tilespmem:s4+$0x2500] =	vst.msk vm0, v7;
	s28 =	spop (v2sf)  }
0x10f: {  	[tilespmem:s4+$0x2700] =	vst.msk vm0, v6;
	s26 =	sadd.s32 s4, s28  }
0x110: {  	[tilespmem:s26+$0x2500] =	vst v1  }
0x111: {  	[tilespmem:s26+$0x2700] =	vst v2  }
0x112: {  	[tilespmem:s26+$0x2510] =	vst v1  }
0x113: {  	[tilespmem:s26+$0x2710] =	vst v2  }
0x114: {  	[tilespmem:s26+$0x2520] =	vst v1  }
.Ltmp3:
0x115: {  	[tilespmem:s26+$0x2720] =	vst v2;
	(pc) =	sbr.rel .LBB2_6-.Ltmp3, $4  }
0x116: {  	[tilespmem:s26+$0x2530] =	vst v1  }
0x117: {  	[tilespmem:s26+$0x2730] =	vst v2  }
0x118: {  	[tilespmem:s26+$0x2540] =	vst v1  }
0x119: {  	s6 =	simm.s32 $0x0;
	s15 =	simm.s32 $0x2D80;
	[tilespmem:s26+$0x2740] =	vst v2  }
.LBB2_10:
0x11a: {  	s6 =	sadd.s32 $0x1, s6  }
0x11b: {  	p1 =	sne.s32 s6, $0x5  }
.Ltmp4:
0x11c: {  	_ = 	snop;
	(pc) =	sbr.rel @!p1 .LBB2_11-.Ltmp4, $2  }
0x11d: {  	_ =	sdelay $0x2  }
0x11e: {  	s17 =	sadd.s32 $0x50, s17;
	s11 =	sadd.s32 $0x50, s11;
	s15 =	sadd.s32 $0x2800, s15  }
.LBB2_6:
0x11f: {  	s4 =	smul.u32 $0x50, s6;
	_ =	sdelay $0x1  }
0x120: {  	p1 =	sge.s32 s4, s26  }
.Ltmp5:
0x121: {  	_ = 	snop;
	(pc) =	sbr.rel @p1 .LBB2_10-.Ltmp5, $1  }
0x122: {  	_ =	sdelay $0x3  }
0x123: {  	v6 =	vld [tilespmem:s4+$0x2700];
	_ =	sdelay $0x4  }
0x124: {  	[tilespmem:$0x2900] =	vst v6  }
0x125: {  	v6 =	vld [tilespmem:s4+$0x2710];
	_ =	sdelay $0x4  }
0x126: {  	[tilespmem:$0x2910] =	vst v6  }
0x127: {  	v6 =	vld [tilespmem:s4+$0x2720];
	_ =	sdelay $0x4  }
0x128: {  	[tilespmem:$0x2920] =	vst v6  }
0x129: {  	v6 =	vld [tilespmem:s4+$0x2730];
	_ =	sdelay $0x4  }
0x12a: {  	[tilespmem:$0x2930] =	vst v6  }
0x12b: {  	v6 =	vld [tilespmem:s4+$0x2740];
	_ =	sdelay $0x1  }
0x12c: {  	s8 =	smul.u32 $0xA000, s6;
	_ =	sdelay $0x1  }
0x12d: {  	s8 =	sshra.s32 s8, $0x2  }
0x12e: {  	s13 =	sadd.s32 $0x2500, s4;
	s8 =	sadd.s32 $0x2980, s8;
	[tilespmem:$0x2940] =	vst v6  }
0x12f: {  	v6 =	vmov s11;
	[tilespmem:s8], [sflag:$0x1] =	stream.indirect.gather [hbm4b:s7+s23], $0x80, s13, s23, $0xb8;
	[tilespmem:$0x1F840] =	vst v63  }
0x130: {  	_ =	swait.ge [sflag:s24], $0x2800  }
0x131: {  	s28 =	smov.u32 s15;
	[sflag:s24] =	ssyncset.done $0x0  }
0x132: {  	s4 =	smov.u32 s17;
	s13 =	simm.s32 $0x0;
	[sflag:s24] =	ssyncadd.s32 $0xFFFFD800  }
.LBB2_8:
0x133: {  	v7 =	vmov s4;
	s12 =	sshra.s32 s13, $0x2  }
0x134: {  	v7 =	vshll.u32 v7, $0x7;
	v8 =	vld.idx.msk [tilespmem:v6+s12+$0x0 ss:$0x1], $0xffff  }
0x135: {  	v7 =	vor.u32 v3, v7  }
0x136: {  	v7 =	vor.u32 $0x33, v7;
	_ =	sdelay $0x4  }
0x137: {  	v7 =	vld.idx.msk [tilespmem:v7+s18+$0x0], $0xffff  }
0x138: {  	v8 =	vld.idx.msk [tilespmem:v8+s2+$0x0], $0xffff;
	_ =	sdelay $0x4  }
0x139: {  	v7 =	vadd.f32 v8, v7;
	_ =	sdelay $0x1  }
0x13a: {  	v8 =	vmul.f32 $2.000000030e-01, v7  }
0x13b: {  	vm0 =	vgt.f32 v7, $0.0e+00  }
0x13c: {  	v7 =	vsel vm0, v7, v8  }
0x13d: {  	v7 =	vmin.f32 v7, $6.000000000e+01  }
0x13e: {  	v7 =	vmul.f32 $1.442695020e+00, v7;
	_ =	sdelay $0x1  }
0x13f: {  	(erf) = vpow2.f32 v7;
	_ =	sdelay $0x6  }
0x140: {  	v8 =	vld [tilespmem:s28+$0xFFFFFC00]  }
0x141: {  	v9 =	vld [tilespmem:s28+$0xFFFFFC80]  }
0x142: {  	v12 =	vld [tilespmem:s28+$0xFFFFFD80];
	v7 =	vpop (erf)  }
0x143: {  	v10 =	vld [tilespmem:s28+$0xFFFFFD00];
	v11 =	vbroadcast v7, $0x0  }
0x144: {  	v16 =	vld [tilespmem:s28+$0xFFFFFE80];
	v13 =	vbroadcast v7, $0x1  }
0x145: {  	v14 =	vld [tilespmem:s28+$0xFFFFFE00];
	v17 =	vbroadcast v7, $0x3;
	v8 =	vmul.f32 v11, v8  }
0x146: {  	v18 =	vld [tilespmem:s28+$0xFFFFFF00];
	v15 =	vbroadcast v7, $0x2;
	v9 =	vmul.f32 v9, v13  }
0x147: {  	v19 =	vld [tilespmem:s28+$0xFFFFFF80];
	v41 =	vbroadcast v7, $0x5;
	v40 =	vmul.f32 v12, v17;
	[tilespmem:s28+$0xFFFFFC00] =	vst v8  }
0x148: {  	v20 =	vld [tilespmem:s28+$0xFFFFFC10];
	v39 =	vbroadcast v7, $0x4;
	v8 =	vmul.f32 v10, v15;
	[tilespmem:s28+$0xFFFFFC80] =	vst v9  }
0x149: {  	v21 =	vld [tilespmem:s28+$0xFFFFFC90];
	v42 =	vbroadcast v7, $0x6;
	v43 =	vmul.f32 v16, v41;
	[tilespmem:s28+$0xFFFFFD80] =	vst v40  }
0x14a: {  	v22 =	vld [tilespmem:s28+$0xFFFFFD10];
	v44 =	vbroadcast v7, $0x7;
	[tilespmem:s28+$0xFFFFFD00] =	vst v8;
	v8 =	vmul.f32 v14, v39  }
0x14b: {  	v49 =	vld [tilespmem:s28+$0xFFFFFF90];
	v18 =	vmul.f32 v18, v42;
	[tilespmem:s28+$0xFFFFFE80] =	vst v43  }
0x14c: {  	v19 =	vmul.f32 v19, v44;
	[tilespmem:s28+$0xFFFFFE00] =	vst v8;
	v8 =	vld [tilespmem:s28+$0xFFFFFD90]  }
0x14d: {  	v62 =	vld [tilespmem:s28+$0xFFFFFF30];
	v20 =	vmul.f32 v11, v20;
	[tilespmem:s28+$0xFFFFFF00] =	vst v18  }
0x14e: {  	v24 =	vld [tilespmem:s28+$0x100];
	v21 =	vmul.f32 v21, v13;
	[tilespmem:s28+$0xFFFFFF80] =	vst v19  }
0x14f: {  	v45 =	vld [tilespmem:s28+$0xFFFFFE10];
	v48 =	vmul.f32 v22, v15;
	[tilespmem:s28+$0xFFFFFC10] =	vst v20  }
0x150: {  	v46 =	vld [tilespmem:s28+$0xFFFFFE90];
	v22 =	vmul.f32 v49, v44;
	[tilespmem:s28+$0xFFFFFC90] =	vst v21  }
0x151: {  	v47 =	vld [tilespmem:s28+$0xFFFFFF10];
	v31 =	vbroadcast v7, $0xA;
	[tilespmem:s28+$0xFFFFFD10] =	vst v48;
	v8 =	vmul.f32 v8, v17  }
0x152: {  	v50 =	vld [tilespmem:s28+$0xFFFFFC20];
	v25 =	vmul.f32 v62, v42;
	[tilespmem:s28+$0xFFFFFF90] =	vst v22  }
0x153: {  	v35 =	vmul.f32 v24, v31;
	[tilespmem:s28+$0xFFFFFD90] =	vst v8;
	v8 =	vld [tilespmem:s28+$0xFFFFFD20]  }
0x154: {  	v51 =	vld [tilespmem:s28+$0xFFFFFCA0];
	v9 =	vmul.f32 v45, v39;
	[tilespmem:s28+$0xFFFFFF30] =	vst v25  }
0x155: {  	v55 =	vld [tilespmem:s28+$0xFFFFFF20];
	v18 =	vmul.f32 v46, v41;
	[tilespmem:s28+$0x100] =	vst v35  }
0x156: {  	v57 =	vld [tilespmem:s28+$0xFFFFFC30];
	v19 =	vmul.f32 v47, v42;
	[tilespmem:s28+$0xFFFFFE10] =	vst v9  }
0x157: {  	v52 =	vld [tilespmem:s28+$0xFFFFFDA0];
	v21 =	vmul.f32 v11, v50;
	[tilespmem:s28+$0xFFFFFE90] =	vst v18  }
0x158: {  	v53 =	vld [tilespmem:s28+$0xFFFFFE20];
	[tilespmem:s28+$0xFFFFFF10] =	vst v19;
	v8 =	vmul.f32 v8, v15  }
0x159: {  	v54 =	vld [tilespmem:s28+$0xFFFFFEA0];
	v20 =	vmul.f32 v51, v13;
	[tilespmem:s28+$0xFFFFFC20] =	vst v21  }
0x15a: {  	v22 =	vmul.f32 v55, v42;
	[tilespmem:s28+$0xFFFFFD20] =	vst v8;
	v8 =	vld [tilespmem:s28+$0xFFFFFCB0]  }
0x15b: {  	v56 =	vld [tilespmem:s28+$0xFFFFFFA0];
	v11 =	vmul.f32 v11, v57;
	[tilespmem:s28+$0xFFFFFCA0] =	vst v20  }
0x15c: {  	v59 =	vld [tilespmem:s28+$0xFFFFFDB0];
	v9 =	vmul.f32 v52, v17;
	[tilespmem:s28+$0xFFFFFF20] =	vst v22  }
0x15d: {  	v60 =	vld [tilespmem:s28+$0xFFFFFE30];
	v18 =	vmul.f32 v53, v39;
	[tilespmem:s28+$0xFFFFFC30] =	vst v11  }
0x15e: {  	v61 =	vld [tilespmem:s28+$0xFFFFFEB0];
	v19 =	vmul.f32 v54, v41;
	[tilespmem:s28+$0xFFFFFDA0] =	vst v9  }
0x15f: {  	v38 =	vld [tilespmem:s28+$0x10];
	[tilespmem:s28+$0xFFFFFE20] =	vst v18;
	v8 =	vmul.f32 v8, v13  }
0x160: {  	v63 =	vld [tilespmem:s28+$0xFFFFFFB0];
	v21 =	vmul.f32 v56, v44;
	[tilespmem:s28+$0xFFFFFEA0] =	vst v19  }
0x161: {  	v58 =	vld [tilespmem:s28+$0xFFFFFD30];
	[tilespmem:s28+$0xFFFFFCB0] =	vst v8;
	v8 =	vmul.f32 v59, v17  }
0x162: {  	v23 =	vld [tilespmem:s28+$0x80];
	v26 =	vbroadcast v7, $0x8;
	v22 =	vmul.f32 v60, v39;
	[tilespmem:s28+$0xFFFFFFA0] =	vst v21  }
0x163: {  	v34 =	vld [tilespmem:s28+$0x300];
	v28 =	vbroadcast v7, $0x9;
	[tilespmem:s28+$0xFFFFFDB0] =	vst v8;
	v8 =	vmul.f32 v61, v41  }
0x164: {  	v27 =	vld [tilespmem:s28+$0x180];
	v33 =	vbroadcast v7, $0xB;
	v20 =	vmul.f32 v38, v26;
	[tilespmem:s28+$0xFFFFFE30] =	vst v22  }
0x165: {  	v37 =	vld [tilespmem:s28+$0x380];
	v36 =	vbroadcast v7, $0xC;
	[tilespmem:s28+$0xFFFFFEB0] =	vst v8;
	v8 =	vmul.f32 v63, v44  }
0x166: {  	v42 =	vbroadcast v7, $0xE;
	v47 =	vld [tilespmem:s28+$0x390];
	v9 =	vmul.f32 v58, v15;
	[tilespmem:s28+$0x10] =	vst v20  }
0x167: {  	v57 =	vld [tilespmem:s28+$0x1B0];
	v39 =	vbroadcast v7, $0xD;
	[tilespmem:s28+$0xFFFFFFB0] =	vst v8;
	v8 =	vmul.f32 v23, v28  }
0x168: {  	v43 =	vld [tilespmem:s28+$0x190];
	v7 =	vbroadcast v7, $0xF;
	v18 =	vmul.f32 v34, v42;
	[tilespmem:s28+$0xFFFFFD30] =	vst v9  }
0x169: {  	v45 =	vld [tilespmem:s28+$0x290];
	[tilespmem:s28+$0x80] =	vst v8;
	v8 =	vmul.f32 v27, v33  }
0x16a: {  	v46 =	vld [tilespmem:s28+$0x310];
	v19 =	vmul.f32 v37, v7;
	[tilespmem:s28+$0x300] =	vst v18  }
0x16b: {  	v20 =	vmul.f32 v47, v7;
	[tilespmem:s28+$0x180] =	vst v8;
	v8 =	vld [tilespmem:s28+$0x110]  }
0x16c: {  	v53 =	vld [tilespmem:s28+$0x320];
	v62 =	vmul.f32 v57, v33;
	[tilespmem:s28+$0x380] =	vst v19  }
0x16d: {  	v49 =	vld [tilespmem:s28+$0x120];
	v9 =	vmul.f32 v43, v33;
	[tilespmem:s28+$0x390] =	vst v20  }
0x16e: {  	v51 =	vld [tilespmem:s28+$0x220];
	v18 =	vmul.f32 v45, v39;
	[tilespmem:s28+$0x1B0] =	vst v62  }
0x16f: {  	v52 =	vld [tilespmem:s28+$0x2A0];
	v19 =	vmul.f32 v46, v42;
	[tilespmem:s28+$0x190] =	vst v9  }
0x170: {  	v21 =	vld [tilespmem:s28+$0x0];
	[tilespmem:s28+$0x290] =	vst v18;
	v8 =	vmul.f32 v8, v31  }
0x171: {  	v40 =	vld [tilespmem:s28+$0x90];
	v20 =	vmul.f32 v53, v42;
	[tilespmem:s28+$0x310] =	vst v19  }
0x172: {  	v9 =	vmul.f32 v49, v31;
	[tilespmem:s28+$0x110] =	vst v8;
	v8 =	vld [tilespmem:s28+$0xA0]  }
0x173: {  	v48 =	vld [tilespmem:s28+$0x20];
	v18 =	vmul.f32 v51, v36;
	[tilespmem:s28+$0x320] =	vst v20  }
0x174: {  	v55 =	vld [tilespmem:s28+$0xB0];
	v19 =	vmul.f32 v52, v39;
	[tilespmem:s28+$0x120] =	vst v9  }
0x175: {  	v54 =	vld [tilespmem:s28+$0x3A0];
	v30 =	vmul.f32 v21, v26;
	[tilespmem:s28+$0x220] =	vst v18  }
0x176: {  	v32 =	vld [tilespmem:s28+$0x280];
	v21 =	vmul.f32 v40, v28;
	[tilespmem:s28+$0x2A0] =	vst v19  }
0x177: {  	v29 =	vld [tilespmem:s28+$0x200];
	[tilespmem:s28+$0x0] =	vst v30;
	v8 =	vmul.f32 v8, v28  }
0x178: {  	[tilespmem:s28+$0x90] =	vst v21;
	v21 =	vmul.f32 v48, v26;
	v59 =	vld [tilespmem:s28+$0x2B0]  }
0x179: {  	v9 =	vmul.f32 v55, v28;
	[tilespmem:s28+$0xA0] =	vst v8;
	v8 =	vld [tilespmem:s28+$0x30]  }
0x17a: {  	[tilespmem:s28+$0x20] =	vst v21;
	v21 =	vmul.f32 v54, v7;
	v61 =	vld [tilespmem:s28+$0x3B0]  }
0x17b: {  	v56 =	vld [tilespmem:s28+$0x130];
	[tilespmem:s28+$0xB0] =	vst v9;
	v17 =	vmul.f32 v32, v39  }
0x17c: {  	[tilespmem:s28+$0x3A0] =	vst v21;
	v41 =	vmul.f32 v29, v36;
	v44 =	vld [tilespmem:s28+$0x210]  }
0x17d: {  	v58 =	vld [tilespmem:s28+$0x230];
	[tilespmem:s28+$0x280] =	vst v17;
	v63 =	vmul.f32 v59, v39  }
0x17e: {  	v50 =	vld [tilespmem:s28+$0x1A0];
	[tilespmem:s28+$0x200] =	vst v41;
	v8 =	vmul.f32 v8, v26  }
0x17f: {  	v60 =	vld [tilespmem:s28+$0x330];
	[tilespmem:s28+$0x2B0] =	vst v63;
	v7 =	vmul.f32 v61, v7  }
0x180: {  	[tilespmem:s28+$0x30] =	vst v8;
	v8 =	vmul.f32 v56, v31  }
0x181: {  	p1 =	sne.s32 s13, $0x100;
	v17 =	vmul.f32 v44, v36;
	[tilespmem:s28+$0x3B0] =	vst v7  }
.Ltmp6:
0x182: {  	[tilespmem:s28+$0x130] =	vst v8;
	v8 =	vmul.f32 v58, v36;
	(pc) =	sbr.rel @p1 .LBB2_8-.Ltmp6, $4  }
0x183: {  	[tilespmem:s28+$0x210] =	vst v17;
	v17 =	vmul.f32 v50, v33  }
0x184: {  	[tilespmem:s28+$0x230] =	vst v8;
	v8 =	vmul.f32 v60, v42  }
0x185: {  	[tilespmem:s28+$0x1A0] =	vst v17  }
0x186: {  	s4 =	sadd.s32 $0x10, s4;
	s13 =	sadd.s32 $0x40, s13;
	[tilespmem:s28+$0x330] =	vst v8;
	s28 =	sadd.s32 $0x800, s28  }
.Ltmp7:
0x187: {  	(pc) =	sbr.rel .LBB2_10-.Ltmp7, $4  }
0x188: {  	[spmem:s1] =	stream.indirect.scatter.add.f32 [tilespmem:s8], [sflag:$0x2], $0x80, s25, s23, $0xb8;
	[tilespmem:$0x1F840] =	vst v63  }
0x189: {  	_ =	swait.ge [sflag:s19], $0x2800  }
0x18a: {  	[sflag:s19] =	ssyncset.done $0x0  }
0x18b: {  	[sflag:s19] =	ssyncadd.s32 $0xFFFFD800  }
.LBB2_12:
0x18c: {  	s0 =	rddreg [dreg:$0x6]  }
0x18d: {  	s0 =	sadd.s32 s30, s0  }
0x18e: {  	p2 =	sge.u32 s0, s31  }
0x18f: {  	[bflag:$0x0] =	sbarrier.arrive $0xFFFF;
	s4 =	simm.s32 @!p2 $0x2980;
	s6 =	simm.s32 @!p2 $0x3  }
0x190: {  	[tilespmem:s4], [sflag:$0x3] =	stream.linear.gather @!p2 [spmem:s14], $0x6400, $0x38;
	[tilespmem:$0x1F840] =	vst v63  }
0x191: {  	_ =	swait.ge @!p2 [sflag:s6], $0x6400  }
0x192: {  	s0 =	sshll.u32 @!p2 s0, $0x4;
	[sflag:s6] =	ssyncset.done @!p2 $0x0  }
0x193: {  	s0 =	sadd.s32 @!p2 s9, s0;
	[sflag:s6] =	ssyncadd.s32 @!p2 $0xFFFF9C00;
	s6 =	simm.s32 @!p2 $0x0  }
0x194: {  	[hbm4b:s0+s6] =	stream.linear.scatter @!p2 [tilespmem:s4], [sflag:$0x2], $0x6400, $0x38;
	[tilespmem:$0x1F840] =	vst v63  }
0x195: {  	s0 =	simm.s32 @!p2 $0x2  }
0x196: {  	_ =	swait.ge @!p2 [sflag:s0], $0x6400  }
0x197: {  	s26 =	rddreg [dreg:$0x7]  }
0x198: {  	s4 =	sadd.s32 s30, s26  }
0x199: {  	[sflag:s0] =	ssyncset.done @!p2 $0x0;
	p1 =	sge.u32 s4, s31  }
0x19a: {  	[sflag:s0] =	ssyncadd.s32 @!p2 $0xFFFF9C00;
	s0 =	simm.s32 @!p1 $0x2980;
	s6 =	simm.s32 @!p1 $0x3  }
0x19b: {  	[tilespmem:s0], [sflag:$0x3] =	stream.linear.gather @!p1 [spmem:s16], $0x6400, $0x38;
	[tilespmem:$0x1F840] =	vst v63  }
0x19c: {  	s4 =	sshll.u32 @!p1 s4, $0x4;
	_ =	swait.ge @!p1 [sflag:s6], $0x6400  }
0x19d: {  	s4 =	sadd.s32 @!p1 s9, s4;
	[sflag:s6] =	ssyncset.done @!p1 $0x0  }
0x19e: {  	s28 =	rddreg [dreg:$0x9];
	[sflag:s6] =	ssyncadd.s32 @!p1 $0xFFFF9C00;
	s6 =	simm.s32 @!p1 $0x0  }
0x19f: {  	[hbm4b:s4+s6] =	stream.linear.scatter @!p1 [tilespmem:s0], [sflag:$0x2], $0x6400, $0x38;
	[tilespmem:$0x1F840] =	vst v63  }
0x1a0: {  	s0 =	simm.s32 @!p1 $0x2;
	s4 =	sadd.s32 s30, s28  }
0x1a1: {  	_ =	swait.ge @!p1 [sflag:s0], $0x6400;
	p2 =	sge.u32 @!p0 s4, s31  }
0x1a2: {  	[sflag:s0] =	ssyncset.done @!p1 $0x0;
	p2 =	por p2, p0;
	s8 =	rddreg [dreg:$0x8]  }
0x1a3: {  	[sflag:s0] =	ssyncadd.s32 @!p1 $0xFFFF9C00;
	s0 =	simm.s32 @!p2 $0x2980;
	s6 =	simm.s32 @!p2 $0x3  }
0x1a4: {  	[tilespmem:s0], [sflag:$0x3] =	stream.linear.gather @!p2 [spmem:s8], $0x6400, $0x38;
	[tilespmem:$0x1F840] =	vst v63  }
0x1a5: {  	_ =	swait.ge @!p2 [sflag:s6], $0x6400  }
0x1a6: {  	s4 =	sshll.u32 @!p2 s4, $0x4;
	[sflag:s6] =	ssyncset.done @!p2 $0x0  }
0x1a7: {  	s4 =	sadd.s32 @!p2 s9, s4;
	[sflag:s6] =	ssyncadd.s32 @!p2 $0xFFFF9C00;
	s6 =	simm.s32 @!p2 $0x0  }
0x1a8: {  	[hbm4b:s4+s6] =	stream.linear.scatter @!p2 [tilespmem:s0], [sflag:$0x2], $0x6400, $0x38;
	[tilespmem:$0x1F840] =	vst v63  }
0x1a9: {  	s0 =	simm.s32 @!p2 $0x2  }
0x1aa: {  	_ =	swait.ge @!p2 [sflag:s0], $0x6400  }
0x1ab: {  	[sflag:s0] =	ssyncset.done @!p2 $0x0  }
0x1ac: {  	s13 =	smov.u32 s14;
	s12 =	smov.u32 s16;
	[sflag:s0] =	ssyncadd.s32 @!p2 $0xFFFF9C00  }
0x1ad: {  	s4 =	simm.s32 $0x200;
	s0 =	simm.s32 $0x0;
	[bflag:$0x0] =	sbarrier.arrive $0xFFFF  }
.LBB2_13:
0x1ae: {  	p1 =	sne.s32 s4, $0x18E00;
	[tilespmem:s0+$0x29F0] =	vst v0  }
0x1af: {  	[tilespmem:s0+$0x2980] =	vst v0  }
0x1b0: {  	[tilespmem:s0+$0x2990] =	vst v0  }
.Ltmp8:
0x1b1: {  	[tilespmem:s0+$0x29A0] =	vst v0;
	(pc) =	sbr.rel @p1 .LBB2_13-.Ltmp8, $4  }
0x1b2: {  	[tilespmem:s0+$0x29B0] =	vst v0  }
0x1b3: {  	[tilespmem:s0+$0x29C0] =	vst v0  }
0x1b4: {  	[tilespmem:s0+$0x29D0] =	vst v0  }
0x1b5: {  	[tilespmem:s0+$0x29E0] =	vst v0;
	s0 =	sshra.s32 s4, $0x2;
	s4 =	sadd.s32 $0x200, s4  }
0x1b6: {  	[tilespmem:s0+$0x29F0] =	vst v0  }
0x1b7: {  	[tilespmem:s0+$0x2980] =	vst v0;
	s29 =	sadd.s32 $0x1, s29  }
0x1b8: {  	[tilespmem:s0+$0x2990] =	vst v0;
	p1 =	sne.s32 s29, $0x3  }
.Ltmp9:
0x1b9: {  	[tilespmem:s0+$0x29A0] =	vst v0;
	(pc) =	sbr.rel @p1 .LBB2_4-.Ltmp9, $4  }
0x1ba: {  	[tilespmem:s0+$0x29B0] =	vst v0  }
0x1bb: {  	[tilespmem:s0+$0x29C0] =	vst v0  }
0x1bc: {  	[tilespmem:s0+$0x29D0] =	vst v0  }
0x1bd: {  	[tilespmem:s0+$0x29E0] =	vst v0  }
0x1be: {  	s4 =	rddreg [dreg:$0xa]  }
0x1bf: {  	s0 =	rddreg [dreg:$0x5];
	s4 =	sadd.s32 $0x1, s4  }
0x1c0: {  	p1 =	sne.s32 s4, s0  }
.Ltmp10:
0x1c1: {  	_ = 	snop;
	(pc) =	sbr.rel @p1 .LBB2_1-.Ltmp10, $1  }
0x1c2: {  	_ =	sdelay $0x3  }
0x1c3: {  	_ =	sfence.sel $0x180000  }
0x1c4: {  	[bflag:$0x0] =	sbarrier.arrive $0xFFFF  }
0x1c5: {  	_ =	strace $0x90000047  }
0x1c6: {  	s0 =	stileid.u32;
	[bflag:$0x2] =	sbarrier.arrive $0xFFFF  }
0x1c7: {  	p0 =	sne.s32 s0, $0x0;
	s0 =	rddreg [dreg:$0x2]  }
0x1c8: {  	s0 =	sadd.s32 @!p0 $0x100000, s0  }
0x1c9: {  	[sflag:s0] =	ssyncadd.tile.s32 @!p0 $0x1;
	_ =	shalt  }
.Lfunc_end2:
_tile_overlayer_lowered:
.L_overlay_start_2:
0x1ca: {  	(tag) =	ssettag $0x2  }
0x1cb: {  	s0 =	rddreg [dreg:$0x0];
	s2 =	stileid.u32  }
0x1cc: {  	s1 =	rddreg [dreg:$0x1];
	p0 =	sne.s32 s2, $0x0  }
0x1cd: {  	s3 =	rddreg [dreg:$0x2];
	[bflag:$0x3] =	sbarrier.arrive $0xFFFF;
	s2 =	simm.s32 @!p0 $0x1C02  }
0x1ce: {  	[timem:s3], [sflag:s2] =	dma.local @!p0 [hbm:s0], s1  }
0x1cf: {  	s0 =	simm.s32 @!p0 $0x2  }
0x1d0: {  	_ =	swait.ge @!p0 [sflag:s0], s1  }
0x1d1: {  	s1 =	ssub.s32 @!p0 $0x0, s1;
	[sflag:s0] =	ssyncset.done @!p0 $0x0  }
0x1d2: {  	[sflag:s0] =	ssyncadd.s32 @!p0 s1  }
0x1d3: {  	[bflag:$0x3] =	sbarrier.arrive $0xFFFF  }
0x1d4: {  	_ =	shalt  }

</sc_bundles>
